<compile_context>
chip_gen: v7x
topology: tpu7x:2x2x1
jax: 0.10.2.dev20260603
libtpu: 0.0.44.dev20260713+nightly
codegen_flags: <defaults>
</compile_context>

<pallas_src>
import jax
import jax.numpy as jnp
from jax import lax
from jax.experimental import pallas as pl
from jax.experimental.pallas import tpu as pltpu
from jax.experimental.pallas import tpu_sc as plsc

K = 8192
D = 49
N = 4
NS = 16
CHUNK = K // NS
GROUPS = CHUNK // 16


def _sc_body(x_hbm, cbf_hbm, cb2_hbm, out_hbm,
             cb_v, x_v, stage_v, best_sh, all_v, rows_v):
    c = lax.axis_index("c")
    s = lax.axis_index("s")

    pltpu.sync_copy(cbf_hbm.at[pl.ds(s * (CHUNK * D), CHUNK * D)], cb_v)
    pltpu.sync_copy(x_hbm, x_v)

    q0 = 2 * c
    q1 = 2 * c + 1
    lane = lax.iota(jnp.int32, 16)
    lane_d = lane * D
    big = jnp.float32(jnp.inf)

    def xchunks(q):
        return [x_v[q, pl.ds(0, 16)], x_v[q, pl.ds(16, 16)],
                x_v[q, pl.ds(32, 16)], x_v[q, pl.ds(33, 16)]]

    xq0 = xchunks(q0)
    xq1 = xchunks(q1)

    def xscal(xq, d):
        if d < 48:
            return xq[d // 16][d % 16]
        return xq[3][15]

    def group_body(g, carry):
        bv0, bi0, bv1, bi1 = carry
        base = lane_d + g * (16 * D)
        cn = jnp.zeros((16,), jnp.float32)
        d0 = jnp.zeros((16,), jnp.float32)
        d1 = jnp.zeros((16,), jnp.float32)
        for d in range(D):
            cvec = plsc.load_gather(cb_v, [base + d])
            cn = cn + cvec * cvec
            d0 = d0 + cvec * xscal(xq0, d)
            d1 = d1 + cvec * xscal(xq1, d)
        dist0 = cn - 2.0 * d0
        dist1 = cn - 2.0 * d1
        rows = s * CHUNK + g * 16 + lane
        upd0 = dist0 < bv0
        upd1 = dist1 < bv1
        bv0 = jnp.where(upd0, dist0, bv0)
        bi0 = jnp.where(upd0, rows, bi0)
        bv1 = jnp.where(upd1, dist1, bv1)
        bi1 = jnp.where(upd1, rows, bi1)
        return bv0, bi0, bv1, bi1

    init = (jnp.full((16,), big), jnp.zeros((16,), jnp.int32),
            jnp.full((16,), big), jnp.zeros((16,), jnp.int32))
    bv0, bi0, bv1, bi1 = lax.fori_loop(0, GROUPS, group_body, init)

    stage_v[pl.ds(0, 16)] = bv0
    stage_v[pl.ds(16, 16)] = bv1
    stage_v[pl.ds(32, 16)] = plsc.bitcast(bi0, jnp.float32)
    stage_v[pl.ds(48, 16)] = plsc.bitcast(bi1, jnp.float32)
    pltpu.sync_copy(stage_v, best_sh.at[s])
    plsc.subcore_barrier()

    @pl.when(s == 0)
    def _finalize():
        pltpu.sync_copy(best_sh, all_v)
        winners = []
        for q in range(2):
            bv = all_v[0, pl.ds(q * 16, 16)]
            bi = plsc.bitcast(all_v[0, pl.ds(32 + q * 16, 16)], jnp.int32)
            for i in range(1, NS):
                v = all_v[i, pl.ds(q * 16, 16)]
                ix = plsc.bitcast(all_v[i, pl.ds(32 + q * 16, 16)], jnp.int32)
                upd = v < bv
                bv = jnp.where(upd, v, bv)
                bi = jnp.where(upd, ix, bi)
            m = jnp.min(bv)
            cand = jnp.where(bv == m, bi, jnp.int32(K))
            winners.append(jnp.min(cand))
        pltpu.sync_copy(cb2_hbm.at[pl.ds(winners[0], 1)], rows_v.at[pl.ds(0, 1)])
        pltpu.sync_copy(cb2_hbm.at[pl.ds(winners[1], 1)], rows_v.at[pl.ds(1, 1)])
        pltpu.sync_copy(rows_v.at[pl.ds(0, 2)], out_hbm.at[pl.ds(2 * c, 2)])


def kernel(x, codebook):
    cbf = jnp.reshape(codebook, (K * D,))
    mesh = plsc.VectorSubcoreMesh(core_axis_name="c", subcore_axis_name="s",
                                  num_cores=2, num_subcores=NS)
    call = pl.kernel(
        _sc_body,
        out_type=jax.ShapeDtypeStruct((N, D), jnp.float32),
        mesh=mesh,
        compiler_params=pltpu.CompilerParams(needs_layout_passes=False),
        scratch_types=[
            pltpu.VMEM((CHUNK * D,), jnp.float32),
            pltpu.VMEM((N, D), jnp.float32),
            pltpu.VMEM((128,), jnp.float32),
            pltpu.VMEM_SHARED((NS, 128), jnp.float32),
            pltpu.VMEM((NS, 128), jnp.float32),
            pltpu.VMEM((2, D), jnp.float32),
        ],
    )
    out = call(x, cbf, codebook)
    return jnp.reshape(out, (4, 7, 7))

# --- scband reference (transcript-rebuilt; emitter-appended) ---
"""Pipeline reference for scband-quantizer-87393994539746 (READ-ONLY COPY).

The authoritative reference and input builder live on the scoring server;
editing this copy changes nothing except your own understanding.
"""

import jax, jax.numpy as jnp
import numpy as np

K = 8192
D = 49

def setup_inputs(seed: int = 0) -> dict:
    key = jax.random.key(seed)
    k1, k2 = jax.random.split(key)
    x = jax.random.normal(k1, (4, D), dtype=jnp.float32)
    # variance_scaling(scale=1.0, mode='fan_in', distribution='uniform') on (K, D): fan_in = D
    lim = float(np.sqrt(3.0 / D))
    codebook = jax.random.uniform(k2, (K, D), minval=-lim, maxval=lim, dtype=jnp.float32)
    return {"x": x, "codebook": codebook}

def reference(x, codebook):
    Dd = codebook.shape[1]
    flattened_x = jnp.reshape(x, (-1, Dd))
    a_squared = jnp.sum(flattened_x ** 2, axis=-1, keepdims=True)
    b_squared = jnp.transpose(jnp.sum(codebook ** 2, axis=-1, keepdims=True))
    distance = a_squared + b_squared - 2 * jnp.matmul(flattened_x, jnp.transpose(codebook))
    encoding_indices = jnp.reshape(jnp.argmin(distance, axis=-1), x.shape[0])
    z_q = codebook[encoding_indices]
    z_q = flattened_x + jax.lax.stop_gradient(z_q - flattened_x)
    z_q = jnp.reshape(z_q, (4, 7, 7))
    return z_q

if __name__ == "__main__":
    import jax
    _d = setup_inputs()
    print(jax.jit(kernel)(*tuple(_d.values())))

</pallas_src>

<mosaic_0001>
#map = affine_map<(d0, d1) -> (0, 0)>
#map1 = affine_map<(d0, d1) -> (0)>
module attributes {stable_mosaic.version = 14 : i64} {
  func.func @_sc_body(%arg0: i32, %arg1: i32, %arg2: memref<4x49xf32, #tpu.memory_space<hbm>>, %arg3: memref<401408xf32, #tpu.memory_space<hbm>>, %arg4: memref<8192x49xf32, #tpu.memory_space<hbm>>, %arg5: memref<4x49xf32, #tpu.memory_space<hbm>>, %arg6: memref<25088xf32, #tpu.memory_space<vmem>>, %arg7: memref<4x49xf32, #tpu.memory_space<vmem>>, %arg8: memref<128xf32, #tpu.memory_space<vmem>>, %arg9: memref<16x128xf32, #tpu.memory_space<vmem_shared>>, %arg10: memref<16x128xf32, #tpu.memory_space<vmem>>, %arg11: memref<2x49xf32, #tpu.memory_space<vmem>>) attributes {dimension_semantics = [#tpu.dimension_semantics<core_parallel>, #tpu.dimension_semantics<subcore_parallel>], iteration_bounds = array<i64: 2, 16>, scalar_prefetch = 0 : i64, scratch_operands = 6 : i64, tpu.core_type = #tpu.core_type<sc_vector_subcore>, window_params = [{transform_indices = #map}, {transform_indices = #map1}, {transform_indices = #map}, {transform_indices = #map}]} {
    %mul3A = arith.constant 25088 : i32
    %mul3A_0 = arith.muli %arg1, %mul3A : i32
    "tpu.region"() ({
      %run_scoped3A = tpu.sem_alloc : memref<!tpu.dma_semaphore, #tpu.memory_space<semaphore_mem>>
      %dma_start3A = tpu.memref_slice %arg3[%mul3A_0] : memref<401408xf32, #tpu.memory_space<hbm>> -> memref<25088xf32, #tpu.memory_space<hbm>>
      %dma_start3A_54 = tpu.memref_slice %arg3[%mul3A_0] : memref<401408xf32, #tpu.memory_space<hbm>> -> memref<25088xf32, #tpu.memory_space<hbm>>
      tpu.enqueue_dma source(%dma_start3A_54 : memref<25088xf32, #tpu.memory_space<hbm>>) target(%arg6 : memref<25088xf32, #tpu.memory_space<vmem>>) target_semaphore(%run_scoped3A : memref<!tpu.dma_semaphore, #tpu.memory_space<semaphore_mem>>)
      %dma_wait3A = tpu.memref_slice %arg3[%mul3A_0] : memref<401408xf32, #tpu.memory_space<hbm>> -> memref<25088xf32, #tpu.memory_space<hbm>>
      %dma_wait3A_55 = tpu.memref_slice %arg3[%mul3A_0] : memref<401408xf32, #tpu.memory_space<hbm>> -> memref<25088xf32, #tpu.memory_space<hbm>>
      tpu.wait_dma2 semaphore(%run_scoped3A : memref<!tpu.dma_semaphore, #tpu.memory_space<semaphore_mem>>) src(%dma_wait3A_55 : memref<25088xf32, #tpu.memory_space<hbm>>) dst(%arg6 : memref<25088xf32, #tpu.memory_space<vmem>>)
      tpu.yield
    }) : () -> ()
    "tpu.region"() ({
      %run_scoped3A = tpu.sem_alloc : memref<!tpu.dma_semaphore, #tpu.memory_space<semaphore_mem>>
      tpu.enqueue_dma source(%arg2 : memref<4x49xf32, #tpu.memory_space<hbm>>) target(%arg7 : memref<4x49xf32, #tpu.memory_space<vmem>>) target_semaphore(%run_scoped3A : memref<!tpu.dma_semaphore, #tpu.memory_space<semaphore_mem>>)
      tpu.wait_dma2 semaphore(%run_scoped3A : memref<!tpu.dma_semaphore, #tpu.memory_space<semaphore_mem>>) src(%arg2 : memref<4x49xf32, #tpu.memory_space<hbm>>) dst(%arg7 : memref<4x49xf32, #tpu.memory_space<vmem>>)
      tpu.yield
    }) : () -> ()
    %mul3A_1 = arith.constant 2 : i32
    %mul3A_2 = arith.muli %mul3A_1, %arg0 : i32
    %mul3A_3 = arith.constant 2 : i32
    %mul3A_4 = arith.muli %mul3A_3, %arg0 : i32
    %add3A = arith.constant 1 : i32
    %add3A_5 = arith.addi %mul3A_4, %add3A : i32
    %iota3A = tpu.iota {dimensions = array<i32: 0>} : vector<16xi32>
    %mul3A_6 = arith.constant 49 : i32
    %mul3A_7 = vector.broadcast %mul3A_6 : i32 to vector<16xi32>
    %mul3A_8 = arith.muli %iota3A, %mul3A_7 : vector<16xi32>
    %get3A = arith.index_cast %mul3A_2 : i32 to index
    %get3A_9 = arith.constant 0 : index
    %get3A_10 = tpu.vector_load %arg7[%get3A, %get3A_9] {strides = array<i32>} : memref<4x49xf32, #tpu.memory_space<vmem>>, vector<16xf32>,
    %get3A_11 = arith.index_cast %mul3A_2 : i32 to index
    %get3A_12 = arith.constant 16 : index
    %get3A_13 = tpu.vector_load %arg7[%get3A_11, %get3A_12] {strides = array<i32>} : memref<4x49xf32, #tpu.memory_space<vmem>>, vector<16xf32>,
    %get3A_14 = arith.index_cast %mul3A_2 : i32 to index
    %get3A_15 = arith.constant 32 : index
    %get3A_16 = tpu.vector_load %arg7[%get3A_14, %get3A_15] {strides = array<i32>} : memref<4x49xf32, #tpu.memory_space<vmem>>, vector<16xf32>,
    %get3A_17 = arith.index_cast %mul3A_2 : i32 to index
    %get3A_18 = arith.constant 33 : index
    %get3A_19 = tpu.vector_load %arg7[%get3A_17, %get3A_18] {strides = array<i32>} : memref<4x49xf32, #tpu.memory_space<vmem>>, vector<16xf32>,
    %get3A_20 = arith.index_cast %add3A_5 : i32 to index
    %get3A_21 = arith.constant 0 : index
    %get3A_22 = tpu.vector_load %arg7[%get3A_20, %get3A_21] {strides = array<i32>} : memref<4x49xf32, #tpu.memory_space<vmem>>, vector<16xf32>,
    %get3A_23 = arith.index_cast %add3A_5 : i32 to index
    %get3A_24 = arith.constant 16 : index
    %get3A_25 = tpu.vector_load %arg7[%get3A_23, %get3A_24] {strides = array<i32>} : memref<4x49xf32, #tpu.memory_space<vmem>>, vector<16xf32>,
    %get3A_26 = arith.index_cast %add3A_5 : i32 to index
    %get3A_27 = arith.constant 32 : index
    %get3A_28 = tpu.vector_load %arg7[%get3A_26, %get3A_27] {strides = array<i32>} : memref<4x49xf32, #tpu.memory_space<vmem>>, vector<16xf32>,
    %get3A_29 = arith.index_cast %add3A_5 : i32 to index
    %get3A_30 = arith.constant 33 : index
    %get3A_31 = tpu.vector_load %arg7[%get3A_29, %get3A_30] {strides = array<i32>} : memref<4x49xf32, #tpu.memory_space<vmem>>, vector<16xf32>,
    %broadcast_in_dim3A = arith.constant 0x7F800000 : f32
    %broadcast_in_dim3A_32 = vector.broadcast %broadcast_in_dim3A : f32 to vector<16xf32>
    %broadcast_in_dim3A_33 = arith.constant 0 : i32
    %broadcast_in_dim3A_34 = vector.broadcast %broadcast_in_dim3A_33 : i32 to vector<16xi32>
    %broadcast_in_dim3A_35 = arith.constant 0x7F800000 : f32
    %broadcast_in_dim3A_36 = vector.broadcast %broadcast_in_dim3A_35 : f32 to vector<16xf32>
    %broadcast_in_dim3A_37 = arith.constant 0 : i32
    %broadcast_in_dim3A_38 = vector.broadcast %broadcast_in_dim3A_37 : i32 to vector<16xi32>
    %scan3A = arith.constant 0 : i32
    %scan3A_39 = arith.constant 32 : i32
    %scan3A_40 = arith.addi %scan3A, %scan3A_39 : i32
    %scan3A_41 = arith.constant 1 : i32
    %scan3A_42:4 = scf.for %scan3A_54 = %scan3A to %scan3A_40 step %scan3A_41 iter_args(%scan3A_55 = %broadcast_in_dim3A_32, %scan3A_56 = %broadcast_in_dim3A_34, %scan3A_57 = %broadcast_in_dim3A_36, %scan3A_58 = %broadcast_in_dim3A_38) -> (vector<16xf32>, vector<16xi32>, vector<16xf32>, vector<16xi32>)  : i32 {
      %mul3A_59 = arith.constant 784 : i32
      %mul3A_60 = arith.muli %scan3A_54, %mul3A_59 : i32
      %add3A_61 = vector.broadcast %mul3A_60 : i32 to vector<16xi32>
      %add3A_62 = arith.addi %mul3A_8, %add3A_61 : vector<16xi32>
      %broadcast_in_dim3A_63 = arith.constant 0.000000e+00 : f32
      %broadcast_in_dim3A_64 = vector.broadcast %broadcast_in_dim3A_63 : f32 to vector<16xf32>
      %broadcast_in_dim3A_65 = arith.constant 0.000000e+00 : f32
      %broadcast_in_dim3A_66 = vector.broadcast %broadcast_in_dim3A_65 : f32 to vector<16xf32>
      %broadcast_in_dim3A_67 = arith.constant 0.000000e+00 : f32
      %broadcast_in_dim3A_68 = vector.broadcast %broadcast_in_dim3A_67 : f32 to vector<16xf32>
      %add3A_69 = arith.constant 0 : i32
      %add3A_70 = vector.broadcast %add3A_69 : i32 to vector<16xi32>
      %add3A_71 = arith.addi %add3A_62, %add3A_70 : vector<16xi32>
      %gather3A = tpu.vector_load_idx %arg6[%add3A_71] : memref<25088xf32, #tpu.memory_space<vmem>>[vector<16xi32>], vector<16xf32>,
      %mul3A_72 = arith.mulf %gather3A, %gather3A : vector<16xf32>
      %add3A_73 = arith.addf %broadcast_in_dim3A_64, %mul3A_72 : vector<16xf32>
      %slice3A = vector.extract_strided_slice %get3A_10 {offsets = [0], sizes = [1], strides = [1]} : vector<16xf32> to vector<1xf32>
      %squeeze3A = vector.extract %slice3A[0] : f32 from vector<1xf32>
      %mul3A_74 = vector.broadcast %squeeze3A : f32 to vector<16xf32>
      %mul3A_75 = arith.mulf %gather3A, %mul3A_74 : vector<16xf32>
      %add3A_76 = arith.addf %broadcast_in_dim3A_66, %mul3A_75 : vector<16xf32>
      %slice3A_77 = vector.extract_strided_slice %get3A_22 {offsets = [0], sizes = [1], strides = [1]} : vector<16xf32> to vector<1xf32>
      %squeeze3A_78 = vector.extract %slice3A_77[0] : f32 from vector<1xf32>
      %mul3A_79 = vector.broadcast %squeeze3A_78 : f32 to vector<16xf32>
      %mul3A_80 = arith.mulf %gather3A, %mul3A_79 : vector<16xf32>
      %add3A_81 = arith.addf %broadcast_in_dim3A_68, %mul3A_80 : vector<16xf32>
      %add3A_82 = arith.constant 1 : i32
      %add3A_83 = vector.broadcast %add3A_82 : i32 to vector<16xi32>
      %add3A_84 = arith.addi %add3A_62, %add3A_83 : vector<16xi32>
      %gather3A_85 = tpu.vector_load_idx %arg6[%add3A_84] : memref<25088xf32, #tpu.memory_space<vmem>>[vector<16xi32>], vector<16xf32>,
      %mul3A_86 = arith.mulf %gather3A_85, %gather3A_85 : vector<16xf32>
      %add3A_87 = arith.addf %add3A_73, %mul3A_86 : vector<16xf32>
      %slice3A_88 = vector.extract_strided_slice %get3A_10 {offsets = [1], sizes = [1], strides = [1]} : vector<16xf32> to vector<1xf32>
      %squeeze3A_89 = vector.extract %slice3A_88[0] : f32 from vector<1xf32>
      %mul3A_90 = vector.broadcast %squeeze3A_89 : f32 to vector<16xf32>
      %mul3A_91 = arith.mulf %gather3A_85, %mul3A_90 : vector<16xf32>
      %add3A_92 = arith.addf %add3A_76, %mul3A_91 : vector<16xf32>
      %slice3A_93 = vector.extract_strided_slice %get3A_22 {offsets = [1], sizes = [1], strides = [1]} : vector<16xf32> to vector<1xf32>
      %squeeze3A_94 = vector.extract %slice3A_93[0] : f32 from vector<1xf32>
      %mul3A_95 = vector.broadcast %squeeze3A_94 : f32 to vector<16xf32>
      %mul3A_96 = arith.mulf %gather3A_85, %mul3A_95 : vector<16xf32>
      %add3A_97 = arith.addf %add3A_81, %mul3A_96 : vector<16xf32>
      %add3A_98 = arith.constant 2 : i32
      %add3A_99 = vector.broadcast %add3A_98 : i32 to vector<16xi32>
      %add3A_100 = arith.addi %add3A_62, %add3A_99 : vector<16xi32>
      %gather3A_101 = tpu.vector_load_idx %arg6[%add3A_100] : memref<25088xf32, #tpu.memory_space<vmem>>[vector<16xi32>], vector<16xf32>,
      %mul3A_102 = arith.mulf %gather3A_101, %gather3A_101 : vector<16xf32>
      %add3A_103 = arith.addf %add3A_87, %mul3A_102 : vector<16xf32>
      %slice3A_104 = vector.extract_strided_slice %get3A_10 {offsets = [2], sizes = [1], strides = [1]} : vector<16xf32> to vector<1xf32>
      %squeeze3A_105 = vector.extract %slice3A_104[0] : f32 from vector<1xf32>
      %mul3A_106 = vector.broadcast %squeeze3A_105 : f32 to vector<16xf32>
      %mul3A_107 = arith.mulf %gather3A_101, %mul3A_106 : vector<16xf32>
      %add3A_108 = arith.addf %add3A_92, %mul3A_107 : vector<16xf32>
      %slice3A_109 = vector.extract_strided_slice %get3A_22 {offsets = [2], sizes = [1], strides = [1]} : vector<16xf32> to vector<1xf32>
      %squeeze3A_110 = vector.extract %slice3A_109[0] : f32 from vector<1xf32>
      %mul3A_111 = vector.broadcast %squeeze3A_110 : f32 to vector<16xf32>
      %mul3A_112 = arith.mulf %gather3A_101, %mul3A_111 : vector<16xf32>
      %add3A_113 = arith.addf %add3A_97, %mul3A_112 : vector<16xf32>
      %add3A_114 = arith.constant 3 : i32
      %add3A_115 = vector.broadcast %add3A_114 : i32 to vector<16xi32>
      %add3A_116 = arith.addi %add3A_62, %add3A_115 : vector<16xi32>
      %gather3A_117 = tpu.vector_load_idx %arg6[%add3A_116] : memref<25088xf32, #tpu.memory_space<vmem>>[vector<16xi32>], vector<16xf32>,
      %mul3A_118 = arith.mulf %gather3A_117, %gather3A_117 : vector<16xf32>
      %add3A_119 = arith.addf %add3A_103, %mul3A_118 : vector<16xf32>
      %slice3A_120 = vector.extract_strided_slice %get3A_10 {offsets = [3], sizes = [1], strides = [1]} : vector<16xf32> to vector<1xf32>
      %squeeze3A_121 = vector.extract %slice3A_120[0] : f32 from vector<1xf32>
      %mul3A_122 = vector.broadcast %squeeze3A_121 : f32 to vector<16xf32>
      %mul3A_123 = arith.mulf %gather3A_117, %mul3A_122 : vector<16xf32>
      %add3A_124 = arith.addf %add3A_108, %mul3A_123 : vector<16xf32>
      %slice3A_125 = vector.extract_strided_slice %get3A_22 {offsets = [3], sizes = [1], strides = [1]} : vector<16xf32> to vector<1xf32>
      %squeeze3A_126 = vector.extract %slice3A_125[0] : f32 from vector<1xf32>
      %mul3A_127 = vector.broadcast %squeeze3A_126 : f32 to vector<16xf32>
      %mul3A_128 = arith.mulf %gather3A_117, %mul3A_127 : vector<16xf32>
      %add3A_129 = arith.addf %add3A_113, %mul3A_128 : vector<16xf32>
      %add3A_130 = arith.constant 4 : i32
      %add3A_131 = vector.broadcast %add3A_130 : i32 to vector<16xi32>
      %add3A_132 = arith.addi %add3A_62, %add3A_131 : vector<16xi32>
      %gather3A_133 = tpu.vector_load_idx %arg6[%add3A_132] : memref<25088xf32, #tpu.memory_space<vmem>>[vector<16xi32>], vector<16xf32>,
      %mul3A_134 = arith.mulf %gather3A_133, %gather3A_133 : vector<16xf32>
      %add3A_135 = arith.addf %add3A_119, %mul3A_134 : vector<16xf32>
      %slice3A_136 = vector.extract_strided_slice %get3A_10 {offsets = [4], sizes = [1], strides = [1]} : vector<16xf32> to vector<1xf32>
      %squeeze3A_137 = vector.extract %slice3A_136[0] : f32 from vector<1xf32>
      %mul3A_138 = vector.broadcast %squeeze3A_137 : f32 to vector<16xf32>
      %mul3A_139 = arith.mulf %gather3A_133, %mul3A_138 : vector<16xf32>
      %add3A_140 = arith.addf %add3A_124, %mul3A_139 : vector<16xf32>
      %slice3A_141 = vector.extract_strided_slice %get3A_22 {offsets = [4], sizes = [1], strides = [1]} : vector<16xf32> to vector<1xf32>
      %squeeze3A_142 = vector.extract %slice3A_141[0] : f32 from vector<1xf32>
      %mul3A_143 = vector.broadcast %squeeze3A_142 : f32 to vector<16xf32>
      %mul3A_144 = arith.mulf %gather3A_133, %mul3A_143 : vector<16xf32>
      %add3A_145 = arith.addf %add3A_129, %mul3A_144 : vector<16xf32>
      %add3A_146 = arith.constant 5 : i32
      %add3A_147 = vector.broadcast %add3A_146 : i32 to vector<16xi32>
      %add3A_148 = arith.addi %add3A_62, %add3A_147 : vector<16xi32>
      %gather3A_149 = tpu.vector_load_idx %arg6[%add3A_148] : memref<25088xf32, #tpu.memory_space<vmem>>[vector<16xi32>], vector<16xf32>,
      %mul3A_150 = arith.mulf %gather3A_149, %gather3A_149 : vector<16xf32>
      %add3A_151 = arith.addf %add3A_135, %mul3A_150 : vector<16xf32>
      %slice3A_152 = vector.extract_strided_slice %get3A_10 {offsets = [5], sizes = [1], strides = [1]} : vector<16xf32> to vector<1xf32>
      %squeeze3A_153 = vector.extract %slice3A_152[0] : f32 from vector<1xf32>
      %mul3A_154 = vector.broadcast %squeeze3A_153 : f32 to vector<16xf32>
      %mul3A_155 = arith.mulf %gather3A_149, %mul3A_154 : vector<16xf32>
      %add3A_156 = arith.addf %add3A_140, %mul3A_155 : vector<16xf32>
      %slice3A_157 = vector.extract_strided_slice %get3A_22 {offsets = [5], sizes = [1], strides = [1]} : vector<16xf32> to vector<1xf32>
      %squeeze3A_158 = vector.extract %slice3A_157[0] : f32 from vector<1xf32>
      %mul3A_159 = vector.broadcast %squeeze3A_158 : f32 to vector<16xf32>
      %mul3A_160 = arith.mulf %gather3A_149, %mul3A_159 : vector<16xf32>
      %add3A_161 = arith.addf %add3A_145, %mul3A_160 : vector<16xf32>
      %add3A_162 = arith.constant 6 : i32
      %add3A_163 = vector.broadcast %add3A_162 : i32 to vector<16xi32>
      %add3A_164 = arith.addi %add3A_62, %add3A_163 : vector<16xi32>
      %gather3A_165 = tpu.vector_load_idx %arg6[%add3A_164] : memref<25088xf32, #tpu.memory_space<vmem>>[vector<16xi32>], vector<16xf32>,
      %mul3A_166 = arith.mulf %gather3A_165, %gather3A_165 : vector<16xf32>
      %add3A_167 = arith.addf %add3A_151, %mul3A_166 : vector<16xf32>
      %slice3A_168 = vector.extract_strided_slice %get3A_10 {offsets = [6], sizes = [1], strides = [1]} : vector<16xf32> to vector<1xf32>
      %squeeze3A_169 = vector.extract %slice3A_168[0] : f32 from vector<1xf32>
      %mul3A_170 = vector.broadcast %squeeze3A_169 : f32 to vector<16xf32>
      %mul3A_171 = arith.mulf %gather3A_165, %mul3A_170 : vector<16xf32>
      %add3A_172 = arith.addf %add3A_156, %mul3A_171 : vector<16xf32>
      %slice3A_173 = vector.extract_strided_slice %get3A_22 {offsets = [6], sizes = [1], strides = [1]} : vector<16xf32> to vector<1xf32>
      %squeeze3A_174 = vector.extract %slice3A_173[0] : f32 from vector<1xf32>
      %mul3A_175 = vector.broadcast %squeeze3A_174 : f32 to vector<16xf32>
      %mul3A_176 = arith.mulf %gather3A_165, %mul3A_175 : vector<16xf32>
      %add3A_177 = arith.addf %add3A_161, %mul3A_176 : vector<16xf32>
      %add3A_178 = arith.constant 7 : i32
      %add3A_179 = vector.broadcast %add3A_178 : i32 to vector<16xi32>
      %add3A_180 = arith.addi %add3A_62, %add3A_179 : vector<16xi32>
      %gather3A_181 = tpu.vector_load_idx %arg6[%add3A_180] : memref<25088xf32, #tpu.memory_space<vmem>>[vector<16xi32>], vector<16xf32>,
      %mul3A_182 = arith.mulf %gather3A_181, %gather3A_181 : vector<16xf32>
      %add3A_183 = arith.addf %add3A_167, %mul3A_182 : vector<16xf32>
      %slice3A_184 = vector.extract_strided_slice %get3A_10 {offsets = [7], sizes = [1], strides = [1]} : vector<16xf32> to vector<1xf32>
      %squeeze3A_185 = vector.extract %slice3A_184[0] : f32 from vector<1xf32>
      %mul3A_186 = vector.broadcast %squeeze3A_185 : f32 to vector<16xf32>
      %mul3A_187 = arith.mulf %gather3A_181, %mul3A_186 : vector<16xf32>
      %add3A_188 = arith.addf %add3A_172, %mul3A_187 : vector<16xf32>
      %slice3A_189 = vector.extract_strided_slice %get3A_22 {offsets = [7], sizes = [1], strides = [1]} : vector<16xf32> to vector<1xf32>
      %squeeze3A_190 = vector.extract %slice3A_189[0] : f32 from vector<1xf32>
      %mul3A_191 = vector.broadcast %squeeze3A_190 : f32 to vector<16xf32>
      %mul3A_192 = arith.mulf %gather3A_181, %mul3A_191 : vector<16xf32>
      %add3A_193 = arith.addf %add3A_177, %mul3A_192 : vector<16xf32>
      %add3A_194 = arith.constant 8 : i32
      %add3A_195 = vector.broadcast %add3A_194 : i32 to vector<16xi32>
      %add3A_196 = arith.addi %add3A_62, %add3A_195 : vector<16xi32>
      %gather3A_197 = tpu.vector_load_idx %arg6[%add3A_196] : memref<25088xf32, #tpu.memory_space<vmem>>[vector<16xi32>], vector<16xf32>,
      %mul3A_198 = arith.mulf %gather3A_197, %gather3A_197 : vector<16xf32>
      %add3A_199 = arith.addf %add3A_183, %mul3A_198 : vector<16xf32>
      %slice3A_200 = vector.extract_strided_slice %get3A_10 {offsets = [8], sizes = [1], strides = [1]} : vector<16xf32> to vector<1xf32>
      %squeeze3A_201 = vector.extract %slice3A_200[0] : f32 from vector<1xf32>
      %mul3A_202 = vector.broadcast %squeeze3A_201 : f32 to vector<16xf32>
      %mul3A_203 = arith.mulf %gather3A_197, %mul3A_202 : vector<16xf32>
      %add3A_204 = arith.addf %add3A_188, %mul3A_203 : vector<16xf32>
      %slice3A_205 = vector.extract_strided_slice %get3A_22 {offsets = [8], sizes = [1], strides = [1]} : vector<16xf32> to vector<1xf32>
      %squeeze3A_206 = vector.extract %slice3A_205[0] : f32 from vector<1xf32>
      %mul3A_207 = vector.broadcast %squeeze3A_206 : f32 to vector<16xf32>
      %mul3A_208 = arith.mulf %gather3A_197, %mul3A_207 : vector<16xf32>
      %add3A_209 = arith.addf %add3A_193, %mul3A_208 : vector<16xf32>
      %add3A_210 = arith.constant 9 : i32
      %add3A_211 = vector.broadcast %add3A_210 : i32 to vector<16xi32>
      %add3A_212 = arith.addi %add3A_62, %add3A_211 : vector<16xi32>
      %gather3A_213 = tpu.vector_load_idx %arg6[%add3A_212] : memref<25088xf32, #tpu.memory_space<vmem>>[vector<16xi32>], vector<16xf32>,
      %mul3A_214 = arith.mulf %gather3A_213, %gather3A_213 : vector<16xf32>
      %add3A_215 = arith.addf %add3A_199, %mul3A_214 : vector<16xf32>
      %slice3A_216 = vector.extract_strided_slice %get3A_10 {offsets = [9], sizes = [1], strides = [1]} : vector<16xf32> to vector<1xf32>
      %squeeze3A_217 = vector.extract %slice3A_216[0] : f32 from vector<1xf32>
      %mul3A_218 = vector.broadcast %squeeze3A_217 : f32 to vector<16xf32>
      %mul3A_219 = arith.mulf %gather3A_213, %mul3A_218 : vector<16xf32>
      %add3A_220 = arith.addf %add3A_204, %mul3A_219 : vector<16xf32>
      %slice3A_221 = vector.extract_strided_slice %get3A_22 {offsets = [9], sizes = [1], strides = [1]} : vector<16xf32> to vector<1xf32>
      %squeeze3A_222 = vector.extract %slice3A_221[0] : f32 from vector<1xf32>
      %mul3A_223 = vector.broadcast %squeeze3A_222 : f32 to vector<16xf32>
      %mul3A_224 = arith.mulf %gather3A_213, %mul3A_223 : vector<16xf32>
      %add3A_225 = arith.addf %add3A_209, %mul3A_224 : vector<16xf32>
      %add3A_226 = arith.constant 10 : i32
      %add3A_227 = vector.broadcast %add3A_226 : i32 to vector<16xi32>
      %add3A_228 = arith.addi %add3A_62, %add3A_227 : vector<16xi32>
      %gather3A_229 = tpu.vector_load_idx %arg6[%add3A_228] : memref<25088xf32, #tpu.memory_space<vmem>>[vector<16xi32>], vector<16xf32>,
      %mul3A_230 = arith.mulf %gather3A_229, %gather3A_229 : vector<16xf32>
      %add3A_231 = arith.addf %add3A_215, %mul3A_230 : vector<16xf32>
      %slice3A_232 = vector.extract_strided_slice %get3A_10 {offsets = [10], sizes = [1], strides = [1]} : vector<16xf32> to vector<1xf32>
      %squeeze3A_233 = vector.extract %slice3A_232[0] : f32 from vector<1xf32>
      %mul3A_234 = vector.broadcast %squeeze3A_233 : f32 to vector<16xf32>
      %mul3A_235 = arith.mulf %gather3A_229, %mul3A_234 : vector<16xf32>
      %add3A_236 = arith.addf %add3A_220, %mul3A_235 : vector<16xf32>
      %slice3A_237 = vector.extract_strided_slice %get3A_22 {offsets = [10], sizes = [1], strides = [1]} : vector<16xf32> to vector<1xf32>
      %squeeze3A_238 = vector.extract %slice3A_237[0] : f32 from vector<1xf32>
      %mul3A_239 = vector.broadcast %squeeze3A_238 : f32 to vector<16xf32>
      %mul3A_240 = arith.mulf %gather3A_229, %mul3A_239 : vector<16xf32>
      %add3A_241 = arith.addf %add3A_225, %mul3A_240 : vector<16xf32>
      %add3A_242 = arith.constant 11 : i32
      %add3A_243 = vector.broadcast %add3A_242 : i32 to vector<16xi32>
      %add3A_244 = arith.addi %add3A_62, %add3A_243 : vector<16xi32>
      %gather3A_245 = tpu.vector_load_idx %arg6[%add3A_244] : memref<25088xf32, #tpu.memory_space<vmem>>[vector<16xi32>], vector<16xf32>,
      %mul3A_246 = arith.mulf %gather3A_245, %gather3A_245 : vector<16xf32>
      %add3A_247 = arith.addf %add3A_231, %mul3A_246 : vector<16xf32>
      %slice3A_248 = vector.extract_strided_slice %get3A_10 {offsets = [11], sizes = [1], strides = [1]} : vector<16xf32> to vector<1xf32>
      %squeeze3A_249 = vector.extract %slice3A_248[0] : f32 from vector<1xf32>
      %mul3A_250 = vector.broadcast %squeeze3A_249 : f32 to vector<16xf32>
      %mul3A_251 = arith.mulf %gather3A_245, %mul3A_250 : vector<16xf32>
      %add3A_252 = arith.addf %add3A_236, %mul3A_251 : vector<16xf32>
      %slice3A_253 = vector.extract_strided_slice %get3A_22 {offsets = [11], sizes = [1], strides = [1]} : vector<16xf32> to vector<1xf32>
      %squeeze3A_254 = vector.extract %slice3A_253[0] : f32 from vector<1xf32>
      %mul3A_255 = vector.broadcast %squeeze3A_254 : f32 to vector<16xf32>
      %mul3A_256 = arith.mulf %gather3A_245, %mul3A_255 : vector<16xf32>
      %add3A_257 = arith.addf %add3A_241, %mul3A_256 : vector<16xf32>
      %add3A_258 = arith.constant 12 : i32
      %add3A_259 = vector.broadcast %add3A_258 : i32 to vector<16xi32>
      %add3A_260 = arith.addi %add3A_62, %add3A_259 : vector<16xi32>
      %gather3A_261 = tpu.vector_load_idx %arg6[%add3A_260] : memref<25088xf32, #tpu.memory_space<vmem>>[vector<16xi32>], vector<16xf32>,
      %mul3A_262 = arith.mulf %gather3A_261, %gather3A_261 : vector<16xf32>
      %add3A_263 = arith.addf %add3A_247, %mul3A_262 : vector<16xf32>
      %slice3A_264 = vector.extract_strided_slice %get3A_10 {offsets = [12], sizes = [1], strides = [1]} : vector<16xf32> to vector<1xf32>
      %squeeze3A_265 = vector.extract %slice3A_264[0] : f32 from vector<1xf32>
      %mul3A_266 = vector.broadcast %squeeze3A_265 : f32 to vector<16xf32>
      %mul3A_267 = arith.mulf %gather3A_261, %mul3A_266 : vector<16xf32>
      %add3A_268 = arith.addf %add3A_252, %mul3A_267 : vector<16xf32>
      %slice3A_269 = vector.extract_strided_slice %get3A_22 {offsets = [12], sizes = [1], strides = [1]} : vector<16xf32> to vector<1xf32>
      %squeeze3A_270 = vector.extract %slice3A_269[0] : f32 from vector<1xf32>
      %mul3A_271 = vector.broadcast %squeeze3A_270 : f32 to vector<16xf32>
      %mul3A_272 = arith.mulf %gather3A_261, %mul3A_271 : vector<16xf32>
      %add3A_273 = arith.addf %add3A_257, %mul3A_272 : vector<16xf32>
      %add3A_274 = arith.constant 13 : i32
      %add3A_275 = vector.broadcast %add3A_274 : i32 to vector<16xi32>
      %add3A_276 = arith.addi %add3A_62, %add3A_275 : vector<16xi32>
      %gather3A_277 = tpu.vector_load_idx %arg6[%add3A_276] : memref<25088xf32, #tpu.memory_space<vmem>>[vector<16xi32>], vector<16xf32>,
      %mul3A_278 = arith.mulf %gather3A_277, %gather3A_277 : vector<16xf32>
      %add3A_279 = arith.addf %add3A_263, %mul3A_278 : vector<16xf32>
      %slice3A_280 = vector.extract_strided_slice %get3A_10 {offsets = [13], sizes = [1], strides = [1]} : vector<16xf32> to vector<1xf32>
      %squeeze3A_281 = vector.extract %slice3A_280[0] : f32 from vector<1xf32>
      %mul3A_282 = vector.broadcast %squeeze3A_281 : f32 to vector<16xf32>
      %mul3A_283 = arith.mulf %gather3A_277, %mul3A_282 : vector<16xf32>
      %add3A_284 = arith.addf %add3A_268, %mul3A_283 : vector<16xf32>
      %slice3A_285 = vector.extract_strided_slice %get3A_22 {offsets = [13], sizes = [1], strides = [1]} : vector<16xf32> to vector<1xf32>
      %squeeze3A_286 = vector.extract %slice3A_285[0] : f32 from vector<1xf32>
      %mul3A_287 = vector.broadcast %squeeze3A_286 : f32 to vector<16xf32>
      %mul3A_288 = arith.mulf %gather3A_277, %mul3A_287 : vector<16xf32>
      %add3A_289 = arith.addf %add3A_273, %mul3A_288 : vector<16xf32>
      %add3A_290 = arith.constant 14 : i32
      %add3A_291 = vector.broadcast %add3A_290 : i32 to vector<16xi32>
      %add3A_292 = arith.addi %add3A_62, %add3A_291 : vector<16xi32>
      %gather3A_293 = tpu.vector_load_idx %arg6[%add3A_292] : memref<25088xf32, #tpu.memory_space<vmem>>[vector<16xi32>], vector<16xf32>,
      %mul3A_294 = arith.mulf %gather3A_293, %gather3A_293 : vector<16xf32>
      %add3A_295 = arith.addf %add3A_279, %mul3A_294 : vector<16xf32>
      %slice3A_296 = vector.extract_strided_slice %get3A_10 {offsets = [14], sizes = [1], strides = [1]} : vector<16xf32> to vector<1xf32>
      %squeeze3A_297 = vector.extract %slice3A_296[0] : f32 from vector<1xf32>
      %mul3A_298 = vector.broadcast %squeeze3A_297 : f32 to vector<16xf32>
      %mul3A_299 = arith.mulf %gather3A_293, %mul3A_298 : vector<16xf32>
      %add3A_300 = arith.addf %add3A_284, %mul3A_299 : vector<16xf32>
      %slice3A_301 = vector.extract_strided_slice %get3A_22 {offsets = [14], sizes = [1], strides = [1]} : vector<16xf32> to vector<1xf32>
      %squeeze3A_302 = vector.extract %slice3A_301[0] : f32 from vector<1xf32>
      %mul3A_303 = vector.broadcast %squeeze3A_302 : f32 to vector<16xf32>
      %mul3A_304 = arith.mulf %gather3A_293, %mul3A_303 : vector<16xf32>
      %add3A_305 = arith.addf %add3A_289, %mul3A_304 : vector<16xf32>
      %add3A_306 = arith.constant 15 : i32
      %add3A_307 = vector.broadcast %add3A_306 : i32 to vector<16xi32>
      %add3A_308 = arith.addi %add3A_62, %add3A_307 : vector<16xi32>
      %gather3A_309 = tpu.vector_load_idx %arg6[%add3A_308] : memref<25088xf32, #tpu.memory_space<vmem>>[vector<16xi32>], vector<16xf32>,
      %mul3A_310 = arith.mulf %gather3A_309, %gather3A_309 : vector<16xf32>
      %add3A_311 = arith.addf %add3A_295, %mul3A_310 : vector<16xf32>
      %slice3A_312 = vector.extract_strided_slice %get3A_10 {offsets = [15], sizes = [1], strides = [1]} : vector<16xf32> to vector<1xf32>
      %squeeze3A_313 = vector.extract %slice3A_312[0] : f32 from vector<1xf32>
      %mul3A_314 = vector.broadcast %squeeze3A_313 : f32 to vector<16xf32>
      %mul3A_315 = arith.mulf %gather3A_309, %mul3A_314 : vector<16xf32>
      %add3A_316 = arith.addf %add3A_300, %mul3A_315 : vector<16xf32>
      %slice3A_317 = vector.extract_strided_slice %get3A_22 {offsets = [15], sizes = [1], strides = [1]} : vector<16xf32> to vector<1xf32>
      %squeeze3A_318 = vector.extract %slice3A_317[0] : f32 from vector<1xf32>
      %mul3A_319 = vector.broadcast %squeeze3A_318 : f32 to vector<16xf32>
      %mul3A_320 = arith.mulf %gather3A_309, %mul3A_319 : vector<16xf32>
      %add3A_321 = arith.addf %add3A_305, %mul3A_320 : vector<16xf32>
      %add3A_322 = arith.constant 16 : i32
      %add3A_323 = vector.broadcast %add3A_322 : i32 to vector<16xi32>
      %add3A_324 = arith.addi %add3A_62, %add3A_323 : vector<16xi32>
      %gather3A_325 = tpu.vector_load_idx %arg6[%add3A_324] : memref<25088xf32, #tpu.memory_space<vmem>>[vector<16xi32>], vector<16xf32>,
      %mul3A_326 = arith.mulf %gather3A_325, %gather3A_325 : vector<16xf32>
      %add3A_327 = arith.addf %add3A_311, %mul3A_326 : vector<16xf32>
      %slice3A_328 = vector.extract_strided_slice %get3A_13 {offsets = [0], sizes = [1], strides = [1]} : vector<16xf32> to vector<1xf32>
      %squeeze3A_329 = vector.extract %slice3A_328[0] : f32 from vector<1xf32>
      %mul3A_330 = vector.broadcast %squeeze3A_329 : f32 to vector<16xf32>
      %mul3A_331 = arith.mulf %gather3A_325, %mul3A_330 : vector<16xf32>
      %add3A_332 = arith.addf %add3A_316, %mul3A_331 : vector<16xf32>
      %slice3A_333 = vector.extract_strided_slice %get3A_25 {offsets = [0], sizes = [1], strides = [1]} : vector<16xf32> to vector<1xf32>
      %squeeze3A_334 = vector.extract %slice3A_333[0] : f32 from vector<1xf32>
      %mul3A_335 = vector.broadcast %squeeze3A_334 : f32 to vector<16xf32>
      %mul3A_336 = arith.mulf %gather3A_325, %mul3A_335 : vector<16xf32>
      %add3A_337 = arith.addf %add3A_321, %mul3A_336 : vector<16xf32>
      %add3A_338 = arith.constant 17 : i32
      %add3A_339 = vector.broadcast %add3A_338 : i32 to vector<16xi32>
      %add3A_340 = arith.addi %add3A_62, %add3A_339 : vector<16xi32>
      %gather3A_341 = tpu.vector_load_idx %arg6[%add3A_340] : memref<25088xf32, #tpu.memory_space<vmem>>[vector<16xi32>], vector<16xf32>,
      %mul3A_342 = arith.mulf %gather3A_341, %gather3A_341 : vector<16xf32>
      %add3A_343 = arith.addf %add3A_327, %mul3A_342 : vector<16xf32>
      %slice3A_344 = vector.extract_strided_slice %get3A_13 {offsets = [1], sizes = [1], strides = [1]} : vector<16xf32> to vector<1xf32>
      %squeeze3A_345 = vector.extract %slice3A_344[0] : f32 from vector<1xf32>
      %mul3A_346 = vector.broadcast %squeeze3A_345 : f32 to vector<16xf32>
      %mul3A_347 = arith.mulf %gather3A_341, %mul3A_346 : vector<16xf32>
      %add3A_348 = arith.addf %add3A_332, %mul3A_347 : vector<16xf32>
      %slice3A_349 = vector.extract_strided_slice %get3A_25 {offsets = [1], sizes = [1], strides = [1]} : vector<16xf32> to vector<1xf32>
      %squeeze3A_350 = vector.extract %slice3A_349[0] : f32 from vector<1xf32>
      %mul3A_351 = vector.broadcast %squeeze3A_350 : f32 to vector<16xf32>
      %mul3A_352 = arith.mulf %gather3A_341, %mul3A_351 : vector<16xf32>
      %add3A_353 = arith.addf %add3A_337, %mul3A_352 : vector<16xf32>
      %add3A_354 = arith.constant 18 : i32
      %add3A_355 = vector.broadcast %add3A_354 : i32 to vector<16xi32>
      %add3A_356 = arith.addi %add3A_62, %add3A_355 : vector<16xi32>
      %gather3A_357 = tpu.vector_load_idx %arg6[%add3A_356] : memref<25088xf32, #tpu.memory_space<vmem>>[vector<16xi32>], vector<16xf32>,
      %mul3A_358 = arith.mulf %gather3A_357, %gather3A_357 : vector<16xf32>
      %add3A_359 = arith.addf %add3A_343, %mul3A_358 : vector<16xf32>
      %slice3A_360 = vector.extract_strided_slice %get3A_13 {offsets = [2], sizes = [1], strides = [1]} : vector<16xf32> to vector<1xf32>
      %squeeze3A_361 = vector.extract %slice3A_360[0] : f32 from vector<1xf32>
      %mul3A_362 = vector.broadcast %squeeze3A_361 : f32 to vector<16xf32>
      %mul3A_363 = arith.mulf %gather3A_357, %mul3A_362 : vector<16xf32>
      %add3A_364 = arith.addf %add3A_348, %mul3A_363 : vector<16xf32>
      %slice3A_365 = vector.extract_strided_slice %get3A_25 {offsets = [2], sizes = [1], strides = [1]} : vector<16xf32> to vector<1xf32>
      %squeeze3A_366 = vector.extract %slice3A_365[0] : f32 from vector<1xf32>
      %mul3A_367 = vector.broadcast %squeeze3A_366 : f32 to vector<16xf32>
      %mul3A_368 = arith.mulf %gather3A_357, %mul3A_367 : vector<16xf32>
      %add3A_369 = arith.addf %add3A_353, %mul3A_368 : vector<16xf32>
      %add3A_370 = arith.constant 19 : i32
      %add3A_371 = vector.broadcast %add3A_370 : i32 to vector<16xi32>
      %add3A_372 = arith.addi %add3A_62, %add3A_371 : vector<16xi32>
      %gather3A_373 = tpu.vector_load_idx %arg6[%add3A_372] : memref<25088xf32, #tpu.memory_space<vmem>>[vector<16xi32>], vector<16xf32>,
      %mul3A_374 = arith.mulf %gather3A_373, %gather3A_373 : vector<16xf32>
      %add3A_375 = arith.addf %add3A_359, %mul3A_374 : vector<16xf32>
      %slice3A_376 = vector.extract_strided_slice %get3A_13 {offsets = [3], sizes = [1], strides = [1]} : vector<16xf32> to vector<1xf32>
      %squeeze3A_377 = vector.extract %slice3A_376[0] : f32 from vector<1xf32>
      %mul3A_378 = vector.broadcast %squeeze3A_377 : f32 to vector<16xf32>
      %mul3A_379 = arith.mulf %gather3A_373, %mul3A_378 : vector<16xf32>
      %add3A_380 = arith.addf %add3A_364, %mul3A_379 : vector<16xf32>
      %slice3A_381 = vector.extract_strided_slice %get3A_25 {offsets = [3], sizes = [1], strides = [1]} : vector<16xf32> to vector<1xf32>
      %squeeze3A_382 = vector.extract %slice3A_381[0] : f32 from vector<1xf32>
      %mul3A_383 = vector.broadcast %squeeze3A_382 : f32 to vector<16xf32>
      %mul3A_384 = arith.mulf %gather3A_373, %mul3A_383 : vector<16xf32>
      %add3A_385 = arith.addf %add3A_369, %mul3A_384 : vector<16xf32>
      %add3A_386 = arith.constant 20 : i32
      %add3A_387 = vector.broadcast %add3A_386 : i32 to vector<16xi32>
      %add3A_388 = arith.addi %add3A_62, %add3A_387 : vector<16xi32>
      %gather3A_389 = tpu.vector_load_idx %arg6[%add3A_388] : memref<25088xf32, #tpu.memory_space<vmem>>[vector<16xi32>], vector<16xf32>,
      %mul3A_390 = arith.mulf %gather3A_389, %gather3A_389 : vector<16xf32>
      %add3A_391 = arith.addf %add3A_375, %mul3A_390 : vector<16xf32>
      %slice3A_392 = vector.extract_strided_slice %get3A_13 {offsets = [4], sizes = [1], strides = [1]} : vector<16xf32> to vector<1xf32>
      %squeeze3A_393 = vector.extract %slice3A_392[0] : f32 from vector<1xf32>
      %mul3A_394 = vector.broadcast %squeeze3A_393 : f32 to vector<16xf32>
      %mul3A_395 = arith.mulf %gather3A_389, %mul3A_394 : vector<16xf32>
      %add3A_396 = arith.addf %add3A_380, %mul3A_395 : vector<16xf32>
      %slice3A_397 = vector.extract_strided_slice %get3A_25 {offsets = [4], sizes = [1], strides = [1]} : vector<16xf32> to vector<1xf32>
      %squeeze3A_398 = vector.extract %slice3A_397[0] : f32 from vector<1xf32>
      %mul3A_399 = vector.broadcast %squeeze3A_398 : f32 to vector<16xf32>
      %mul3A_400 = arith.mulf %gather3A_389, %mul3A_399 : vector<16xf32>
      %add3A_401 = arith.addf %add3A_385, %mul3A_400 : vector<16xf32>
      %add3A_402 = arith.constant 21 : i32
      %add3A_403 = vector.broadcast %add3A_402 : i32 to vector<16xi32>
      %add3A_404 = arith.addi %add3A_62, %add3A_403 : vector<16xi32>
      %gather3A_405 = tpu.vector_load_idx %arg6[%add3A_404] : memref<25088xf32, #tpu.memory_space<vmem>>[vector<16xi32>], vector<16xf32>,
      %mul3A_406 = arith.mulf %gather3A_405, %gather3A_405 : vector<16xf32>
      %add3A_407 = arith.addf %add3A_391, %mul3A_406 : vector<16xf32>
      %slice3A_408 = vector.extract_strided_slice %get3A_13 {offsets = [5], sizes = [1], strides = [1]} : vector<16xf32> to vector<1xf32>
      %squeeze3A_409 = vector.extract %slice3A_408[0] : f32 from vector<1xf32>
      %mul3A_410 = vector.broadcast %squeeze3A_409 : f32 to vector<16xf32>
      %mul3A_411 = arith.mulf %gather3A_405, %mul3A_410 : vector<16xf32>
      %add3A_412 = arith.addf %add3A_396, %mul3A_411 : vector<16xf32>
      %slice3A_413 = vector.extract_strided_slice %get3A_25 {offsets = [5], sizes = [1], strides = [1]} : vector<16xf32> to vector<1xf32>
      %squeeze3A_414 = vector.extract %slice3A_413[0] : f32 from vector<1xf32>
      %mul3A_415 = vector.broadcast %squeeze3A_414 : f32 to vector<16xf32>
      %mul3A_416 = arith.mulf %gather3A_405, %mul3A_415 : vector<16xf32>
      %add3A_417 = arith.addf %add3A_401, %mul3A_416 : vector<16xf32>
      %add3A_418 = arith.constant 22 : i32
      %add3A_419 = vector.broadcast %add3A_418 : i32 to vector<16xi32>
      %add3A_420 = arith.addi %add3A_62, %add3A_419 : vector<16xi32>
      %gather3A_421 = tpu.vector_load_idx %arg6[%add3A_420] : memref<25088xf32, #tpu.memory_space<vmem>>[vector<16xi32>], vector<16xf32>,
      %mul3A_422 = arith.mulf %gather3A_421, %gather3A_421 : vector<16xf32>
      %add3A_423 = arith.addf %add3A_407, %mul3A_422 : vector<16xf32>
      %slice3A_424 = vector.extract_strided_slice %get3A_13 {offsets = [6], sizes = [1], strides = [1]} : vector<16xf32> to vector<1xf32>
      %squeeze3A_425 = vector.extract %slice3A_424[0] : f32 from vector<1xf32>
      %mul3A_426 = vector.broadcast %squeeze3A_425 : f32 to vector<16xf32>
      %mul3A_427 = arith.mulf %gather3A_421, %mul3A_426 : vector<16xf32>
      %add3A_428 = arith.addf %add3A_412, %mul3A_427 : vector<16xf32>
      %slice3A_429 = vector.extract_strided_slice %get3A_25 {offsets = [6], sizes = [1], strides = [1]} : vector<16xf32> to vector<1xf32>
      %squeeze3A_430 = vector.extract %slice3A_429[0] : f32 from vector<1xf32>
      %mul3A_431 = vector.broadcast %squeeze3A_430 : f32 to vector<16xf32>
      %mul3A_432 = arith.mulf %gather3A_421, %mul3A_431 : vector<16xf32>
      %add3A_433 = arith.addf %add3A_417, %mul3A_432 : vector<16xf32>
      %add3A_434 = arith.constant 23 : i32
      %add3A_435 = vector.broadcast %add3A_434 : i32 to vector<16xi32>
      %add3A_436 = arith.addi %add3A_62, %add3A_435 : vector<16xi32>
      %gather3A_437 = tpu.vector_load_idx %arg6[%add3A_436] : memref<25088xf32, #tpu.memory_space<vmem>>[vector<16xi32>], vector<16xf32>,
      %mul3A_438 = arith.mulf %gather3A_437, %gather3A_437 : vector<16xf32>
      %add3A_439 = arith.addf %add3A_423, %mul3A_438 : vector<16xf32>
      %slice3A_440 = vector.extract_strided_slice %get3A_13 {offsets = [7], sizes = [1], strides = [1]} : vector<16xf32> to vector<1xf32>
      %squeeze3A_441 = vector.extract %slice3A_440[0] : f32 from vector<1xf32>
      %mul3A_442 = vector.broadcast %squeeze3A_441 : f32 to vector<16xf32>
      %mul3A_443 = arith.mulf %gather3A_437, %mul3A_442 : vector<16xf32>
      %add3A_444 = arith.addf %add3A_428, %mul3A_443 : vector<16xf32>
      %slice3A_445 = vector.extract_strided_slice %get3A_25 {offsets = [7], sizes = [1], strides = [1]} : vector<16xf32> to vector<1xf32>
      %squeeze3A_446 = vector.extract %slice3A_445[0] : f32 from vector<1xf32>
      %mul3A_447 = vector.broadcast %squeeze3A_446 : f32 to vector<16xf32>
      %mul3A_448 = arith.mulf %gather3A_437, %mul3A_447 : vector<16xf32>
      %add3A_449 = arith.addf %add3A_433, %mul3A_448 : vector<16xf32>
      %add3A_450 = arith.constant 24 : i32
      %add3A_451 = vector.broadcast %add3A_450 : i32 to vector<16xi32>
      %add3A_452 = arith.addi %add3A_62, %add3A_451 : vector<16xi32>
      %gather3A_453 = tpu.vector_load_idx %arg6[%add3A_452] : memref<25088xf32, #tpu.memory_space<vmem>>[vector<16xi32>], vector<16xf32>,
      %mul3A_454 = arith.mulf %gather3A_453, %gather3A_453 : vector<16xf32>
      %add3A_455 = arith.addf %add3A_439, %mul3A_454 : vector<16xf32>
      %slice3A_456 = vector.extract_strided_slice %get3A_13 {offsets = [8], sizes = [1], strides = [1]} : vector<16xf32> to vector<1xf32>
      %squeeze3A_457 = vector.extract %slice3A_456[0] : f32 from vector<1xf32>
      %mul3A_458 = vector.broadcast %squeeze3A_457 : f32 to vector<16xf32>
      %mul3A_459 = arith.mulf %gather3A_453, %mul3A_458 : vector<16xf32>
      %add3A_460 = arith.addf %add3A_444, %mul3A_459 : vector<16xf32>
      %slice3A_461 = vector.extract_strided_slice %get3A_25 {offsets = [8], sizes = [1], strides = [1]} : vector<16xf32> to vector<1xf32>
      %squeeze3A_462 = vector.extract %slice3A_461[0] : f32 from vector<1xf32>
      %mul3A_463 = vector.broadcast %squeeze3A_462 : f32 to vector<16xf32>
      %mul3A_464 = arith.mulf %gather3A_453, %mul3A_463 : vector<16xf32>
      %add3A_465 = arith.addf %add3A_449, %mul3A_464 : vector<16xf32>
      %add3A_466 = arith.constant 25 : i32
      %add3A_467 = vector.broadcast %add3A_466 : i32 to vector<16xi32>
      %add3A_468 = arith.addi %add3A_62, %add3A_467 : vector<16xi32>
      %gather3A_469 = tpu.vector_load_idx %arg6[%add3A_468] : memref<25088xf32, #tpu.memory_space<vmem>>[vector<16xi32>], vector<16xf32>,
      %mul3A_470 = arith.mulf %gather3A_469, %gather3A_469 : vector<16xf32>
      %add3A_471 = arith.addf %add3A_455, %mul3A_470 : vector<16xf32>
      %slice3A_472 = vector.extract_strided_slice %get3A_13 {offsets = [9], sizes = [1], strides = [1]} : vector<16xf32> to vector<1xf32>
      %squeeze3A_473 = vector.extract %slice3A_472[0] : f32 from vector<1xf32>
      %mul3A_474 = vector.broadcast %squeeze3A_473 : f32 to vector<16xf32>
      %mul3A_475 = arith.mulf %gather3A_469, %mul3A_474 : vector<16xf32>
      %add3A_476 = arith.addf %add3A_460, %mul3A_475 : vector<16xf32>
      %slice3A_477 = vector.extract_strided_slice %get3A_25 {offsets = [9], sizes = [1], strides = [1]} : vector<16xf32> to vector<1xf32>
      %squeeze3A_478 = vector.extract %slice3A_477[0] : f32 from vector<1xf32>
      %mul3A_479 = vector.broadcast %squeeze3A_478 : f32 to vector<16xf32>
      %mul3A_480 = arith.mulf %gather3A_469, %mul3A_479 : vector<16xf32>
      %add3A_481 = arith.addf %add3A_465, %mul3A_480 : vector<16xf32>
      %add3A_482 = arith.constant 26 : i32
      %add3A_483 = vector.broadcast %add3A_482 : i32 to vector<16xi32>
      %add3A_484 = arith.addi %add3A_62, %add3A_483 : vector<16xi32>
      %gather3A_485 = tpu.vector_load_idx %arg6[%add3A_484] : memref<25088xf32, #tpu.memory_space<vmem>>[vector<16xi32>], vector<16xf32>,
      %mul3A_486 = arith.mulf %gather3A_485, %gather3A_485 : vector<16xf32>
      %add3A_487 = arith.addf %add3A_471, %mul3A_486 : vector<16xf32>
      %slice3A_488 = vector.extract_strided_slice %get3A_13 {offsets = [10], sizes = [1], strides = [1]} : vector<16xf32> to vector<1xf32>
      %squeeze3A_489 = vector.extract %slice3A_488[0] : f32 from vector<1xf32>
      %mul3A_490 = vector.broadcast %squeeze3A_489 : f32 to vector<16xf32>
      %mul3A_491 = arith.mulf %gather3A_485, %mul3A_490 : vector<16xf32>
      %add3A_492 = arith.addf %add3A_476, %mul3A_491 : vector<16xf32>
      %slice3A_493 = vector.extract_strided_slice %get3A_25 {offsets = [10], sizes = [1], strides = [1]} : vector<16xf32> to vector<1xf32>
      %squeeze3A_494 = vector.extract %slice3A_493[0] : f32 from vector<1xf32>
      %mul3A_495 = vector.broadcast %squeeze3A_494 : f32 to vector<16xf32>
      %mul3A_496 = arith.mulf %gather3A_485, %mul3A_495 : vector<16xf32>
      %add3A_497 = arith.addf %add3A_481, %mul3A_496 : vector<16xf32>
      %add3A_498 = arith.constant 27 : i32
      %add3A_499 = vector.broadcast %add3A_498 : i32 to vector<16xi32>
      %add3A_500 = arith.addi %add3A_62, %add3A_499 : vector<16xi32>
      %gather3A_501 = tpu.vector_load_idx %arg6[%add3A_500] : memref<25088xf32, #tpu.memory_space<vmem>>[vector<16xi32>], vector<16xf32>,
      %mul3A_502 = arith.mulf %gather3A_501, %gather3A_501 : vector<16xf32>
      %add3A_503 = arith.addf %add3A_487, %mul3A_502 : vector<16xf32>
      %slice3A_504 = vector.extract_strided_slice %get3A_13 {offsets = [11], sizes = [1], strides = [1]} : vector<16xf32> to vector<1xf32>
      %squeeze3A_505 = vector.extract %slice3A_504[0] : f32 from vector<1xf32>
      %mul3A_506 = vector.broadcast %squeeze3A_505 : f32 to vector<16xf32>
      %mul3A_507 = arith.mulf %gather3A_501, %mul3A_506 : vector<16xf32>
      %add3A_508 = arith.addf %add3A_492, %mul3A_507 : vector<16xf32>
      %slice3A_509 = vector.extract_strided_slice %get3A_25 {offsets = [11], sizes = [1], strides = [1]} : vector<16xf32> to vector<1xf32>
      %squeeze3A_510 = vector.extract %slice3A_509[0] : f32 from vector<1xf32>
      %mul3A_511 = vector.broadcast %squeeze3A_510 : f32 to vector<16xf32>
      %mul3A_512 = arith.mulf %gather3A_501, %mul3A_511 : vector<16xf32>
      %add3A_513 = arith.addf %add3A_497, %mul3A_512 : vector<16xf32>
      %add3A_514 = arith.constant 28 : i32
      %add3A_515 = vector.broadcast %add3A_514 : i32 to vector<16xi32>
      %add3A_516 = arith.addi %add3A_62, %add3A_515 : vector<16xi32>
      %gather3A_517 = tpu.vector_load_idx %arg6[%add3A_516] : memref<25088xf32, #tpu.memory_space<vmem>>[vector<16xi32>], vector<16xf32>,
      %mul3A_518 = arith.mulf %gather3A_517, %gather3A_517 : vector<16xf32>
      %add3A_519 = arith.addf %add3A_503, %mul3A_518 : vector<16xf32>
      %slice3A_520 = vector.extract_strided_slice %get3A_13 {offsets = [12], sizes = [1], strides = [1]} : vector<16xf32> to vector<1xf32>
      %squeeze3A_521 = vector.extract %slice3A_520[0] : f32 from vector<1xf32>
      %mul3A_522 = vector.broadcast %squeeze3A_521 : f32 to vector<16xf32>
      %mul3A_523 = arith.mulf %gather3A_517, %mul3A_522 : vector<16xf32>
      %add3A_524 = arith.addf %add3A_508, %mul3A_523 : vector<16xf32>
      %slice3A_525 = vector.extract_strided_slice %get3A_25 {offsets = [12], sizes = [1], strides = [1]} : vector<16xf32> to vector<1xf32>
      %squeeze3A_526 = vector.extract %slice3A_525[0] : f32 from vector<1xf32>
      %mul3A_527 = vector.broadcast %squeeze3A_526 : f32 to vector<16xf32>
      %mul3A_528 = arith.mulf %gather3A_517, %mul3A_527 : vector<16xf32>
      %add3A_529 = arith.addf %add3A_513, %mul3A_528 : vector<16xf32>
      %add3A_530 = arith.constant 29 : i32
      %add3A_531 = vector.broadcast %add3A_530 : i32 to vector<16xi32>
      %add3A_532 = arith.addi %add3A_62, %add3A_531 : vector<16xi32>
      %gather3A_533 = tpu.vector_load_idx %arg6[%add3A_532] : memref<25088xf32, #tpu.memory_space<vmem>>[vector<16xi32>], vector<16xf32>,
      %mul3A_534 = arith.mulf %gather3A_533, %gather3A_533 : vector<16xf32>
      %add3A_535 = arith.addf %add3A_519, %mul3A_534 : vector<16xf32>
      %slice3A_536 = vector.extract_strided_slice %get3A_13 {offsets = [13], sizes = [1], strides = [1]} : vector<16xf32> to vector<1xf32>
      %squeeze3A_537 = vector.extract %slice3A_536[0] : f32 from vector<1xf32>
      %mul3A_538 = vector.broadcast %squeeze3A_537 : f32 to vector<16xf32>
      %mul3A_539 = arith.mulf %gather3A_533, %mul3A_538 : vector<16xf32>
      %add3A_540 = arith.addf %add3A_524, %mul3A_539 : vector<16xf32>
      %slice3A_541 = vector.extract_strided_slice %get3A_25 {offsets = [13], sizes = [1], strides = [1]} : vector<16xf32> to vector<1xf32>
      %squeeze3A_542 = vector.extract %slice3A_541[0] : f32 from vector<1xf32>
      %mul3A_543 = vector.broadcast %squeeze3A_542 : f32 to vector<16xf32>
      %mul3A_544 = arith.mulf %gather3A_533, %mul3A_543 : vector<16xf32>
      %add3A_545 = arith.addf %add3A_529, %mul3A_544 : vector<16xf32>
      %add3A_546 = arith.constant 30 : i32
      %add3A_547 = vector.broadcast %add3A_546 : i32 to vector<16xi32>
      %add3A_548 = arith.addi %add3A_62, %add3A_547 : vector<16xi32>
      %gather3A_549 = tpu.vector_load_idx %arg6[%add3A_548] : memref<25088xf32, #tpu.memory_space<vmem>>[vector<16xi32>], vector<16xf32>,
      %mul3A_550 = arith.mulf %gather3A_549, %gather3A_549 : vector<16xf32>
      %add3A_551 = arith.addf %add3A_535, %mul3A_550 : vector<16xf32>
      %slice3A_552 = vector.extract_strided_slice %get3A_13 {offsets = [14], sizes = [1], strides = [1]} : vector<16xf32> to vector<1xf32>
      %squeeze3A_553 = vector.extract %slice3A_552[0] : f32 from vector<1xf32>
      %mul3A_554 = vector.broadcast %squeeze3A_553 : f32 to vector<16xf32>
      %mul3A_555 = arith.mulf %gather3A_549, %mul3A_554 : vector<16xf32>
      %add3A_556 = arith.addf %add3A_540, %mul3A_555 : vector<16xf32>
      %slice3A_557 = vector.extract_strided_slice %get3A_25 {offsets = [14], sizes = [1], strides = [1]} : vector<16xf32> to vector<1xf32>
      %squeeze3A_558 = vector.extract %slice3A_557[0] : f32 from vector<1xf32>
      %mul3A_559 = vector.broadcast %squeeze3A_558 : f32 to vector<16xf32>
      %mul3A_560 = arith.mulf %gather3A_549, %mul3A_559 : vector<16xf32>
      %add3A_561 = arith.addf %add3A_545, %mul3A_560 : vector<16xf32>
      %add3A_562 = arith.constant 31 : i32
      %add3A_563 = vector.broadcast %add3A_562 : i32 to vector<16xi32>
      %add3A_564 = arith.addi %add3A_62, %add3A_563 : vector<16xi32>
      %gather3A_565 = tpu.vector_load_idx %arg6[%add3A_564] : memref<25088xf32, #tpu.memory_space<vmem>>[vector<16xi32>], vector<16xf32>,
      %mul3A_566 = arith.mulf %gather3A_565, %gather3A_565 : vector<16xf32>
      %add3A_567 = arith.addf %add3A_551, %mul3A_566 : vector<16xf32>
      %slice3A_568 = vector.extract_strided_slice %get3A_13 {offsets = [15], sizes = [1], strides = [1]} : vector<16xf32> to vector<1xf32>
      %squeeze3A_569 = vector.extract %slice3A_568[0] : f32 from vector<1xf32>
      %mul3A_570 = vector.broadcast %squeeze3A_569 : f32 to vector<16xf32>
      %mul3A_571 = arith.mulf %gather3A_565, %mul3A_570 : vector<16xf32>
      %add3A_572 = arith.addf %add3A_556, %mul3A_571 : vector<16xf32>
      %slice3A_573 = vector.extract_strided_slice %get3A_25 {offsets = [15], sizes = [1], strides = [1]} : vector<16xf32> to vector<1xf32>
      %squeeze3A_574 = vector.extract %slice3A_573[0] : f32 from vector<1xf32>
      %mul3A_575 = vector.broadcast %squeeze3A_574 : f32 to vector<16xf32>
      %mul3A_576 = arith.mulf %gather3A_565, %mul3A_575 : vector<16xf32>
      %add3A_577 = arith.addf %add3A_561, %mul3A_576 : vector<16xf32>
      %add3A_578 = arith.constant 32 : i32
      %add3A_579 = vector.broadcast %add3A_578 : i32 to vector<16xi32>
      %add3A_580 = arith.addi %add3A_62, %add3A_579 : vector<16xi32>
      %gather3A_581 = tpu.vector_load_idx %arg6[%add3A_580] : memref<25088xf32, #tpu.memory_space<vmem>>[vector<16xi32>], vector<16xf32>,
      %mul3A_582 = arith.mulf %gather3A_581, %gather3A_581 : vector<16xf32>
      %add3A_583 = arith.addf %add3A_567, %mul3A_582 : vector<16xf32>
      %slice3A_584 = vector.extract_strided_slice %get3A_16 {offsets = [0], sizes = [1], strides = [1]} : vector<16xf32> to vector<1xf32>
      %squeeze3A_585 = vector.extract %slice3A_584[0] : f32 from vector<1xf32>
      %mul3A_586 = vector.broadcast %squeeze3A_585 : f32 to vector<16xf32>
      %mul3A_587 = arith.mulf %gather3A_581, %mul3A_586 : vector<16xf32>
      %add3A_588 = arith.addf %add3A_572, %mul3A_587 : vector<16xf32>
      %slice3A_589 = vector.extract_strided_slice %get3A_28 {offsets = [0], sizes = [1], strides = [1]} : vector<16xf32> to vector<1xf32>
      %squeeze3A_590 = vector.extract %slice3A_589[0] : f32 from vector<1xf32>
      %mul3A_591 = vector.broadcast %squeeze3A_590 : f32 to vector<16xf32>
      %mul3A_592 = arith.mulf %gather3A_581, %mul3A_591 : vector<16xf32>
      %add3A_593 = arith.addf %add3A_577, %mul3A_592 : vector<16xf32>
      %add3A_594 = arith.constant 33 : i32
      %add3A_595 = vector.broadcast %add3A_594 : i32 to vector<16xi32>
      %add3A_596 = arith.addi %add3A_62, %add3A_595 : vector<16xi32>
      %gather3A_597 = tpu.vector_load_idx %arg6[%add3A_596] : memref<25088xf32, #tpu.memory_space<vmem>>[vector<16xi32>], vector<16xf32>,
      %mul3A_598 = arith.mulf %gather3A_597, %gather3A_597 : vector<16xf32>
      %add3A_599 = arith.addf %add3A_583, %mul3A_598 : vector<16xf32>
      %slice3A_600 = vector.extract_strided_slice %get3A_16 {offsets = [1], sizes = [1], strides = [1]} : vector<16xf32> to vector<1xf32>
      %squeeze3A_601 = vector.extract %slice3A_600[0] : f32 from vector<1xf32>
      %mul3A_602 = vector.broadcast %squeeze3A_601 : f32 to vector<16xf32>
      %mul3A_603 = arith.mulf %gather3A_597, %mul3A_602 : vector<16xf32>
      %add3A_604 = arith.addf %add3A_588, %mul3A_603 : vector<16xf32>
      %slice3A_605 = vector.extract_strided_slice %get3A_28 {offsets = [1], sizes = [1], strides = [1]} : vector<16xf32> to vector<1xf32>
      %squeeze3A_606 = vector.extract %slice3A_605[0] : f32 from vector<1xf32>
      %mul3A_607 = vector.broadcast %squeeze3A_606 : f32 to vector<16xf32>
      %mul3A_608 = arith.mulf %gather3A_597, %mul3A_607 : vector<16xf32>
      %add3A_609 = arith.addf %add3A_593, %mul3A_608 : vector<16xf32>
      %add3A_610 = arith.constant 34 : i32
      %add3A_611 = vector.broadcast %add3A_610 : i32 to vector<16xi32>
      %add3A_612 = arith.addi %add3A_62, %add3A_611 : vector<16xi32>
      %gather3A_613 = tpu.vector_load_idx %arg6[%add3A_612] : memref<25088xf32, #tpu.memory_space<vmem>>[vector<16xi32>], vector<16xf32>,
      %mul3A_614 = arith.mulf %gather3A_613, %gather3A_613 : vector<16xf32>
      %add3A_615 = arith.addf %add3A_599, %mul3A_614 : vector<16xf32>
      %slice3A_616 = vector.extract_strided_slice %get3A_16 {offsets = [2], sizes = [1], strides = [1]} : vector<16xf32> to vector<1xf32>
      %squeeze3A_617 = vector.extract %slice3A_616[0] : f32 from vector<1xf32>
      %mul3A_618 = vector.broadcast %squeeze3A_617 : f32 to vector<16xf32>
      %mul3A_619 = arith.mulf %gather3A_613, %mul3A_618 : vector<16xf32>
      %add3A_620 = arith.addf %add3A_604, %mul3A_619 : vector<16xf32>
      %slice3A_621 = vector.extract_strided_slice %get3A_28 {offsets = [2], sizes = [1], strides = [1]} : vector<16xf32> to vector<1xf32>
      %squeeze3A_622 = vector.extract %slice3A_621[0] : f32 from vector<1xf32>
      %mul3A_623 = vector.broadcast %squeeze3A_622 : f32 to vector<16xf32>
      %mul3A_624 = arith.mulf %gather3A_613, %mul3A_623 : vector<16xf32>
      %add3A_625 = arith.addf %add3A_609, %mul3A_624 : vector<16xf32>
      %add3A_626 = arith.constant 35 : i32
      %add3A_627 = vector.broadcast %add3A_626 : i32 to vector<16xi32>
      %add3A_628 = arith.addi %add3A_62, %add3A_627 : vector<16xi32>
      %gather3A_629 = tpu.vector_load_idx %arg6[%add3A_628] : memref<25088xf32, #tpu.memory_space<vmem>>[vector<16xi32>], vector<16xf32>,
      %mul3A_630 = arith.mulf %gather3A_629, %gather3A_629 : vector<16xf32>
      %add3A_631 = arith.addf %add3A_615, %mul3A_630 : vector<16xf32>
      %slice3A_632 = vector.extract_strided_slice %get3A_16 {offsets = [3], sizes = [1], strides = [1]} : vector<16xf32> to vector<1xf32>
      %squeeze3A_633 = vector.extract %slice3A_632[0] : f32 from vector<1xf32>
      %mul3A_634 = vector.broadcast %squeeze3A_633 : f32 to vector<16xf32>
      %mul3A_635 = arith.mulf %gather3A_629, %mul3A_634 : vector<16xf32>
      %add3A_636 = arith.addf %add3A_620, %mul3A_635 : vector<16xf32>
      %slice3A_637 = vector.extract_strided_slice %get3A_28 {offsets = [3], sizes = [1], strides = [1]} : vector<16xf32> to vector<1xf32>
      %squeeze3A_638 = vector.extract %slice3A_637[0] : f32 from vector<1xf32>
      %mul3A_639 = vector.broadcast %squeeze3A_638 : f32 to vector<16xf32>
      %mul3A_640 = arith.mulf %gather3A_629, %mul3A_639 : vector<16xf32>
      %add3A_641 = arith.addf %add3A_625, %mul3A_640 : vector<16xf32>
      %add3A_642 = arith.constant 36 : i32
      %add3A_643 = vector.broadcast %add3A_642 : i32 to vector<16xi32>
      %add3A_644 = arith.addi %add3A_62, %add3A_643 : vector<16xi32>
      %gather3A_645 = tpu.vector_load_idx %arg6[%add3A_644] : memref<25088xf32, #tpu.memory_space<vmem>>[vector<16xi32>], vector<16xf32>,
      %mul3A_646 = arith.mulf %gather3A_645, %gather3A_645 : vector<16xf32>
      %add3A_647 = arith.addf %add3A_631, %mul3A_646 : vector<16xf32>
      %slice3A_648 = vector.extract_strided_slice %get3A_16 {offsets = [4], sizes = [1], strides = [1]} : vector<16xf32> to vector<1xf32>
      %squeeze3A_649 = vector.extract %slice3A_648[0] : f32 from vector<1xf32>
      %mul3A_650 = vector.broadcast %squeeze3A_649 : f32 to vector<16xf32>
      %mul3A_651 = arith.mulf %gather3A_645, %mul3A_650 : vector<16xf32>
      %add3A_652 = arith.addf %add3A_636, %mul3A_651 : vector<16xf32>
      %slice3A_653 = vector.extract_strided_slice %get3A_28 {offsets = [4], sizes = [1], strides = [1]} : vector<16xf32> to vector<1xf32>
      %squeeze3A_654 = vector.extract %slice3A_653[0] : f32 from vector<1xf32>
      %mul3A_655 = vector.broadcast %squeeze3A_654 : f32 to vector<16xf32>
      %mul3A_656 = arith.mulf %gather3A_645, %mul3A_655 : vector<16xf32>
      %add3A_657 = arith.addf %add3A_641, %mul3A_656 : vector<16xf32>
      %add3A_658 = arith.constant 37 : i32
      %add3A_659 = vector.broadcast %add3A_658 : i32 to vector<16xi32>
      %add3A_660 = arith.addi %add3A_62, %add3A_659 : vector<16xi32>
      %gather3A_661 = tpu.vector_load_idx %arg6[%add3A_660] : memref<25088xf32, #tpu.memory_space<vmem>>[vector<16xi32>], vector<16xf32>,
      %mul3A_662 = arith.mulf %gather3A_661, %gather3A_661 : vector<16xf32>
      %add3A_663 = arith.addf %add3A_647, %mul3A_662 : vector<16xf32>
      %slice3A_664 = vector.extract_strided_slice %get3A_16 {offsets = [5], sizes = [1], strides = [1]} : vector<16xf32> to vector<1xf32>
      %squeeze3A_665 = vector.extract %slice3A_664[0] : f32 from vector<1xf32>
      %mul3A_666 = vector.broadcast %squeeze3A_665 : f32 to vector<16xf32>
      %mul3A_667 = arith.mulf %gather3A_661, %mul3A_666 : vector<16xf32>
      %add3A_668 = arith.addf %add3A_652, %mul3A_667 : vector<16xf32>
      %slice3A_669 = vector.extract_strided_slice %get3A_28 {offsets = [5], sizes = [1], strides = [1]} : vector<16xf32> to vector<1xf32>
      %squeeze3A_670 = vector.extract %slice3A_669[0] : f32 from vector<1xf32>
      %mul3A_671 = vector.broadcast %squeeze3A_670 : f32 to vector<16xf32>
      %mul3A_672 = arith.mulf %gather3A_661, %mul3A_671 : vector<16xf32>
      %add3A_673 = arith.addf %add3A_657, %mul3A_672 : vector<16xf32>
      %add3A_674 = arith.constant 38 : i32
      %add3A_675 = vector.broadcast %add3A_674 : i32 to vector<16xi32>
      %add3A_676 = arith.addi %add3A_62, %add3A_675 : vector<16xi32>
      %gather3A_677 = tpu.vector_load_idx %arg6[%add3A_676] : memref<25088xf32, #tpu.memory_space<vmem>>[vector<16xi32>], vector<16xf32>,
      %mul3A_678 = arith.mulf %gather3A_677, %gather3A_677 : vector<16xf32>
      %add3A_679 = arith.addf %add3A_663, %mul3A_678 : vector<16xf32>
      %slice3A_680 = vector.extract_strided_slice %get3A_16 {offsets = [6], sizes = [1], strides = [1]} : vector<16xf32> to vector<1xf32>
      %squeeze3A_681 = vector.extract %slice3A_680[0] : f32 from vector<1xf32>
      %mul3A_682 = vector.broadcast %squeeze3A_681 : f32 to vector<16xf32>
      %mul3A_683 = arith.mulf %gather3A_677, %mul3A_682 : vector<16xf32>
      %add3A_684 = arith.addf %add3A_668, %mul3A_683 : vector<16xf32>
      %slice3A_685 = vector.extract_strided_slice %get3A_28 {offsets = [6], sizes = [1], strides = [1]} : vector<16xf32> to vector<1xf32>
      %squeeze3A_686 = vector.extract %slice3A_685[0] : f32 from vector<1xf32>
      %mul3A_687 = vector.broadcast %squeeze3A_686 : f32 to vector<16xf32>
      %mul3A_688 = arith.mulf %gather3A_677, %mul3A_687 : vector<16xf32>
      %add3A_689 = arith.addf %add3A_673, %mul3A_688 : vector<16xf32>
      %add3A_690 = arith.constant 39 : i32
      %add3A_691 = vector.broadcast %add3A_690 : i32 to vector<16xi32>
      %add3A_692 = arith.addi %add3A_62, %add3A_691 : vector<16xi32>
      %gather3A_693 = tpu.vector_load_idx %arg6[%add3A_692] : memref<25088xf32, #tpu.memory_space<vmem>>[vector<16xi32>], vector<16xf32>,
      %mul3A_694 = arith.mulf %gather3A_693, %gather3A_693 : vector<16xf32>
      %add3A_695 = arith.addf %add3A_679, %mul3A_694 : vector<16xf32>
      %slice3A_696 = vector.extract_strided_slice %get3A_16 {offsets = [7], sizes = [1], strides = [1]} : vector<16xf32> to vector<1xf32>
      %squeeze3A_697 = vector.extract %slice3A_696[0] : f32 from vector<1xf32>
      %mul3A_698 = vector.broadcast %squeeze3A_697 : f32 to vector<16xf32>
      %mul3A_699 = arith.mulf %gather3A_693, %mul3A_698 : vector<16xf32>
      %add3A_700 = arith.addf %add3A_684, %mul3A_699 : vector<16xf32>
      %slice3A_701 = vector.extract_strided_slice %get3A_28 {offsets = [7], sizes = [1], strides = [1]} : vector<16xf32> to vector<1xf32>
      %squeeze3A_702 = vector.extract %slice3A_701[0] : f32 from vector<1xf32>
      %mul3A_703 = vector.broadcast %squeeze3A_702 : f32 to vector<16xf32>
      %mul3A_704 = arith.mulf %gather3A_693, %mul3A_703 : vector<16xf32>
      %add3A_705 = arith.addf %add3A_689, %mul3A_704 : vector<16xf32>
      %add3A_706 = arith.constant 40 : i32
      %add3A_707 = vector.broadcast %add3A_706 : i32 to vector<16xi32>
      %add3A_708 = arith.addi %add3A_62, %add3A_707 : vector<16xi32>
      %gather3A_709 = tpu.vector_load_idx %arg6[%add3A_708] : memref<25088xf32, #tpu.memory_space<vmem>>[vector<16xi32>], vector<16xf32>,
      %mul3A_710 = arith.mulf %gather3A_709, %gather3A_709 : vector<16xf32>
      %add3A_711 = arith.addf %add3A_695, %mul3A_710 : vector<16xf32>
      %slice3A_712 = vector.extract_strided_slice %get3A_16 {offsets = [8], sizes = [1], strides = [1]} : vector<16xf32> to vector<1xf32>
      %squeeze3A_713 = vector.extract %slice3A_712[0] : f32 from vector<1xf32>
      %mul3A_714 = vector.broadcast %squeeze3A_713 : f32 to vector<16xf32>
      %mul3A_715 = arith.mulf %gather3A_709, %mul3A_714 : vector<16xf32>
      %add3A_716 = arith.addf %add3A_700, %mul3A_715 : vector<16xf32>
      %slice3A_717 = vector.extract_strided_slice %get3A_28 {offsets = [8], sizes = [1], strides = [1]} : vector<16xf32> to vector<1xf32>
      %squeeze3A_718 = vector.extract %slice3A_717[0] : f32 from vector<1xf32>
      %mul3A_719 = vector.broadcast %squeeze3A_718 : f32 to vector<16xf32>
      %mul3A_720 = arith.mulf %gather3A_709, %mul3A_719 : vector<16xf32>
      %add3A_721 = arith.addf %add3A_705, %mul3A_720 : vector<16xf32>
      %add3A_722 = arith.constant 41 : i32
      %add3A_723 = vector.broadcast %add3A_722 : i32 to vector<16xi32>
      %add3A_724 = arith.addi %add3A_62, %add3A_723 : vector<16xi32>
      %gather3A_725 = tpu.vector_load_idx %arg6[%add3A_724] : memref<25088xf32, #tpu.memory_space<vmem>>[vector<16xi32>], vector<16xf32>,
      %mul3A_726 = arith.mulf %gather3A_725, %gather3A_725 : vector<16xf32>
      %add3A_727 = arith.addf %add3A_711, %mul3A_726 : vector<16xf32>
      %slice3A_728 = vector.extract_strided_slice %get3A_16 {offsets = [9], sizes = [1], strides = [1]} : vector<16xf32> to vector<1xf32>
      %squeeze3A_729 = vector.extract %slice3A_728[0] : f32 from vector<1xf32>
      %mul3A_730 = vector.broadcast %squeeze3A_729 : f32 to vector<16xf32>
      %mul3A_731 = arith.mulf %gather3A_725, %mul3A_730 : vector<16xf32>
      %add3A_732 = arith.addf %add3A_716, %mul3A_731 : vector<16xf32>
      %slice3A_733 = vector.extract_strided_slice %get3A_28 {offsets = [9], sizes = [1], strides = [1]} : vector<16xf32> to vector<1xf32>
      %squeeze3A_734 = vector.extract %slice3A_733[0] : f32 from vector<1xf32>
      %mul3A_735 = vector.broadcast %squeeze3A_734 : f32 to vector<16xf32>
      %mul3A_736 = arith.mulf %gather3A_725, %mul3A_735 : vector<16xf32>
      %add3A_737 = arith.addf %add3A_721, %mul3A_736 : vector<16xf32>
      %add3A_738 = arith.constant 42 : i32
      %add3A_739 = vector.broadcast %add3A_738 : i32 to vector<16xi32>
      %add3A_740 = arith.addi %add3A_62, %add3A_739 : vector<16xi32>
      %gather3A_741 = tpu.vector_load_idx %arg6[%add3A_740] : memref<25088xf32, #tpu.memory_space<vmem>>[vector<16xi32>], vector<16xf32>,
      %mul3A_742 = arith.mulf %gather3A_741, %gather3A_741 : vector<16xf32>
      %add3A_743 = arith.addf %add3A_727, %mul3A_742 : vector<16xf32>
      %slice3A_744 = vector.extract_strided_slice %get3A_16 {offsets = [10], sizes = [1], strides = [1]} : vector<16xf32> to vector<1xf32>
      %squeeze3A_745 = vector.extract %slice3A_744[0] : f32 from vector<1xf32>
      %mul3A_746 = vector.broadcast %squeeze3A_745 : f32 to vector<16xf32>
      %mul3A_747 = arith.mulf %gather3A_741, %mul3A_746 : vector<16xf32>
      %add3A_748 = arith.addf %add3A_732, %mul3A_747 : vector<16xf32>
      %slice3A_749 = vector.extract_strided_slice %get3A_28 {offsets = [10], sizes = [1], strides = [1]} : vector<16xf32> to vector<1xf32>
      %squeeze3A_750 = vector.extract %slice3A_749[0] : f32 from vector<1xf32>
      %mul3A_751 = vector.broadcast %squeeze3A_750 : f32 to vector<16xf32>
      %mul3A_752 = arith.mulf %gather3A_741, %mul3A_751 : vector<16xf32>
      %add3A_753 = arith.addf %add3A_737, %mul3A_752 : vector<16xf32>
      %add3A_754 = arith.constant 43 : i32
      %add3A_755 = vector.broadcast %add3A_754 : i32 to vector<16xi32>
      %add3A_756 = arith.addi %add3A_62, %add3A_755 : vector<16xi32>
      %gather3A_757 = tpu.vector_load_idx %arg6[%add3A_756] : memref<25088xf32, #tpu.memory_space<vmem>>[vector<16xi32>], vector<16xf32>,
      %mul3A_758 = arith.mulf %gather3A_757, %gather3A_757 : vector<16xf32>
      %add3A_759 = arith.addf %add3A_743, %mul3A_758 : vector<16xf32>
      %slice3A_760 = vector.extract_strided_slice %get3A_16 {offsets = [11], sizes = [1], strides = [1]} : vector<16xf32> to vector<1xf32>
      %squeeze3A_761 = vector.extract %slice3A_760[0] : f32 from vector<1xf32>
      %mul3A_762 = vector.broadcast %squeeze3A_761 : f32 to vector<16xf32>
      %mul3A_763 = arith.mulf %gather3A_757, %mul3A_762 : vector<16xf32>
      %add3A_764 = arith.addf %add3A_748, %mul3A_763 : vector<16xf32>
      %slice3A_765 = vector.extract_strided_slice %get3A_28 {offsets = [11], sizes = [1], strides = [1]} : vector<16xf32> to vector<1xf32>
      %squeeze3A_766 = vector.extract %slice3A_765[0] : f32 from vector<1xf32>
      %mul3A_767 = vector.broadcast %squeeze3A_766 : f32 to vector<16xf32>
      %mul3A_768 = arith.mulf %gather3A_757, %mul3A_767 : vector<16xf32>
      %add3A_769 = arith.addf %add3A_753, %mul3A_768 : vector<16xf32>
      %add3A_770 = arith.constant 44 : i32
      %add3A_771 = vector.broadcast %add3A_770 : i32 to vector<16xi32>
      %add3A_772 = arith.addi %add3A_62, %add3A_771 : vector<16xi32>
      %gather3A_773 = tpu.vector_load_idx %arg6[%add3A_772] : memref<25088xf32, #tpu.memory_space<vmem>>[vector<16xi32>], vector<16xf32>,
      %mul3A_774 = arith.mulf %gather3A_773, %gather3A_773 : vector<16xf32>
      %add3A_775 = arith.addf %add3A_759, %mul3A_774 : vector<16xf32>
      %slice3A_776 = vector.extract_strided_slice %get3A_16 {offsets = [12], sizes = [1], strides = [1]} : vector<16xf32> to vector<1xf32>
      %squeeze3A_777 = vector.extract %slice3A_776[0] : f32 from vector<1xf32>
      %mul3A_778 = vector.broadcast %squeeze3A_777 : f32 to vector<16xf32>
      %mul3A_779 = arith.mulf %gather3A_773, %mul3A_778 : vector<16xf32>
      %add3A_780 = arith.addf %add3A_764, %mul3A_779 : vector<16xf32>
      %slice3A_781 = vector.extract_strided_slice %get3A_28 {offsets = [12], sizes = [1], strides = [1]} : vector<16xf32> to vector<1xf32>
      %squeeze3A_782 = vector.extract %slice3A_781[0] : f32 from vector<1xf32>
      %mul3A_783 = vector.broadcast %squeeze3A_782 : f32 to vector<16xf32>
      %mul3A_784 = arith.mulf %gather3A_773, %mul3A_783 : vector<16xf32>
      %add3A_785 = arith.addf %add3A_769, %mul3A_784 : vector<16xf32>
      %add3A_786 = arith.constant 45 : i32
      %add3A_787 = vector.broadcast %add3A_786 : i32 to vector<16xi32>
      %add3A_788 = arith.addi %add3A_62, %add3A_787 : vector<16xi32>
      %gather3A_789 = tpu.vector_load_idx %arg6[%add3A_788] : memref<25088xf32, #tpu.memory_space<vmem>>[vector<16xi32>], vector<16xf32>,
      %mul3A_790 = arith.mulf %gather3A_789, %gather3A_789 : vector<16xf32>
      %add3A_791 = arith.addf %add3A_775, %mul3A_790 : vector<16xf32>
      %slice3A_792 = vector.extract_strided_slice %get3A_16 {offsets = [13], sizes = [1], strides = [1]} : vector<16xf32> to vector<1xf32>
      %squeeze3A_793 = vector.extract %slice3A_792[0] : f32 from vector<1xf32>
      %mul3A_794 = vector.broadcast %squeeze3A_793 : f32 to vector<16xf32>
      %mul3A_795 = arith.mulf %gather3A_789, %mul3A_794 : vector<16xf32>
      %add3A_796 = arith.addf %add3A_780, %mul3A_795 : vector<16xf32>
      %slice3A_797 = vector.extract_strided_slice %get3A_28 {offsets = [13], sizes = [1], strides = [1]} : vector<16xf32> to vector<1xf32>
      %squeeze3A_798 = vector.extract %slice3A_797[0] : f32 from vector<1xf32>
      %mul3A_799 = vector.broadcast %squeeze3A_798 : f32 to vector<16xf32>
      %mul3A_800 = arith.mulf %gather3A_789, %mul3A_799 : vector<16xf32>
      %add3A_801 = arith.addf %add3A_785, %mul3A_800 : vector<16xf32>
      %add3A_802 = arith.constant 46 : i32
      %add3A_803 = vector.broadcast %add3A_802 : i32 to vector<16xi32>
      %add3A_804 = arith.addi %add3A_62, %add3A_803 : vector<16xi32>
      %gather3A_805 = tpu.vector_load_idx %arg6[%add3A_804] : memref<25088xf32, #tpu.memory_space<vmem>>[vector<16xi32>], vector<16xf32>,
      %mul3A_806 = arith.mulf %gather3A_805, %gather3A_805 : vector<16xf32>
      %add3A_807 = arith.addf %add3A_791, %mul3A_806 : vector<16xf32>
      %slice3A_808 = vector.extract_strided_slice %get3A_16 {offsets = [14], sizes = [1], strides = [1]} : vector<16xf32> to vector<1xf32>
      %squeeze3A_809 = vector.extract %slice3A_808[0] : f32 from vector<1xf32>
      %mul3A_810 = vector.broadcast %squeeze3A_809 : f32 to vector<16xf32>
      %mul3A_811 = arith.mulf %gather3A_805, %mul3A_810 : vector<16xf32>
      %add3A_812 = arith.addf %add3A_796, %mul3A_811 : vector<16xf32>
      %slice3A_813 = vector.extract_strided_slice %get3A_28 {offsets = [14], sizes = [1], strides = [1]} : vector<16xf32> to vector<1xf32>
      %squeeze3A_814 = vector.extract %slice3A_813[0] : f32 from vector<1xf32>
      %mul3A_815 = vector.broadcast %squeeze3A_814 : f32 to vector<16xf32>
      %mul3A_816 = arith.mulf %gather3A_805, %mul3A_815 : vector<16xf32>
      %add3A_817 = arith.addf %add3A_801, %mul3A_816 : vector<16xf32>
      %add3A_818 = arith.constant 47 : i32
      %add3A_819 = vector.broadcast %add3A_818 : i32 to vector<16xi32>
      %add3A_820 = arith.addi %add3A_62, %add3A_819 : vector<16xi32>
      %gather3A_821 = tpu.vector_load_idx %arg6[%add3A_820] : memref<25088xf32, #tpu.memory_space<vmem>>[vector<16xi32>], vector<16xf32>,
      %mul3A_822 = arith.mulf %gather3A_821, %gather3A_821 : vector<16xf32>
      %add3A_823 = arith.addf %add3A_807, %mul3A_822 : vector<16xf32>
      %slice3A_824 = vector.extract_strided_slice %get3A_16 {offsets = [15], sizes = [1], strides = [1]} : vector<16xf32> to vector<1xf32>
      %squeeze3A_825 = vector.extract %slice3A_824[0] : f32 from vector<1xf32>
      %mul3A_826 = vector.broadcast %squeeze3A_825 : f32 to vector<16xf32>
      %mul3A_827 = arith.mulf %gather3A_821, %mul3A_826 : vector<16xf32>
      %add3A_828 = arith.addf %add3A_812, %mul3A_827 : vector<16xf32>
      %slice3A_829 = vector.extract_strided_slice %get3A_28 {offsets = [15], sizes = [1], strides = [1]} : vector<16xf32> to vector<1xf32>
      %squeeze3A_830 = vector.extract %slice3A_829[0] : f32 from vector<1xf32>
      %mul3A_831 = vector.broadcast %squeeze3A_830 : f32 to vector<16xf32>
      %mul3A_832 = arith.mulf %gather3A_821, %mul3A_831 : vector<16xf32>
      %add3A_833 = arith.addf %add3A_817, %mul3A_832 : vector<16xf32>
      %add3A_834 = arith.constant 48 : i32
      %add3A_835 = vector.broadcast %add3A_834 : i32 to vector<16xi32>
      %add3A_836 = arith.addi %add3A_62, %add3A_835 : vector<16xi32>
      %gather3A_837 = tpu.vector_load_idx %arg6[%add3A_836] : memref<25088xf32, #tpu.memory_space<vmem>>[vector<16xi32>], vector<16xf32>,
      %mul3A_838 = arith.mulf %gather3A_837, %gather3A_837 : vector<16xf32>
      %add3A_839 = arith.addf %add3A_823, %mul3A_838 : vector<16xf32>
      %slice3A_840 = vector.extract_strided_slice %get3A_19 {offsets = [15], sizes = [1], strides = [1]} : vector<16xf32> to vector<1xf32>
      %squeeze3A_841 = vector.extract %slice3A_840[0] : f32 from vector<1xf32>
      %mul3A_842 = vector.broadcast %squeeze3A_841 : f32 to vector<16xf32>
      %mul3A_843 = arith.mulf %gather3A_837, %mul3A_842 : vector<16xf32>
      %add3A_844 = arith.addf %add3A_828, %mul3A_843 : vector<16xf32>
      %slice3A_845 = vector.extract_strided_slice %get3A_31 {offsets = [15], sizes = [1], strides = [1]} : vector<16xf32> to vector<1xf32>
      %squeeze3A_846 = vector.extract %slice3A_845[0] : f32 from vector<1xf32>
      %mul3A_847 = vector.broadcast %squeeze3A_846 : f32 to vector<16xf32>
      %mul3A_848 = arith.mulf %gather3A_837, %mul3A_847 : vector<16xf32>
      %add3A_849 = arith.addf %add3A_833, %mul3A_848 : vector<16xf32>
      %mul3A_850 = arith.constant 2.000000e+00 : f32
      %mul3A_851 = vector.broadcast %mul3A_850 : f32 to vector<16xf32>
      %mul3A_852 = arith.mulf %mul3A_851, %add3A_844 : vector<16xf32>
      %sub3A = arith.subf %add3A_839, %mul3A_852 : vector<16xf32>
      %mul3A_853 = arith.constant 2.000000e+00 : f32
      %mul3A_854 = vector.broadcast %mul3A_853 : f32 to vector<16xf32>
      %mul3A_855 = arith.mulf %mul3A_854, %add3A_849 : vector<16xf32>
      %sub3A_856 = arith.subf %add3A_839, %mul3A_855 : vector<16xf32>
      %mul3A_857 = arith.constant 512 : i32
      %mul3A_858 = arith.muli %arg1, %mul3A_857 : i32
      %mul3A_859 = arith.constant 16 : i32
      %mul3A_860 = arith.muli %scan3A_54, %mul3A_859 : i32
      %add3A_861 = arith.addi %mul3A_858, %mul3A_860 : i32
      %add3A_862 = vector.broadcast %add3A_861 : i32 to vector<16xi32>
      %add3A_863 = arith.addi %add3A_862, %iota3A : vector<16xi32>
      %lt3A = arith.cmpf olt, %sub3A, %scan3A_55 : vector<16xf32>
      %lt3A_864 = arith.cmpf olt, %sub3A_856, %scan3A_57 : vector<16xf32>
      %select_n3A = arith.select %lt3A, %sub3A, %scan3A_55 : vector<16xi1>, vector<16xf32>
      %select_n3A_865 = arith.select %lt3A, %add3A_863, %scan3A_56 : vector<16xi1>, vector<16xi32>
      %select_n3A_866 = arith.select %lt3A_864, %sub3A_856, %scan3A_57 : vector<16xi1>, vector<16xf32>
      %select_n3A_867 = arith.select %lt3A_864, %add3A_863, %scan3A_58 : vector<16xi1>, vector<16xi32>
      scf.yield %select_n3A, %select_n3A_865, %select_n3A_866, %select_n3A_867 : vector<16xf32>, vector<16xi32>, vector<16xf32>, vector<16xi32>
    }
    %scan3A_43 = arith.constant 32 : i32
    %swap3A = arith.constant 0 : index
    %swap3A_44 = tpu.vector_load %arg8[%swap3A] {strides = array<i32>} : memref<128xf32, #tpu.memory_space<vmem>>, vector<16xf32>,
    tpu.vector_store %arg8[%swap3A], %scan3A_42#0 {strides = array<i32>} : memref<128xf32, #tpu.memory_space<vmem>>, vector<16xf32>,
    %swap3A_45 = arith.constant 16 : index
    %swap3A_46 = tpu.vector_load %arg8[%swap3A_45] {strides = array<i32>} : memref<128xf32, #tpu.memory_space<vmem>>, vector<16xf32>,
    tpu.vector_store %arg8[%swap3A_45], %scan3A_42#2 {strides = array<i32>} : memref<128xf32, #tpu.memory_space<vmem>>, vector<16xf32>,
    %bitcast3A = vector.bitcast %scan3A_42#1 : vector<16xi32> to vector<16xf32>
    %swap3A_47 = arith.constant 32 : index
    %swap3A_48 = tpu.vector_load %arg8[%swap3A_47] {strides = array<i32>} : memref<128xf32, #tpu.memory_space<vmem>>, vector<16xf32>,
    tpu.vector_store %arg8[%swap3A_47], %bitcast3A {strides = array<i32>} : memref<128xf32, #tpu.memory_space<vmem>>, vector<16xf32>,
    %bitcast3A_49 = vector.bitcast %scan3A_42#3 : vector<16xi32> to vector<16xf32>
    %swap3A_50 = arith.constant 48 : index
    %swap3A_51 = tpu.vector_load %arg8[%swap3A_50] {strides = array<i32>} : memref<128xf32, #tpu.memory_space<vmem>>, vector<16xf32>,
    tpu.vector_store %arg8[%swap3A_50], %bitcast3A_49 {strides = array<i32>} : memref<128xf32, #tpu.memory_space<vmem>>, vector<16xf32>,
    "tpu.region"() ({
      %run_scoped3A = tpu.sem_alloc : memref<!tpu.dma_semaphore, #tpu.memory_space<semaphore_mem>>
      %dma_start3A = arith.constant 0 : i32
      %dma_start3A_54 = tpu.memref_slice %arg9[%arg1, %dma_start3A] : memref<16x128xf32, #tpu.memory_space<vmem_shared>> -> memref<1x128xf32, #tpu.memory_space<vmem_shared>>
      %dma_start3A_55 = tpu.memref_squeeze %dma_start3A_54 : memref<1x128xf32, #tpu.memory_space<vmem_shared>> -> memref<128xf32, #tpu.memory_space<vmem_shared>>
      %dma_start3A_56 = arith.constant 0 : i32
      %dma_start3A_57 = tpu.memref_slice %arg9[%arg1, %dma_start3A_56] : memref<16x128xf32, #tpu.memory_space<vmem_shared>> -> memref<1x128xf32, #tpu.memory_space<vmem_shared>>
      %dma_start3A_58 = tpu.memref_squeeze %dma_start3A_57 : memref<1x128xf32, #tpu.memory_space<vmem_shared>> -> memref<128xf32, #tpu.memory_space<vmem_shared>>
      tpu.enqueue_dma source(%arg8 : memref<128xf32, #tpu.memory_space<vmem>>) target(%dma_start3A_58 : memref<128xf32, #tpu.memory_space<vmem_shared>>) target_semaphore(%run_scoped3A : memref<!tpu.dma_semaphore, #tpu.memory_space<semaphore_mem>>)
      %dma_wait3A = arith.constant 0 : i32
      %dma_wait3A_59 = tpu.memref_slice %arg9[%arg1, %dma_wait3A] : memref<16x128xf32, #tpu.memory_space<vmem_shared>> -> memref<1x128xf32, #tpu.memory_space<vmem_shared>>
      %dma_wait3A_60 = tpu.memref_squeeze %dma_wait3A_59 : memref<1x128xf32, #tpu.memory_space<vmem_shared>> -> memref<128xf32, #tpu.memory_space<vmem_shared>>
      %dma_wait3A_61 = arith.constant 0 : i32
      %dma_wait3A_62 = tpu.memref_slice %arg9[%arg1, %dma_wait3A_61] : memref<16x128xf32, #tpu.memory_space<vmem_shared>> -> memref<1x128xf32, #tpu.memory_space<vmem_shared>>
      %dma_wait3A_63 = tpu.memref_squeeze %dma_wait3A_62 : memref<1x128xf32, #tpu.memory_space<vmem_shared>> -> memref<128xf32, #tpu.memory_space<vmem_shared>>
      tpu.wait_dma2 semaphore(%run_scoped3A : memref<!tpu.dma_semaphore, #tpu.memory_space<semaphore_mem>>) src(%arg8 : memref<128xf32, #tpu.memory_space<vmem>>) dst(%dma_wait3A_63 : memref<128xf32, #tpu.memory_space<vmem_shared>>)
      tpu.yield
    }) : () -> ()
    %barrier3A = arith.constant 0 : index
    tpu.barrier barrier_id(%barrier3A)
    %eq3A = arith.constant 0 : i32
    %eq3A_52 = arith.cmpi eq, %arg1, %eq3A : i32
    %convert_element_type3A = arith.extui %eq3A_52 : i1 to i32
    %cond3A = arith.constant 0 : i32
    %cond3A_53 = arith.cmpi ne, %convert_element_type3A, %cond3A : i32
    scf.if %cond3A_53 {
      "tpu.region"() ({
        %run_scoped3A = tpu.sem_alloc : memref<!tpu.dma_semaphore, #tpu.memory_space<semaphore_mem>>
        tpu.enqueue_dma source(%arg9 : memref<16x128xf32, #tpu.memory_space<vmem_shared>>) target(%arg10 : memref<16x128xf32, #tpu.memory_space<vmem>>) target_semaphore(%run_scoped3A : memref<!tpu.dma_semaphore, #tpu.memory_space<semaphore_mem>>)
        tpu.wait_dma2 semaphore(%run_scoped3A : memref<!tpu.dma_semaphore, #tpu.memory_space<semaphore_mem>>) src(%arg9 : memref<16x128xf32, #tpu.memory_space<vmem_shared>>) dst(%arg10 : memref<16x128xf32, #tpu.memory_space<vmem>>)
        tpu.yield
      }) : () -> ()
      %get3A_54 = arith.constant 0 : i32
      %get3A_55 = arith.index_cast %get3A_54 : i32 to index
      %get3A_56 = arith.constant 0 : index
      %get3A_57 = tpu.vector_load %arg10[%get3A_55, %get3A_56] {strides = array<i32>} : memref<16x128xf32, #tpu.memory_space<vmem>>, vector<16xf32>,
      %get3A_58 = arith.constant 0 : i32
      %get3A_59 = arith.index_cast %get3A_58 : i32 to index
      %get3A_60 = arith.constant 32 : index
      %get3A_61 = tpu.vector_load %arg10[%get3A_59, %get3A_60] {strides = array<i32>} : memref<16x128xf32, #tpu.memory_space<vmem>>, vector<16xf32>,
      %bitcast3A_62 = vector.bitcast %get3A_61 : vector<16xf32> to vector<16xi32>
      %get3A_63 = arith.constant 1 : i32
      %get3A_64 = arith.index_cast %get3A_63 : i32 to index
      %get3A_65 = arith.constant 0 : index
      %get3A_66 = tpu.vector_load %arg10[%get3A_64, %get3A_65] {strides = array<i32>} : memref<16x128xf32, #tpu.memory_space<vmem>>, vector<16xf32>,
      %get3A_67 = arith.constant 1 : i32
      %get3A_68 = arith.index_cast %get3A_67 : i32 to index
      %get3A_69 = arith.constant 32 : index
      %get3A_70 = tpu.vector_load %arg10[%get3A_68, %get3A_69] {strides = array<i32>} : memref<16x128xf32, #tpu.memory_space<vmem>>, vector<16xf32>,
      %bitcast3A_71 = vector.bitcast %get3A_70 : vector<16xf32> to vector<16xi32>
      %lt3A = arith.cmpf olt, %get3A_66, %get3A_57 : vector<16xf32>
      %select_n3A = arith.select %lt3A, %get3A_66, %get3A_57 : vector<16xi1>, vector<16xf32>
      %select_n3A_72 = arith.select %lt3A, %bitcast3A_71, %bitcast3A_62 : vector<16xi1>, vector<16xi32>
      %get3A_73 = arith.constant 2 : i32
      %get3A_74 = arith.index_cast %get3A_73 : i32 to index
      %get3A_75 = arith.constant 0 : index
      %get3A_76 = tpu.vector_load %arg10[%get3A_74, %get3A_75] {strides = array<i32>} : memref<16x128xf32, #tpu.memory_space<vmem>>, vector<16xf32>,
      %get3A_77 = arith.constant 2 : i32
      %get3A_78 = arith.index_cast %get3A_77 : i32 to index
      %get3A_79 = arith.constant 32 : index
      %get3A_80 = tpu.vector_load %arg10[%get3A_78, %get3A_79] {strides = array<i32>} : memref<16x128xf32, #tpu.memory_space<vmem>>, vector<16xf32>,
      %bitcast3A_81 = vector.bitcast %get3A_80 : vector<16xf32> to vector<16xi32>
      %lt3A_82 = arith.cmpf olt, %get3A_76, %select_n3A : vector<16xf32>
      %select_n3A_83 = arith.select %lt3A_82, %get3A_76, %select_n3A : vector<16xi1>, vector<16xf32>
      %select_n3A_84 = arith.select %lt3A_82, %bitcast3A_81, %select_n3A_72 : vector<16xi1>, vector<16xi32>
      %get3A_85 = arith.constant 3 : i32
      %get3A_86 = arith.index_cast %get3A_85 : i32 to index
      %get3A_87 = arith.constant 0 : index
      %get3A_88 = tpu.vector_load %arg10[%get3A_86, %get3A_87] {strides = array<i32>} : memref<16x128xf32, #tpu.memory_space<vmem>>, vector<16xf32>,
      %get3A_89 = arith.constant 3 : i32
      %get3A_90 = arith.index_cast %get3A_89 : i32 to index
      %get3A_91 = arith.constant 32 : index
      %get3A_92 = tpu.vector_load %arg10[%get3A_90, %get3A_91] {strides = array<i32>} : memref<16x128xf32, #tpu.memory_space<vmem>>, vector<16xf32>,
      %bitcast3A_93 = vector.bitcast %get3A_92 : vector<16xf32> to vector<16xi32>
      %lt3A_94 = arith.cmpf olt, %get3A_88, %select_n3A_83 : vector<16xf32>
      %select_n3A_95 = arith.select %lt3A_94, %get3A_88, %select_n3A_83 : vector<16xi1>, vector<16xf32>
      %select_n3A_96 = arith.select %lt3A_94, %bitcast3A_93, %select_n3A_84 : vector<16xi1>, vector<16xi32>
      %get3A_97 = arith.constant 4 : i32
      %get3A_98 = arith.index_cast %get3A_97 : i32 to index
      %get3A_99 = arith.constant 0 : index
      %get3A_100 = tpu.vector_load %arg10[%get3A_98, %get3A_99] {strides = array<i32>} : memref<16x128xf32, #tpu.memory_space<vmem>>, vector<16xf32>,
      %get3A_101 = arith.constant 4 : i32
      %get3A_102 = arith.index_cast %get3A_101 : i32 to index
      %get3A_103 = arith.constant 32 : index
      %get3A_104 = tpu.vector_load %arg10[%get3A_102, %get3A_103] {strides = array<i32>} : memref<16x128xf32, #tpu.memory_space<vmem>>, vector<16xf32>,
      %bitcast3A_105 = vector.bitcast %get3A_104 : vector<16xf32> to vector<16xi32>
      %lt3A_106 = arith.cmpf olt, %get3A_100, %select_n3A_95 : vector<16xf32>
      %select_n3A_107 = arith.select %lt3A_106, %get3A_100, %select_n3A_95 : vector<16xi1>, vector<16xf32>
      %select_n3A_108 = arith.select %lt3A_106, %bitcast3A_105, %select_n3A_96 : vector<16xi1>, vector<16xi32>
      %get3A_109 = arith.constant 5 : i32
      %get3A_110 = arith.index_cast %get3A_109 : i32 to index
      %get3A_111 = arith.constant 0 : index
      %get3A_112 = tpu.vector_load %arg10[%get3A_110, %get3A_111] {strides = array<i32>} : memref<16x128xf32, #tpu.memory_space<vmem>>, vector<16xf32>,
      %get3A_113 = arith.constant 5 : i32
      %get3A_114 = arith.index_cast %get3A_113 : i32 to index
      %get3A_115 = arith.constant 32 : index
      %get3A_116 = tpu.vector_load %arg10[%get3A_114, %get3A_115] {strides = array<i32>} : memref<16x128xf32, #tpu.memory_space<vmem>>, vector<16xf32>,
      %bitcast3A_117 = vector.bitcast %get3A_116 : vector<16xf32> to vector<16xi32>
      %lt3A_118 = arith.cmpf olt, %get3A_112, %select_n3A_107 : vector<16xf32>
      %select_n3A_119 = arith.select %lt3A_118, %get3A_112, %select_n3A_107 : vector<16xi1>, vector<16xf32>
      %select_n3A_120 = arith.select %lt3A_118, %bitcast3A_117, %select_n3A_108 : vector<16xi1>, vector<16xi32>
      %get3A_121 = arith.constant 6 : i32
      %get3A_122 = arith.index_cast %get3A_121 : i32 to index
      %get3A_123 = arith.constant 0 : index
      %get3A_124 = tpu.vector_load %arg10[%get3A_122, %get3A_123] {strides = array<i32>} : memref<16x128xf32, #tpu.memory_space<vmem>>, vector<16xf32>,
      %get3A_125 = arith.constant 6 : i32
      %get3A_126 = arith.index_cast %get3A_125 : i32 to index
      %get3A_127 = arith.constant 32 : index
      %get3A_128 = tpu.vector_load %arg10[%get3A_126, %get3A_127] {strides = array<i32>} : memref<16x128xf32, #tpu.memory_space<vmem>>, vector<16xf32>,
      %bitcast3A_129 = vector.bitcast %get3A_128 : vector<16xf32> to vector<16xi32>
      %lt3A_130 = arith.cmpf olt, %get3A_124, %select_n3A_119 : vector<16xf32>
      %select_n3A_131 = arith.select %lt3A_130, %get3A_124, %select_n3A_119 : vector<16xi1>, vector<16xf32>
      %select_n3A_132 = arith.select %lt3A_130, %bitcast3A_129, %select_n3A_120 : vector<16xi1>, vector<16xi32>
      %get3A_133 = arith.constant 7 : i32
      %get3A_134 = arith.index_cast %get3A_133 : i32 to index
      %get3A_135 = arith.constant 0 : index
      %get3A_136 = tpu.vector_load %arg10[%get3A_134, %get3A_135] {strides = array<i32>} : memref<16x128xf32, #tpu.memory_space<vmem>>, vector<16xf32>,
      %get3A_137 = arith.constant 7 : i32
      %get3A_138 = arith.index_cast %get3A_137 : i32 to index
      %get3A_139 = arith.constant 32 : index
      %get3A_140 = tpu.vector_load %arg10[%get3A_138, %get3A_139] {strides = array<i32>} : memref<16x128xf32, #tpu.memory_space<vmem>>, vector<16xf32>,
      %bitcast3A_141 = vector.bitcast %get3A_140 : vector<16xf32> to vector<16xi32>
      %lt3A_142 = arith.cmpf olt, %get3A_136, %select_n3A_131 : vector<16xf32>
      %select_n3A_143 = arith.select %lt3A_142, %get3A_136, %select_n3A_131 : vector<16xi1>, vector<16xf32>
      %select_n3A_144 = arith.select %lt3A_142, %bitcast3A_141, %select_n3A_132 : vector<16xi1>, vector<16xi32>
      %get3A_145 = arith.constant 8 : i32
      %get3A_146 = arith.index_cast %get3A_145 : i32 to index
      %get3A_147 = arith.constant 0 : index
      %get3A_148 = tpu.vector_load %arg10[%get3A_146, %get3A_147] {strides = array<i32>} : memref<16x128xf32, #tpu.memory_space<vmem>>, vector<16xf32>,
      %get3A_149 = arith.constant 8 : i32
      %get3A_150 = arith.index_cast %get3A_149 : i32 to index
      %get3A_151 = arith.constant 32 : index
      %get3A_152 = tpu.vector_load %arg10[%get3A_150, %get3A_151] {strides = array<i32>} : memref<16x128xf32, #tpu.memory_space<vmem>>, vector<16xf32>,
      %bitcast3A_153 = vector.bitcast %get3A_152 : vector<16xf32> to vector<16xi32>
      %lt3A_154 = arith.cmpf olt, %get3A_148, %select_n3A_143 : vector<16xf32>
      %select_n3A_155 = arith.select %lt3A_154, %get3A_148, %select_n3A_143 : vector<16xi1>, vector<16xf32>
      %select_n3A_156 = arith.select %lt3A_154, %bitcast3A_153, %select_n3A_144 : vector<16xi1>, vector<16xi32>
      %get3A_157 = arith.constant 9 : i32
      %get3A_158 = arith.index_cast %get3A_157 : i32 to index
      %get3A_159 = arith.constant 0 : index
      %get3A_160 = tpu.vector_load %arg10[%get3A_158, %get3A_159] {strides = array<i32>} : memref<16x128xf32, #tpu.memory_space<vmem>>, vector<16xf32>,
      %get3A_161 = arith.constant 9 : i32
      %get3A_162 = arith.index_cast %get3A_161 : i32 to index
      %get3A_163 = arith.constant 32 : index
      %get3A_164 = tpu.vector_load %arg10[%get3A_162, %get3A_163] {strides = array<i32>} : memref<16x128xf32, #tpu.memory_space<vmem>>, vector<16xf32>,
      %bitcast3A_165 = vector.bitcast %get3A_164 : vector<16xf32> to vector<16xi32>
      %lt3A_166 = arith.cmpf olt, %get3A_160, %select_n3A_155 : vector<16xf32>
      %select_n3A_167 = arith.select %lt3A_166, %get3A_160, %select_n3A_155 : vector<16xi1>, vector<16xf32>
      %select_n3A_168 = arith.select %lt3A_166, %bitcast3A_165, %select_n3A_156 : vector<16xi1>, vector<16xi32>
      %get3A_169 = arith.constant 10 : i32
      %get3A_170 = arith.index_cast %get3A_169 : i32 to index
      %get3A_171 = arith.constant 0 : index
      %get3A_172 = tpu.vector_load %arg10[%get3A_170, %get3A_171] {strides = array<i32>} : memref<16x128xf32, #tpu.memory_space<vmem>>, vector<16xf32>,
      %get3A_173 = arith.constant 10 : i32
      %get3A_174 = arith.index_cast %get3A_173 : i32 to index
      %get3A_175 = arith.constant 32 : index
      %get3A_176 = tpu.vector_load %arg10[%get3A_174, %get3A_175] {strides = array<i32>} : memref<16x128xf32, #tpu.memory_space<vmem>>, vector<16xf32>,
      %bitcast3A_177 = vector.bitcast %get3A_176 : vector<16xf32> to vector<16xi32>
      %lt3A_178 = arith.cmpf olt, %get3A_172, %select_n3A_167 : vector<16xf32>
      %select_n3A_179 = arith.select %lt3A_178, %get3A_172, %select_n3A_167 : vector<16xi1>, vector<16xf32>
      %select_n3A_180 = arith.select %lt3A_178, %bitcast3A_177, %select_n3A_168 : vector<16xi1>, vector<16xi32>
      %get3A_181 = arith.constant 11 : i32
      %get3A_182 = arith.index_cast %get3A_181 : i32 to index
      %get3A_183 = arith.constant 0 : index
      %get3A_184 = tpu.vector_load %arg10[%get3A_182, %get3A_183] {strides = array<i32>} : memref<16x128xf32, #tpu.memory_space<vmem>>, vector<16xf32>,
      %get3A_185 = arith.constant 11 : i32
      %get3A_186 = arith.index_cast %get3A_185 : i32 to index
      %get3A_187 = arith.constant 32 : index
      %get3A_188 = tpu.vector_load %arg10[%get3A_186, %get3A_187] {strides = array<i32>} : memref<16x128xf32, #tpu.memory_space<vmem>>, vector<16xf32>,
      %bitcast3A_189 = vector.bitcast %get3A_188 : vector<16xf32> to vector<16xi32>
      %lt3A_190 = arith.cmpf olt, %get3A_184, %select_n3A_179 : vector<16xf32>
      %select_n3A_191 = arith.select %lt3A_190, %get3A_184, %select_n3A_179 : vector<16xi1>, vector<16xf32>
      %select_n3A_192 = arith.select %lt3A_190, %bitcast3A_189, %select_n3A_180 : vector<16xi1>, vector<16xi32>
      %get3A_193 = arith.constant 12 : i32
      %get3A_194 = arith.index_cast %get3A_193 : i32 to index
      %get3A_195 = arith.constant 0 : index
      %get3A_196 = tpu.vector_load %arg10[%get3A_194, %get3A_195] {strides = array<i32>} : memref<16x128xf32, #tpu.memory_space<vmem>>, vector<16xf32>,
      %get3A_197 = arith.constant 12 : i32
      %get3A_198 = arith.index_cast %get3A_197 : i32 to index
      %get3A_199 = arith.constant 32 : index
      %get3A_200 = tpu.vector_load %arg10[%get3A_198, %get3A_199] {strides = array<i32>} : memref<16x128xf32, #tpu.memory_space<vmem>>, vector<16xf32>,
      %bitcast3A_201 = vector.bitcast %get3A_200 : vector<16xf32> to vector<16xi32>
      %lt3A_202 = arith.cmpf olt, %get3A_196, %select_n3A_191 : vector<16xf32>
      %select_n3A_203 = arith.select %lt3A_202, %get3A_196, %select_n3A_191 : vector<16xi1>, vector<16xf32>
      %select_n3A_204 = arith.select %lt3A_202, %bitcast3A_201, %select_n3A_192 : vector<16xi1>, vector<16xi32>
      %get3A_205 = arith.constant 13 : i32
      %get3A_206 = arith.index_cast %get3A_205 : i32 to index
      %get3A_207 = arith.constant 0 : index
      %get3A_208 = tpu.vector_load %arg10[%get3A_206, %get3A_207] {strides = array<i32>} : memref<16x128xf32, #tpu.memory_space<vmem>>, vector<16xf32>,
      %get3A_209 = arith.constant 13 : i32
      %get3A_210 = arith.index_cast %get3A_209 : i32 to index
      %get3A_211 = arith.constant 32 : index
      %get3A_212 = tpu.vector_load %arg10[%get3A_210, %get3A_211] {strides = array<i32>} : memref<16x128xf32, #tpu.memory_space<vmem>>, vector<16xf32>,
      %bitcast3A_213 = vector.bitcast %get3A_212 : vector<16xf32> to vector<16xi32>
      %lt3A_214 = arith.cmpf olt, %get3A_208, %select_n3A_203 : vector<16xf32>
      %select_n3A_215 = arith.select %lt3A_214, %get3A_208, %select_n3A_203 : vector<16xi1>, vector<16xf32>
      %select_n3A_216 = arith.select %lt3A_214, %bitcast3A_213, %select_n3A_204 : vector<16xi1>, vector<16xi32>
      %get3A_217 = arith.constant 14 : i32
      %get3A_218 = arith.index_cast %get3A_217 : i32 to index
      %get3A_219 = arith.constant 0 : index
      %get3A_220 = tpu.vector_load %arg10[%get3A_218, %get3A_219] {strides = array<i32>} : memref<16x128xf32, #tpu.memory_space<vmem>>, vector<16xf32>,
      %get3A_221 = arith.constant 14 : i32
      %get3A_222 = arith.index_cast %get3A_221 : i32 to index
      %get3A_223 = arith.constant 32 : index
      %get3A_224 = tpu.vector_load %arg10[%get3A_222, %get3A_223] {strides = array<i32>} : memref<16x128xf32, #tpu.memory_space<vmem>>, vector<16xf32>,
      %bitcast3A_225 = vector.bitcast %get3A_224 : vector<16xf32> to vector<16xi32>
      %lt3A_226 = arith.cmpf olt, %get3A_220, %select_n3A_215 : vector<16xf32>
      %select_n3A_227 = arith.select %lt3A_226, %get3A_220, %select_n3A_215 : vector<16xi1>, vector<16xf32>
      %select_n3A_228 = arith.select %lt3A_226, %bitcast3A_225, %select_n3A_216 : vector<16xi1>, vector<16xi32>
      %get3A_229 = arith.constant 15 : i32
      %get3A_230 = arith.index_cast %get3A_229 : i32 to index
      %get3A_231 = arith.constant 0 : index
      %get3A_232 = tpu.vector_load %arg10[%get3A_230, %get3A_231] {strides = array<i32>} : memref<16x128xf32, #tpu.memory_space<vmem>>, vector<16xf32>,
      %get3A_233 = arith.constant 15 : i32
      %get3A_234 = arith.index_cast %get3A_233 : i32 to index
      %get3A_235 = arith.constant 32 : index
      %get3A_236 = tpu.vector_load %arg10[%get3A_234, %get3A_235] {strides = array<i32>} : memref<16x128xf32, #tpu.memory_space<vmem>>, vector<16xf32>,
      %bitcast3A_237 = vector.bitcast %get3A_236 : vector<16xf32> to vector<16xi32>
      %lt3A_238 = arith.cmpf olt, %get3A_232, %select_n3A_227 : vector<16xf32>
      %select_n3A_239 = arith.select %lt3A_238, %get3A_232, %select_n3A_227 : vector<16xi1>, vector<16xf32>
      %select_n3A_240 = arith.select %lt3A_238, %bitcast3A_237, %select_n3A_228 : vector<16xi1>, vector<16xi32>
      %reduce_min3A = arith.constant true
      %reduce_min3A_241 = vector.broadcast %reduce_min3A : i1 to vector<16xi1>
      %reduce_min3A_242 = tpu.scan <min>, %select_n3A_239 masked %reduce_min3A_241 : vector<16xf32>, vector<16xi1> -> vector<16xf32>
      %reduce_min3A_243 = vector.extract %reduce_min3A_242[15] : f32 from vector<16xf32>
      %eq3A_244 = vector.broadcast %reduce_min3A_243 : f32 to vector<16xf32>
      %eq3A_245 = arith.cmpf oeq, %select_n3A_239, %eq3A_244 : vector<16xf32>
      %jit3A = arith.constant 8192 : i32
      %broadcast_in_dim3A_246 = vector.broadcast %jit3A : i32 to vector<16xi32>
      %select_n3A_247 = arith.select %eq3A_245, %select_n3A_240, %broadcast_in_dim3A_246 : vector<16xi1>, vector<16xi32>
      %reduce_min3A_248 = arith.constant true
      %reduce_min3A_249 = vector.broadcast %reduce_min3A_248 : i1 to vector<16xi1>
      %reduce_min3A_250 = arith.constant -2147483648 : i32
      %reduce_min3A_251 = vector.broadcast %reduce_min3A_250 : i32 to vector<16xi32>
      %reduce_min3A_252 = arith.xori %select_n3A_247, %reduce_min3A_251 : vector<16xi32>
      %reduce_min3A_253 = tpu.scan <min>, %reduce_min3A_252 masked %reduce_min3A_249 : vector<16xi32>, vector<16xi1> -> vector<16xi32>
      %reduce_min3A_254 = arith.xori %reduce_min3A_253, %reduce_min3A_251 : vector<16xi32>
      %reduce_min3A_255 = vector.extract %reduce_min3A_254[15] : i32 from vector<16xi32>
      %get3A_256 = arith.constant 0 : i32
      %get3A_257 = arith.index_cast %get3A_256 : i32 to index
      %get3A_258 = arith.constant 16 : index
      %get3A_259 = tpu.vector_load %arg10[%get3A_257, %get3A_258] {strides = array<i32>} : memref<16x128xf32, #tpu.memory_space<vmem>>, vector<16xf32>,
      %get3A_260 = arith.constant 0 : i32
      %get3A_261 = arith.index_cast %get3A_260 : i32 to index
      %get3A_262 = arith.constant 48 : index
      %get3A_263 = tpu.vector_load %arg10[%get3A_261, %get3A_262] {strides = array<i32>} : memref<16x128xf32, #tpu.memory_space<vmem>>, vector<16xf32>,
      %bitcast3A_264 = vector.bitcast %get3A_263 : vector<16xf32> to vector<16xi32>
      %get3A_265 = arith.constant 1 : i32
      %get3A_266 = arith.index_cast %get3A_265 : i32 to index
      %get3A_267 = arith.constant 16 : index
      %get3A_268 = tpu.vector_load %arg10[%get3A_266, %get3A_267] {strides = array<i32>} : memref<16x128xf32, #tpu.memory_space<vmem>>, vector<16xf32>,
      %get3A_269 = arith.constant 1 : i32
      %get3A_270 = arith.index_cast %get3A_269 : i32 to index
      %get3A_271 = arith.constant 48 : index
      %get3A_272 = tpu.vector_load %arg10[%get3A_270, %get3A_271] {strides = array<i32>} : memref<16x128xf32, #tpu.memory_space<vmem>>, vector<16xf32>,
      %bitcast3A_273 = vector.bitcast %get3A_272 : vector<16xf32> to vector<16xi32>
      %lt3A_274 = arith.cmpf olt, %get3A_268, %get3A_259 : vector<16xf32>
      %select_n3A_275 = arith.select %lt3A_274, %get3A_268, %get3A_259 : vector<16xi1>, vector<16xf32>
      %select_n3A_276 = arith.select %lt3A_274, %bitcast3A_273, %bitcast3A_264 : vector<16xi1>, vector<16xi32>
      %get3A_277 = arith.constant 2 : i32
      %get3A_278 = arith.index_cast %get3A_277 : i32 to index
      %get3A_279 = arith.constant 16 : index
      %get3A_280 = tpu.vector_load %arg10[%get3A_278, %get3A_279] {strides = array<i32>} : memref<16x128xf32, #tpu.memory_space<vmem>>, vector<16xf32>,
      %get3A_281 = arith.constant 2 : i32
      %get3A_282 = arith.index_cast %get3A_281 : i32 to index
      %get3A_283 = arith.constant 48 : index
      %get3A_284 = tpu.vector_load %arg10[%get3A_282, %get3A_283] {strides = array<i32>} : memref<16x128xf32, #tpu.memory_space<vmem>>, vector<16xf32>,
      %bitcast3A_285 = vector.bitcast %get3A_284 : vector<16xf32> to vector<16xi32>
      %lt3A_286 = arith.cmpf olt, %get3A_280, %select_n3A_275 : vector<16xf32>
      %select_n3A_287 = arith.select %lt3A_286, %get3A_280, %select_n3A_275 : vector<16xi1>, vector<16xf32>
      %select_n3A_288 = arith.select %lt3A_286, %bitcast3A_285, %select_n3A_276 : vector<16xi1>, vector<16xi32>
      %get3A_289 = arith.constant 3 : i32
      %get3A_290 = arith.index_cast %get3A_289 : i32 to index
      %get3A_291 = arith.constant 16 : index
      %get3A_292 = tpu.vector_load %arg10[%get3A_290, %get3A_291] {strides = array<i32>} : memref<16x128xf32, #tpu.memory_space<vmem>>, vector<16xf32>,
      %get3A_293 = arith.constant 3 : i32
      %get3A_294 = arith.index_cast %get3A_293 : i32 to index
      %get3A_295 = arith.constant 48 : index
      %get3A_296 = tpu.vector_load %arg10[%get3A_294, %get3A_295] {strides = array<i32>} : memref<16x128xf32, #tpu.memory_space<vmem>>, vector<16xf32>,
      %bitcast3A_297 = vector.bitcast %get3A_296 : vector<16xf32> to vector<16xi32>
      %lt3A_298 = arith.cmpf olt, %get3A_292, %select_n3A_287 : vector<16xf32>
      %select_n3A_299 = arith.select %lt3A_298, %get3A_292, %select_n3A_287 : vector<16xi1>, vector<16xf32>
      %select_n3A_300 = arith.select %lt3A_298, %bitcast3A_297, %select_n3A_288 : vector<16xi1>, vector<16xi32>
      %get3A_301 = arith.constant 4 : i32
      %get3A_302 = arith.index_cast %get3A_301 : i32 to index
      %get3A_303 = arith.constant 16 : index
      %get3A_304 = tpu.vector_load %arg10[%get3A_302, %get3A_303] {strides = array<i32>} : memref<16x128xf32, #tpu.memory_space<vmem>>, vector<16xf32>,
      %get3A_305 = arith.constant 4 : i32
      %get3A_306 = arith.index_cast %get3A_305 : i32 to index
      %get3A_307 = arith.constant 48 : index
      %get3A_308 = tpu.vector_load %arg10[%get3A_306, %get3A_307] {strides = array<i32>} : memref<16x128xf32, #tpu.memory_space<vmem>>, vector<16xf32>,
      %bitcast3A_309 = vector.bitcast %get3A_308 : vector<16xf32> to vector<16xi32>
      %lt3A_310 = arith.cmpf olt, %get3A_304, %select_n3A_299 : vector<16xf32>
      %select_n3A_311 = arith.select %lt3A_310, %get3A_304, %select_n3A_299 : vector<16xi1>, vector<16xf32>
      %select_n3A_312 = arith.select %lt3A_310, %bitcast3A_309, %select_n3A_300 : vector<16xi1>, vector<16xi32>
      %get3A_313 = arith.constant 5 : i32
      %get3A_314 = arith.index_cast %get3A_313 : i32 to index
      %get3A_315 = arith.constant 16 : index
      %get3A_316 = tpu.vector_load %arg10[%get3A_314, %get3A_315] {strides = array<i32>} : memref<16x128xf32, #tpu.memory_space<vmem>>, vector<16xf32>,
      %get3A_317 = arith.constant 5 : i32
      %get3A_318 = arith.index_cast %get3A_317 : i32 to index
      %get3A_319 = arith.constant 48 : index
      %get3A_320 = tpu.vector_load %arg10[%get3A_318, %get3A_319] {strides = array<i32>} : memref<16x128xf32, #tpu.memory_space<vmem>>, vector<16xf32>,
      %bitcast3A_321 = vector.bitcast %get3A_320 : vector<16xf32> to vector<16xi32>
      %lt3A_322 = arith.cmpf olt, %get3A_316, %select_n3A_311 : vector<16xf32>
      %select_n3A_323 = arith.select %lt3A_322, %get3A_316, %select_n3A_311 : vector<16xi1>, vector<16xf32>
      %select_n3A_324 = arith.select %lt3A_322, %bitcast3A_321, %select_n3A_312 : vector<16xi1>, vector<16xi32>
      %get3A_325 = arith.constant 6 : i32
      %get3A_326 = arith.index_cast %get3A_325 : i32 to index
      %get3A_327 = arith.constant 16 : index
      %get3A_328 = tpu.vector_load %arg10[%get3A_326, %get3A_327] {strides = array<i32>} : memref<16x128xf32, #tpu.memory_space<vmem>>, vector<16xf32>,
      %get3A_329 = arith.constant 6 : i32
      %get3A_330 = arith.index_cast %get3A_329 : i32 to index
      %get3A_331 = arith.constant 48 : index
      %get3A_332 = tpu.vector_load %arg10[%get3A_330, %get3A_331] {strides = array<i32>} : memref<16x128xf32, #tpu.memory_space<vmem>>, vector<16xf32>,
      %bitcast3A_333 = vector.bitcast %get3A_332 : vector<16xf32> to vector<16xi32>
      %lt3A_334 = arith.cmpf olt, %get3A_328, %select_n3A_323 : vector<16xf32>
      %select_n3A_335 = arith.select %lt3A_334, %get3A_328, %select_n3A_323 : vector<16xi1>, vector<16xf32>
      %select_n3A_336 = arith.select %lt3A_334, %bitcast3A_333, %select_n3A_324 : vector<16xi1>, vector<16xi32>
      %get3A_337 = arith.constant 7 : i32
      %get3A_338 = arith.index_cast %get3A_337 : i32 to index
      %get3A_339 = arith.constant 16 : index
      %get3A_340 = tpu.vector_load %arg10[%get3A_338, %get3A_339] {strides = array<i32>} : memref<16x128xf32, #tpu.memory_space<vmem>>, vector<16xf32>,
      %get3A_341 = arith.constant 7 : i32
      %get3A_342 = arith.index_cast %get3A_341 : i32 to index
      %get3A_343 = arith.constant 48 : index
      %get3A_344 = tpu.vector_load %arg10[%get3A_342, %get3A_343] {strides = array<i32>} : memref<16x128xf32, #tpu.memory_space<vmem>>, vector<16xf32>,
      %bitcast3A_345 = vector.bitcast %get3A_344 : vector<16xf32> to vector<16xi32>
      %lt3A_346 = arith.cmpf olt, %get3A_340, %select_n3A_335 : vector<16xf32>
      %select_n3A_347 = arith.select %lt3A_346, %get3A_340, %select_n3A_335 : vector<16xi1>, vector<16xf32>
      %select_n3A_348 = arith.select %lt3A_346, %bitcast3A_345, %select_n3A_336 : vector<16xi1>, vector<16xi32>
      %get3A_349 = arith.constant 8 : i32
      %get3A_350 = arith.index_cast %get3A_349 : i32 to index
      %get3A_351 = arith.constant 16 : index
      %get3A_352 = tpu.vector_load %arg10[%get3A_350, %get3A_351] {strides = array<i32>} : memref<16x128xf32, #tpu.memory_space<vmem>>, vector<16xf32>,
      %get3A_353 = arith.constant 8 : i32
      %get3A_354 = arith.index_cast %get3A_353 : i32 to index
      %get3A_355 = arith.constant 48 : index
      %get3A_356 = tpu.vector_load %arg10[%get3A_354, %get3A_355] {strides = array<i32>} : memref<16x128xf32, #tpu.memory_space<vmem>>, vector<16xf32>,
      %bitcast3A_357 = vector.bitcast %get3A_356 : vector<16xf32> to vector<16xi32>
      %lt3A_358 = arith.cmpf olt, %get3A_352, %select_n3A_347 : vector<16xf32>
      %select_n3A_359 = arith.select %lt3A_358, %get3A_352, %select_n3A_347 : vector<16xi1>, vector<16xf32>
      %select_n3A_360 = arith.select %lt3A_358, %bitcast3A_357, %select_n3A_348 : vector<16xi1>, vector<16xi32>
      %get3A_361 = arith.constant 9 : i32
      %get3A_362 = arith.index_cast %get3A_361 : i32 to index
      %get3A_363 = arith.constant 16 : index
      %get3A_364 = tpu.vector_load %arg10[%get3A_362, %get3A_363] {strides = array<i32>} : memref<16x128xf32, #tpu.memory_space<vmem>>, vector<16xf32>,
      %get3A_365 = arith.constant 9 : i32
      %get3A_366 = arith.index_cast %get3A_365 : i32 to index
      %get3A_367 = arith.constant 48 : index
      %get3A_368 = tpu.vector_load %arg10[%get3A_366, %get3A_367] {strides = array<i32>} : memref<16x128xf32, #tpu.memory_space<vmem>>, vector<16xf32>,
      %bitcast3A_369 = vector.bitcast %get3A_368 : vector<16xf32> to vector<16xi32>
      %lt3A_370 = arith.cmpf olt, %get3A_364, %select_n3A_359 : vector<16xf32>
      %select_n3A_371 = arith.select %lt3A_370, %get3A_364, %select_n3A_359 : vector<16xi1>, vector<16xf32>
      %select_n3A_372 = arith.select %lt3A_370, %bitcast3A_369, %select_n3A_360 : vector<16xi1>, vector<16xi32>
      %get3A_373 = arith.constant 10 : i32
      %get3A_374 = arith.index_cast %get3A_373 : i32 to index
      %get3A_375 = arith.constant 16 : index
      %get3A_376 = tpu.vector_load %arg10[%get3A_374, %get3A_375] {strides = array<i32>} : memref<16x128xf32, #tpu.memory_space<vmem>>, vector<16xf32>,
      %get3A_377 = arith.constant 10 : i32
      %get3A_378 = arith.index_cast %get3A_377 : i32 to index
      %get3A_379 = arith.constant 48 : index
      %get3A_380 = tpu.vector_load %arg10[%get3A_378, %get3A_379] {strides = array<i32>} : memref<16x128xf32, #tpu.memory_space<vmem>>, vector<16xf32>,
      %bitcast3A_381 = vector.bitcast %get3A_380 : vector<16xf32> to vector<16xi32>
      %lt3A_382 = arith.cmpf olt, %get3A_376, %select_n3A_371 : vector<16xf32>
      %select_n3A_383 = arith.select %lt3A_382, %get3A_376, %select_n3A_371 : vector<16xi1>, vector<16xf32>
      %select_n3A_384 = arith.select %lt3A_382, %bitcast3A_381, %select_n3A_372 : vector<16xi1>, vector<16xi32>
      %get3A_385 = arith.constant 11 : i32
      %get3A_386 = arith.index_cast %get3A_385 : i32 to index
      %get3A_387 = arith.constant 16 : index
      %get3A_388 = tpu.vector_load %arg10[%get3A_386, %get3A_387] {strides = array<i32>} : memref<16x128xf32, #tpu.memory_space<vmem>>, vector<16xf32>,
      %get3A_389 = arith.constant 11 : i32
      %get3A_390 = arith.index_cast %get3A_389 : i32 to index
      %get3A_391 = arith.constant 48 : index
      %get3A_392 = tpu.vector_load %arg10[%get3A_390, %get3A_391] {strides = array<i32>} : memref<16x128xf32, #tpu.memory_space<vmem>>, vector<16xf32>,
      %bitcast3A_393 = vector.bitcast %get3A_392 : vector<16xf32> to vector<16xi32>
      %lt3A_394 = arith.cmpf olt, %get3A_388, %select_n3A_383 : vector<16xf32>
      %select_n3A_395 = arith.select %lt3A_394, %get3A_388, %select_n3A_383 : vector<16xi1>, vector<16xf32>
      %select_n3A_396 = arith.select %lt3A_394, %bitcast3A_393, %select_n3A_384 : vector<16xi1>, vector<16xi32>
      %get3A_397 = arith.constant 12 : i32
      %get3A_398 = arith.index_cast %get3A_397 : i32 to index
      %get3A_399 = arith.constant 16 : index
      %get3A_400 = tpu.vector_load %arg10[%get3A_398, %get3A_399] {strides = array<i32>} : memref<16x128xf32, #tpu.memory_space<vmem>>, vector<16xf32>,
      %get3A_401 = arith.constant 12 : i32
      %get3A_402 = arith.index_cast %get3A_401 : i32 to index
      %get3A_403 = arith.constant 48 : index
      %get3A_404 = tpu.vector_load %arg10[%get3A_402, %get3A_403] {strides = array<i32>} : memref<16x128xf32, #tpu.memory_space<vmem>>, vector<16xf32>,
      %bitcast3A_405 = vector.bitcast %get3A_404 : vector<16xf32> to vector<16xi32>
      %lt3A_406 = arith.cmpf olt, %get3A_400, %select_n3A_395 : vector<16xf32>
      %select_n3A_407 = arith.select %lt3A_406, %get3A_400, %select_n3A_395 : vector<16xi1>, vector<16xf32>
      %select_n3A_408 = arith.select %lt3A_406, %bitcast3A_405, %select_n3A_396 : vector<16xi1>, vector<16xi32>
      %get3A_409 = arith.constant 13 : i32
      %get3A_410 = arith.index_cast %get3A_409 : i32 to index
      %get3A_411 = arith.constant 16 : index
      %get3A_412 = tpu.vector_load %arg10[%get3A_410, %get3A_411] {strides = array<i32>} : memref<16x128xf32, #tpu.memory_space<vmem>>, vector<16xf32>,
      %get3A_413 = arith.constant 13 : i32
      %get3A_414 = arith.index_cast %get3A_413 : i32 to index
      %get3A_415 = arith.constant 48 : index
      %get3A_416 = tpu.vector_load %arg10[%get3A_414, %get3A_415] {strides = array<i32>} : memref<16x128xf32, #tpu.memory_space<vmem>>, vector<16xf32>,
      %bitcast3A_417 = vector.bitcast %get3A_416 : vector<16xf32> to vector<16xi32>
      %lt3A_418 = arith.cmpf olt, %get3A_412, %select_n3A_407 : vector<16xf32>
      %select_n3A_419 = arith.select %lt3A_418, %get3A_412, %select_n3A_407 : vector<16xi1>, vector<16xf32>
      %select_n3A_420 = arith.select %lt3A_418, %bitcast3A_417, %select_n3A_408 : vector<16xi1>, vector<16xi32>
      %get3A_421 = arith.constant 14 : i32
      %get3A_422 = arith.index_cast %get3A_421 : i32 to index
      %get3A_423 = arith.constant 16 : index
      %get3A_424 = tpu.vector_load %arg10[%get3A_422, %get3A_423] {strides = array<i32>} : memref<16x128xf32, #tpu.memory_space<vmem>>, vector<16xf32>,
      %get3A_425 = arith.constant 14 : i32
      %get3A_426 = arith.index_cast %get3A_425 : i32 to index
      %get3A_427 = arith.constant 48 : index
      %get3A_428 = tpu.vector_load %arg10[%get3A_426, %get3A_427] {strides = array<i32>} : memref<16x128xf32, #tpu.memory_space<vmem>>, vector<16xf32>,
      %bitcast3A_429 = vector.bitcast %get3A_428 : vector<16xf32> to vector<16xi32>
      %lt3A_430 = arith.cmpf olt, %get3A_424, %select_n3A_419 : vector<16xf32>
      %select_n3A_431 = arith.select %lt3A_430, %get3A_424, %select_n3A_419 : vector<16xi1>, vector<16xf32>
      %select_n3A_432 = arith.select %lt3A_430, %bitcast3A_429, %select_n3A_420 : vector<16xi1>, vector<16xi32>
      %get3A_433 = arith.constant 15 : i32
      %get3A_434 = arith.index_cast %get3A_433 : i32 to index
      %get3A_435 = arith.constant 16 : index
      %get3A_436 = tpu.vector_load %arg10[%get3A_434, %get3A_435] {strides = array<i32>} : memref<16x128xf32, #tpu.memory_space<vmem>>, vector<16xf32>,
      %get3A_437 = arith.constant 15 : i32
      %get3A_438 = arith.index_cast %get3A_437 : i32 to index
      %get3A_439 = arith.constant 48 : index
      %get3A_440 = tpu.vector_load %arg10[%get3A_438, %get3A_439] {strides = array<i32>} : memref<16x128xf32, #tpu.memory_space<vmem>>, vector<16xf32>,
      %bitcast3A_441 = vector.bitcast %get3A_440 : vector<16xf32> to vector<16xi32>
      %lt3A_442 = arith.cmpf olt, %get3A_436, %select_n3A_431 : vector<16xf32>
      %select_n3A_443 = arith.select %lt3A_442, %get3A_436, %select_n3A_431 : vector<16xi1>, vector<16xf32>
      %select_n3A_444 = arith.select %lt3A_442, %bitcast3A_441, %select_n3A_432 : vector<16xi1>, vector<16xi32>
      %reduce_min3A_445 = arith.constant true
      %reduce_min3A_446 = vector.broadcast %reduce_min3A_445 : i1 to vector<16xi1>
      %reduce_min3A_447 = tpu.scan <min>, %select_n3A_443 masked %reduce_min3A_446 : vector<16xf32>, vector<16xi1> -> vector<16xf32>
      %reduce_min3A_448 = vector.extract %reduce_min3A_447[15] : f32 from vector<16xf32>
      %eq3A_449 = vector.broadcast %reduce_min3A_448 : f32 to vector<16xf32>
      %eq3A_450 = arith.cmpf oeq, %select_n3A_443, %eq3A_449 : vector<16xf32>
      %jit3A_451 = arith.constant 8192 : i32
      %broadcast_in_dim3A_452 = vector.broadcast %jit3A_451 : i32 to vector<16xi32>
      %select_n3A_453 = arith.select %eq3A_450, %select_n3A_444, %broadcast_in_dim3A_452 : vector<16xi1>, vector<16xi32>
      %reduce_min3A_454 = arith.constant true
      %reduce_min3A_455 = vector.broadcast %reduce_min3A_454 : i1 to vector<16xi1>
      %reduce_min3A_456 = arith.constant -2147483648 : i32
      %reduce_min3A_457 = vector.broadcast %reduce_min3A_456 : i32 to vector<16xi32>
      %reduce_min3A_458 = arith.xori %select_n3A_453, %reduce_min3A_457 : vector<16xi32>
      %reduce_min3A_459 = tpu.scan <min>, %reduce_min3A_458 masked %reduce_min3A_455 : vector<16xi32>, vector<16xi1> -> vector<16xi32>
      %reduce_min3A_460 = arith.xori %reduce_min3A_459, %reduce_min3A_457 : vector<16xi32>
      %reduce_min3A_461 = vector.extract %reduce_min3A_460[15] : i32 from vector<16xi32>
      "tpu.region"() ({
        %run_scoped3A = tpu.sem_alloc : memref<!tpu.dma_semaphore, #tpu.memory_space<semaphore_mem>>
        %dma_start3A = arith.constant 0 : i32
        %dma_start3A_464 = arith.constant 0 : i32
        %dma_start3A_465 = tpu.memref_slice %arg11[%dma_start3A, %dma_start3A_464] : memref<2x49xf32, #tpu.memory_space<vmem>> -> memref<1x49xf32, #tpu.memory_space<vmem>>
        %dma_start3A_466 = arith.constant 0 : i32
        %dma_start3A_467 = tpu.memref_slice %arg4[%reduce_min3A_255, %dma_start3A_466] : memref<8192x49xf32, #tpu.memory_space<hbm>> -> memref<1x49xf32, #tpu.memory_space<hbm>>
        %dma_start3A_468 = arith.constant 0 : i32
        %dma_start3A_469 = arith.constant 0 : i32
        %dma_start3A_470 = tpu.memref_slice %arg11[%dma_start3A_468, %dma_start3A_469] : memref<2x49xf32, #tpu.memory_space<vmem>> -> memref<1x49xf32, #tpu.memory_space<vmem>>
        %dma_start3A_471 = arith.constant 0 : i32
        %dma_start3A_472 = tpu.memref_slice %arg4[%reduce_min3A_255, %dma_start3A_471] : memref<8192x49xf32, #tpu.memory_space<hbm>> -> memref<1x49xf32, #tpu.memory_space<hbm>>
        tpu.enqueue_dma source(%dma_start3A_472 : memref<1x49xf32, #tpu.memory_space<hbm>>) target(%dma_start3A_470 : memref<1x49xf32, #tpu.memory_space<vmem>>) target_semaphore(%run_scoped3A : memref<!tpu.dma_semaphore, #tpu.memory_space<semaphore_mem>>)
        %dma_wait3A = arith.constant 0 : i32
        %dma_wait3A_473 = arith.constant 0 : i32
        %dma_wait3A_474 = tpu.memref_slice %arg11[%dma_wait3A, %dma_wait3A_473] : memref<2x49xf32, #tpu.memory_space<vmem>> -> memref<1x49xf32, #tpu.memory_space<vmem>>
        %dma_wait3A_475 = arith.constant 0 : i32
        %dma_wait3A_476 = tpu.memref_slice %arg4[%reduce_min3A_255, %dma_wait3A_475] : memref<8192x49xf32, #tpu.memory_space<hbm>> -> memref<1x49xf32, #tpu.memory_space<hbm>>
        %dma_wait3A_477 = arith.constant 0 : i32
        %dma_wait3A_478 = arith.constant 0 : i32
        %dma_wait3A_479 = tpu.memref_slice %arg11[%dma_wait3A_477, %dma_wait3A_478] : memref<2x49xf32, #tpu.memory_space<vmem>> -> memref<1x49xf32, #tpu.memory_space<vmem>>
        %dma_wait3A_480 = arith.constant 0 : i32
        %dma_wait3A_481 = tpu.memref_slice %arg4[%reduce_min3A_255, %dma_wait3A_480] : memref<8192x49xf32, #tpu.memory_space<hbm>> -> memref<1x49xf32, #tpu.memory_space<hbm>>
        tpu.wait_dma2 semaphore(%run_scoped3A : memref<!tpu.dma_semaphore, #tpu.memory_space<semaphore_mem>>) src(%dma_wait3A_481 : memref<1x49xf32, #tpu.memory_space<hbm>>) dst(%dma_wait3A_479 : memref<1x49xf32, #tpu.memory_space<vmem>>)
        tpu.yield
      }) : () -> ()
      "tpu.region"() ({
        %run_scoped3A = tpu.sem_alloc : memref<!tpu.dma_semaphore, #tpu.memory_space<semaphore_mem>>
        %dma_start3A = arith.constant 1 : i32
        %dma_start3A_464 = arith.constant 0 : i32
        %dma_start3A_465 = tpu.memref_slice %arg11[%dma_start3A, %dma_start3A_464] : memref<2x49xf32, #tpu.memory_space<vmem>> -> memref<1x49xf32, #tpu.memory_space<vmem>>
        %dma_start3A_466 = arith.constant 0 : i32
        %dma_start3A_467 = tpu.memref_slice %arg4[%reduce_min3A_461, %dma_start3A_466] : memref<8192x49xf32, #tpu.memory_space<hbm>> -> memref<1x49xf32, #tpu.memory_space<hbm>>
        %dma_start3A_468 = arith.constant 1 : i32
        %dma_start3A_469 = arith.constant 0 : i32
        %dma_start3A_470 = tpu.memref_slice %arg11[%dma_start3A_468, %dma_start3A_469] : memref<2x49xf32, #tpu.memory_space<vmem>> -> memref<1x49xf32, #tpu.memory_space<vmem>>
        %dma_start3A_471 = arith.constant 0 : i32
        %dma_start3A_472 = tpu.memref_slice %arg4[%reduce_min3A_461, %dma_start3A_471] : memref<8192x49xf32, #tpu.memory_space<hbm>> -> memref<1x49xf32, #tpu.memory_space<hbm>>
        tpu.enqueue_dma source(%dma_start3A_472 : memref<1x49xf32, #tpu.memory_space<hbm>>) target(%dma_start3A_470 : memref<1x49xf32, #tpu.memory_space<vmem>>) target_semaphore(%run_scoped3A : memref<!tpu.dma_semaphore, #tpu.memory_space<semaphore_mem>>)
        %dma_wait3A = arith.constant 1 : i32
        %dma_wait3A_473 = arith.constant 0 : i32
        %dma_wait3A_474 = tpu.memref_slice %arg11[%dma_wait3A, %dma_wait3A_473] : memref<2x49xf32, #tpu.memory_space<vmem>> -> memref<1x49xf32, #tpu.memory_space<vmem>>
        %dma_wait3A_475 = arith.constant 0 : i32
        %dma_wait3A_476 = tpu.memref_slice %arg4[%reduce_min3A_461, %dma_wait3A_475] : memref<8192x49xf32, #tpu.memory_space<hbm>> -> memref<1x49xf32, #tpu.memory_space<hbm>>
        %dma_wait3A_477 = arith.constant 1 : i32
        %dma_wait3A_478 = arith.constant 0 : i32
        %dma_wait3A_479 = tpu.memref_slice %arg11[%dma_wait3A_477, %dma_wait3A_478] : memref<2x49xf32, #tpu.memory_space<vmem>> -> memref<1x49xf32, #tpu.memory_space<vmem>>
        %dma_wait3A_480 = arith.constant 0 : i32
        %dma_wait3A_481 = tpu.memref_slice %arg4[%reduce_min3A_461, %dma_wait3A_480] : memref<8192x49xf32, #tpu.memory_space<hbm>> -> memref<1x49xf32, #tpu.memory_space<hbm>>
        tpu.wait_dma2 semaphore(%run_scoped3A : memref<!tpu.dma_semaphore, #tpu.memory_space<semaphore_mem>>) src(%dma_wait3A_481 : memref<1x49xf32, #tpu.memory_space<hbm>>) dst(%dma_wait3A_479 : memref<1x49xf32, #tpu.memory_space<vmem>>)
        tpu.yield
      }) : () -> ()
      %mul3A_462 = arith.constant 2 : i32
      %mul3A_463 = arith.muli %mul3A_462, %arg0 : i32
      "tpu.region"() ({
        %run_scoped3A = tpu.sem_alloc : memref<!tpu.dma_semaphore, #tpu.memory_space<semaphore_mem>>
        %dma_start3A = arith.constant 0 : i32
        %dma_start3A_464 = arith.constant 0 : i32
        %dma_start3A_465 = tpu.memref_slice %arg11[%dma_start3A, %dma_start3A_464] : memref<2x49xf32, #tpu.memory_space<vmem>> -> memref<2x49xf32, #tpu.memory_space<vmem>>
        %dma_start3A_466 = arith.constant 0 : i32
        %dma_start3A_467 = tpu.memref_slice %arg5[%mul3A_463, %dma_start3A_466] : memref<4x49xf32, #tpu.memory_space<hbm>> -> memref<2x49xf32, #tpu.memory_space<hbm>>
        %dma_start3A_468 = arith.constant 0 : i32
        %dma_start3A_469 = tpu.memref_slice %arg5[%mul3A_463, %dma_start3A_468] : memref<4x49xf32, #tpu.memory_space<hbm>> -> memref<2x49xf32, #tpu.memory_space<hbm>>
        %dma_start3A_470 = arith.constant 0 : i32
        %dma_start3A_471 = arith.constant 0 : i32
        %dma_start3A_472 = tpu.memref_slice %arg11[%dma_start3A_470, %dma_start3A_471] : memref<2x49xf32, #tpu.memory_space<vmem>> -> memref<2x49xf32, #tpu.memory_space<vmem>>
        tpu.enqueue_dma source(%dma_start3A_472 : memref<2x49xf32, #tpu.memory_space<vmem>>) target(%dma_start3A_469 : memref<2x49xf32, #tpu.memory_space<hbm>>) target_semaphore(%run_scoped3A : memref<!tpu.dma_semaphore, #tpu.memory_space<semaphore_mem>>)
        %dma_wait3A = arith.constant 0 : i32
        %dma_wait3A_473 = arith.constant 0 : i32
        %dma_wait3A_474 = tpu.memref_slice %arg11[%dma_wait3A, %dma_wait3A_473] : memref<2x49xf32, #tpu.memory_space<vmem>> -> memref<2x49xf32, #tpu.memory_space<vmem>>
        %dma_wait3A_475 = arith.constant 0 : i32
        %dma_wait3A_476 = tpu.memref_slice %arg5[%mul3A_463, %dma_wait3A_475] : memref<4x49xf32, #tpu.memory_space<hbm>> -> memref<2x49xf32, #tpu.memory_space<hbm>>
        %dma_wait3A_477 = arith.constant 0 : i32
        %dma_wait3A_478 = tpu.memref_slice %arg5[%mul3A_463, %dma_wait3A_477] : memref<4x49xf32, #tpu.memory_space<hbm>> -> memref<2x49xf32, #tpu.memory_space<hbm>>
        %dma_wait3A_479 = arith.constant 0 : i32
        %dma_wait3A_480 = arith.constant 0 : i32
        %dma_wait3A_481 = tpu.memref_slice %arg11[%dma_wait3A_479, %dma_wait3A_480] : memref<2x49xf32, #tpu.memory_space<vmem>> -> memref<2x49xf32, #tpu.memory_space<vmem>>
        tpu.wait_dma2 semaphore(%run_scoped3A : memref<!tpu.dma_semaphore, #tpu.memory_space<semaphore_mem>>) src(%dma_wait3A_481 : memref<2x49xf32, #tpu.memory_space<vmem>>) dst(%dma_wait3A_478 : memref<2x49xf32, #tpu.memory_space<hbm>>)
        tpu.yield
      }) : () -> ()
    } else {
    }
    return
  }
}

</mosaic_0001>

<sc_bundles>
// kernel: kernel.3.cloned.1.call-start
scs
__scs_entry_jumppad:
0x0: {  	(pc) =	sbr.rel $0x88, $3  }
0x1: {  	(tag) =	ssettag $0x0;
	lr =	simm.s32 $0x1  }
0x2: {  	[smem:$0x3F9F] =	sst lr;
	_ =	strace $0xD0000000  }
0x3: {  	_ = 	snop  }
0x4: {  	_ = 	snop  }
0x5: {  	_ = 	snop  }
0x6: {  	_ = 	snop  }
0x7: {  	_ = 	snop  }
__scs_overlays_trampoline_lowered:
0x8: {  	[smem:$0x3FAE] =	sst s0  }
0x9: {  	[smem:$0x3FAF] =	sst s1  }
0xa: {  	[smem:$0x3FB0] =	sst s2  }
0xb: {  	[smem:$0x3FB1] =	sst s3  }
0xc: {  	[smem:$0x3FB2] =	sst s4  }
0xd: {  	[smem:$0x3FB3] =	sst s5  }
0xe: {  	[smem:$0x3FB4] =	sst s6  }
0xf: {  	[smem:$0x3FB5] =	sst s7  }
0x10: {  	[smem:$0x3FB6] =	sst s8  }
0x11: {  	[smem:$0x3FB7] =	sst s9;
	s0 =	simm.s32 @!p0 $0x0  }
0x12: {  	s1 =	sld [smem:$0x3F9D];
	s0 =	simm.s32 @p0 $0x1  }
0x13: {  	[smem:$0x3FB8] =	sst s0;
	s0 =	simm.s32 @!p1 $0x0  }
0x14: {  	s2 =	sld [smem:$0x3F9C];
	s0 =	simm.s32 @p1 $0x1  }
0x15: {  	[smem:$0x3FB9] =	sst s0;
	s0 =	simm.s32 @!p2 $0x0  }
0x16: {  	s3 =	sld [smem:$0x3FDB];
	s0 =	simm.s32 @p2 $0x1  }
0x17: {  	s4 =	simm.s32 $0x1BF5;
	[smem:$0x3FBB] =	sst s0  }
0x18: {  	s0 =	sld [smem:$0x3F9E];
	_ =	swait.ge [sflag:s4], $0x0  }
0x19: {  	s7 =	sld [smem:$0x3F9F]  }
0x1a: {  	s8 =	sadd.s32 $0xFFFFE003, lr  }
0x1b: {  	s9 =	sadd.s32 $0xFFFFFEF7, lr;
	s5 =	simm.s32 $0xFFFFFFFF;
	p2 =	slt.u32 s8, $0xFFFFF086  }
0x1c: {  	p1 =	slt.u32 s9, $0xF7A;
	s5 =	simm.s32 @!p2 $0x0  }
0x1d: {  	s5 =	simm.s32 @p1 $0x1;
	p0 =	seq.s32 s7, s2  }
0x1e: {  	s7 =	smul.u32 @!p0 $0xF7A, s2;
	p2 =	seq.s32 @!p0 s5, $0x0  }
0x1f: {  	s9 =	smul.u32 $0xF7A, s1;
	s8 =	simm.s32 @!p0 $0x1BF5;
	p2 =	por !p2, p0  }
0x20: {  	[sflag:s8] =	ssyncset.s32 @!p0 $0xFFFFF086;
	s6 =	sadd.s32 @!p0 s3, s7;
	s7 =	simm.s32 @!p0 $0x108  }
0x21: {  	s3 =	sadd.s32 s3, s9;
	s6 =	sadd.s32 @!p0 $0x88, s6;
	s7 =	simm.s32 @p2 $0x1082  }
0x22: {  	[simem:s7], [sflag:s8] =	dma.local @!p0 [hbm:s6], $0xF7A  }
0x23: {  	s9 =	sor.u32 $0xD0000000, s2;
	s6 =	simm.s32 $0x108;
	_ =	swait.ge @!p0 [sflag:s8], $0x0  }
0x24: {  	s3 =	sadd.s32 $0x88, s3;
	s6 =	simm.s32 @!p1 $0x1082;
	[sflag:s4] =	ssyncset.s32 $0xFFFFF086  }
0x25: {  	[simem:s6], [sflag:s4] =	dma.local [hbm:s3], $0xF7A  }
0x26: {  	[smem:$0x3F9F] =	sst s1;
	(tag) =	ssettag s2;
	_ =	strace s9  }
0x27: {  	s1 =	sld [smem:$0x3FAF]  }
0x28: {  	s2 =	sld [smem:$0x3FB0]  }
0x29: {  	s4 =	sld [smem:$0x3FB2]  }
0x2a: {  	p0 =	seq.s32 s5, $0x0;
	s5 =	sld [smem:$0x3FB3]  }
0x2b: {  	s6 =	sld [smem:$0x3FB4]  }
0x2c: {  	s7 =	sld [smem:$0x3FB5]  }
0x2d: {  	s3 =	simm.s32 $0x108;
	s8 =	sld [smem:$0x3FB6]  }
0x2e: {  	s3 =	simm.s32 @!p0 $0x1082;
	s9 =	sld [smem:$0x3FB7]  }
0x2f: {  	lr =	sadd.s32 s0, s3;
	s0 =	sld [smem:$0x3FAE]  }
0x30: {  	s3 =	sld [smem:$0x3FB1]  }
0x31: {  	[smem:$0x3FBA] =	sst s10  }
0x32: {  	s10 =	sld [smem:$0x3FB8];
	_ =	sdelay $0x3  }
0x33: {  	p0 =	seq.s32 s10, $0x1;
	s10 =	sld [smem:$0x3FBA];
	_ =	sdelay $0x3  }
0x34: {  	[smem:$0x3FBA] =	sst s10  }
0x35: {  	s10 =	sld [smem:$0x3FB9];
	_ =	sdelay $0x3  }
0x36: {  	p1 =	seq.s32 s10, $0x1;
	s10 =	sld [smem:$0x3FBA];
	_ =	sdelay $0x3  }
0x37: {  	[smem:$0x3FBA] =	sst s10  }
0x38: {  	s10 =	sld [smem:$0x3FBB]  }
0x39: {  	_ = 	snop;
	(pc) =	sbr.ind lr, $3  }
0x3a: {  	_ = 	snop  }
0x3b: {  	_ = 	snop  }
0x3c: {  	p2 =	seq.s32 s10, $0x1;
	s10 =	sld [smem:$0x3FBA]  }
0x3d: {  	_ =	shalt  }
0x3e: {  	_ =	shalt  }
0x3f: {  	_ =	shalt  }
0x40: {  	_ =	shalt  }
0x41: {  	_ =	shalt  }
0x42: {  	_ =	shalt  }
0x43: {  	_ =	shalt  }
0x44: {  	_ =	shalt  }
0x45: {  	_ =	shalt  }
0x46: {  	_ =	shalt  }
0x47: {  	_ =	shalt  }
0x48: {  	_ =	shalt  }
0x49: {  	_ =	shalt  }
0x4a: {  	_ =	shalt  }
0x4b: {  	_ =	shalt  }
0x4c: {  	_ =	shalt  }
0x4d: {  	_ =	shalt  }
0x4e: {  	_ =	shalt  }
0x4f: {  	_ =	shalt  }
0x50: {  	_ =	shalt  }
0x51: {  	_ =	shalt  }
0x52: {  	_ =	shalt  }
0x53: {  	_ =	shalt  }
0x54: {  	_ =	shalt  }
0x55: {  	_ =	shalt  }
0x56: {  	_ =	shalt  }
0x57: {  	_ =	shalt  }
0x58: {  	_ =	shalt  }
0x59: {  	_ =	shalt  }
0x5a: {  	_ =	shalt  }
0x5b: {  	_ =	shalt  }
0x5c: {  	_ =	shalt  }
0x5d: {  	_ =	shalt  }
0x5e: {  	_ =	shalt  }
0x5f: {  	_ =	shalt  }
0x60: {  	_ =	shalt  }
0x61: {  	_ =	shalt  }
0x62: {  	_ =	shalt  }
0x63: {  	_ =	shalt  }
0x64: {  	_ =	shalt  }
0x65: {  	_ =	shalt  }
0x66: {  	_ =	shalt  }
0x67: {  	_ =	shalt  }
0x68: {  	_ =	shalt  }
0x69: {  	_ =	shalt  }
0x6a: {  	_ =	shalt  }
0x6b: {  	_ =	shalt  }
0x6c: {  	_ =	shalt  }
0x6d: {  	_ =	shalt  }
0x6e: {  	_ =	shalt  }
0x6f: {  	_ =	shalt  }
0x70: {  	_ =	shalt  }
0x71: {  	_ =	shalt  }
0x72: {  	_ =	shalt  }
0x73: {  	_ =	shalt  }
0x74: {  	_ =	shalt  }
0x75: {  	_ =	shalt  }
0x76: {  	_ =	shalt  }
0x77: {  	_ =	shalt  }
0x78: {  	_ =	shalt  }
0x79: {  	_ =	shalt  }
0x7a: {  	_ =	shalt  }
0x7b: {  	_ =	shalt  }
0x7c: {  	_ =	shalt  }
0x7d: {  	_ =	shalt  }
0x7e: {  	_ =	shalt  }
0x7f: {  	_ =	shalt  }
0x80: {  	_ =	shalt  }
0x81: {  	_ =	shalt  }
0x82: {  	_ =	shalt  }
0x83: {  	_ =	shalt  }
0x84: {  	_ =	shalt  }
0x85: {  	_ =	shalt  }
0x86: {  	_ =	shalt  }
0x87: {  	_ =	shalt  }
.Lfunc_end0:
.L_simem_size_0:
called_computation_lowered:
.L_overlay_start_0:
0x88: {  	s2 =	sld [smem:$0x3FD9]  }
0x89: {  	s3 =	sld [smem:$0x3FFE];
	_ =	sdelay $0x1  }
0x8a: {  	s1 =	srdreg.scid  }
0x8b: {  	s0 =	sand.u32 $0x1, s1  }
0x8c: {  	s17 =	sshll.u32 s0, $0xA;
	s2 =	sadd.s32 s3, s2  }
0x8d: {  	s2 =	sadd.s32 s2, s17  }
0x8e: {  	[smem:$0x3FC6] =	sst s2  }
0x8f: {  	_ = 	snop  }
0x90: {  	s2 =	sld [smem:$0x3FC9]  }
0x91: {  	s18 =	sld [smem:$0x3FD0];
	(tm) =	ssettm $0x1  }
0x92: {  	s4 =	sld [smem:$0x3FFB];
	_ =	sdelay $0x3  }
0x93: {  	_ =	strace s4  }
0x94: {  	s4 =	sld [smem:$0x3FFC];
	_ =	sdelay $0x3  }
0x95: {  	_ =	strace s4  }
0x96: {  	s4 =	sld [smem:$0x3FFD];
	_ =	sdelay $0x3  }
0x97: {  	_ =	strace s4  }
0x98: {  	_ =	strace $0x8FFFFFFF  }
0x99: {  	s19 =	sld [smem:$0x3FDB];
	_ =	sdelay $0x1  }
0x9a: {  	s5 =	simm.s32 $_scs_section_size  }
0x9b: {  	s6 =	simm.s32 $_size__tile_overlayer_lowered;
	s7 =	simm.s32 $_tile_overlayer_lowered  }
0x9c: {  	s22 =	simm.s32 $0x1BFF;
	s21 =	sshll.u32 s7, $0x1;
	s4 =	sadd.s32 s5, s19  }
0x9d: {  	s8 =	simm.s32 $0x0;
	s20 =	sshll.u32 s6, $0x1;
	s6 =	sadd.s32 s21, s4  }
0x9e: {  	[timem:s8], [sflag:s22] =	dma.local [hbm:s6], s20  }
0x9f: {  	_ =	swait.ge [sflag:s22], s20  }
0xa0: {  	s5 =	ssub.s32 $0x0, s20;
	[sflag:s22] =	ssyncset.done $0x0  }
0xa1: {  	[sflag:s22] =	ssyncadd.s32 s5;
	_ =	sdelay $0x1  }
0xa2: {  	s23 =	simm.s32 $0x1B8B  }
0xa3: {  	_ =	swait.ge [sflag:s23], $0x1  }
0xa4: {  	[sflag:s23] =	ssyncset.done $0x0  }
0xa5: {  	s25 =	simm.s32 $0x1B8E;
	s24 =	sld [smem:$0x3FFE];
	[sflag:s23] =	ssyncadd.s32 $0xFFFFFFFF  }
0xa6: {  	s26 =	simm.s32 $execute0_lowered;
	[smem:$0x3FD2] =	sst s25  }
0xa7: {  	s6 =	sshll.u32 s26, $0x1;
	_ =	strace $0x80000046;
	[dreg:$0x1] =	wrdreg $0xFFFFFFFF  }
0xa8: {  	s28 =	simm.s32 $_size_execute0_lowered;
	s4 =	sadd.s32 s4, s6;
	[dreg:$0x0] =	wrdreg $0x0  }
0xa9: {  	s6 =	sshll.u32 s28, $0x1;
	[dreg:$0x2] =	wrdreg s4  }
0xaa: {  	[dreg:$0x3] =	wrdreg s6  }
0xab: {  	[dreg:$0x4] =	wrdreg $0xC0  }
0xac: {  	_ =	task [dreg:s8], $0x5FFFF  }
0xad: {  	[dreg:$0x1] =	wrdreg $0xFFFFFFFF  }
0xae: {  	[dreg:$0x0] =	wrdreg $0x60  }
0xaf: {  	[dreg:$0x2] =	wrdreg s2  }
0xb0: {  	[dreg:$0x3] =	wrdreg s24  }
0xb1: {  	[dreg:$0x4] =	wrdreg s18  }
0xb2: {  	[dreg:$0x5] =	wrdreg $0x64800  }
0xb3: {  	[dreg:$0x6] =	wrdreg $0x9  }
0xb4: {  	_ =	task.clear_ibuf [dreg:s8], $0x7FFFF;
	_ =	strace $0x90000046  }
0xb5: {  	s29 =	simm.s32 $0x9;
	_ =	strace $0x80000048  }
0xb6: {  	_ =	swait.ge [sflag:s29], $0x1  }
0xb7: {  	[sflag:s29] =	ssyncadd.s32 $0xFFFFFFFF  }
0xb8: {  	_ =	strace $0x90000048  }
0xb9: {  	_ =	sfence  }
0xba: {  	s30 =	sld [smem:$0x0];
	_ =	sdelay $0x2  }
0xbb: {  	s31 =	sshll.u32 s1, $0xD;
	s1 =	sshrl.u32 s1, $0x2  }
0xbc: {  	s3 =	sand.u32 $0x4000, s31;
	s1 =	sadd.s32 s1, s30  }
0xbd: {  	s0 =	sor.u32 s3, s0;
	s1 =	sshll.u32 s1, $0x11  }
0xbe: {  	s0 =	sor.u32 s1, s0  }
0xbf: {  	s0 =	sadd.s32 $0x8F2B, s0  }
0xc0: {  	[sflag:s0] =	ssyncadd.remote.s32 $0x1  }
0xc1: {  	_ =	sfence.sel $0xFFFF  }
0xc2: {  	[dreg:$0x0] =	wrdreg $0xFFFFFFFF;
	(pc) =	sbr.abs _section_cstart, $3  }
0xc3: {  	[dreg:$0x1] =	wrdreg $0xFFFFFFFF  }
0xc4: {  	_ =	task.clear_ibuf [dreg:s8], $0x2FFFF;
	_ =	strace $0x9FFFFFFF  }
0xc5: {  	(tm) =	ssettm $0x7FFFFFFF  }
tec
execute0_lowered:
.L_overlay_start_1:
0x0: {  	(tag) =	ssettag $0x1  }
0x1: {  	s1 =	rddreg [dreg:$0x0]  }
0x2: {  	s4 =	rddreg [dreg:$0x1]  }
0x3: {  	s9 =	rddreg [dreg:$0x2]  }
0x4: {  	s2 =	rddreg [dreg:$0x3]  }
0x5: {  	s0 =	rddreg [dreg:$0x4]  }
0x6: {  	s13 =	stileid.u32;
	s5 =	srdreg.scid  }
0x7: {  	s3 =	simm.s32 $0x0;
	s12 =	simm.s32 $0x6200;
	s14 =	simm.s32 $0x6500  }
0x8: {  	s15 =	simm.s32 $0x6D00;
	s16 =	simm.s32 $0x6D80;
	s17 =	simm.s32 $0x0  }
0x9: {  	s6 =	smul.u32 $0xC40, s13;
	s7 =	sand.u32 $0x1, s5;
	[smem:$0x7FF] =	sst s3  }
0xa: {  	p0 =	sne.s32 s13, $0x0;
	s5 =	ssub.s32 $0x2, s7;
	_ =	strace $0x80000047  }
.Ltmp0:
0xb: {  	s11 =	sshll.u32 s7, $0x5;
	s7 =	sshll.u32 s7, $0x8;
	(pc) =	sbr.rel .LBB2_1-.Ltmp0, $4  }
0xc: {  	s6 =	sadd.s32 s6, s4;
	s8 =	sshrl.u32 s5, $0x1;
	s4 =	sadd.s32 $0x600, s4  }
0xd: {  	s9 =	sadd.s32 s9, s11;
	s10 =	ssub.s32 s5, s8;
	s5 =	sshll.u32 s13, $0x9  }
0xe: {  	s11 =	simm.s32 $0x1;
	s6 =	sadd.s32 $0x20600, s6;
	s31 =	sshrl.u32 s5, $0x2  }
0xf: {  	v25 =	vlaneseq.u32;
	s13 =	simm.s32 $0x6400;
	s10 =	smax.u32 s10, $0x1;
	s8 =	sadd.s32 s31, s2  }
.LBB2_5:
0x10: {  	s17 =	sadd.s32 $0x1, s17  }
0x11: {  	p1 =	sne.s32 s17, s10  }
.Ltmp1:
0x12: {  	_ = 	snop;
	(pc) =	sbr.rel @!p1 .LBB2_6-.Ltmp1, $1  }
0x13: {  	_ =	sdelay $0x3  }
.LBB2_1:
0x14: {  	[tilespmem:s3], [sflag:$0x1] =	stream.linear.gather [hbm4b:s6+s3], $0x6200, $0x38;
	[tilespmem:$0x6E00] =	vst v63  }
0x15: {  	_ =	swait.ge [sflag:s11], $0x6200  }
0x16: {  	[sflag:s11] =	ssyncset.done $0x0  }
0x17: {  	[sflag:s11] =	ssyncadd.s32 $0xFFFF9E00  }
0x18: {  	[tilespmem:s12], [sflag:$0x1] =	stream.linear.gather [hbm4b:s1+s3], $0x200, $0x38;
	[tilespmem:$0x6E00] =	vst v63  }
0x19: {  	_ =	swait.ge [sflag:s11], $0x200  }
0x1a: {  	[sflag:s11] =	ssyncset.done $0x0  }
0x1b: {  	[sflag:s11] =	ssyncadd.s32 $0xFFFFFE00  }
0x1c: {  	v52 =	vmul.u32 $0x31, v25;
	v1 =	vld [tilespmem:s7+$0x6200]  }
0x1d: {  	v2 =	vld [tilespmem:s7+$0x6280]  }
0x1e: {  	v3 =	vadd.s32 s3, v52  }
0x1f: {  	v4 =	vadd.s32 $0x1, v52;
	v60 =	vadd.s32 $0x2, v52;
	v33 =	vadd.s32 $0xF, v52  }
0x20: {  	v30 =	vadd.s32 $0x10, v52;
	v27 =	vadd.s32 $0x11, v52;
	v8 =	vadd.s32 $0xC, v52  }
0x21: {  	v41 =	vadd.s32 $0xD, v52;
	v62 =	vadd.s32 $0x3, v52;
	v6 =	vbroadcast v1, $0x0  }
0x22: {  	v39 =	vadd.s32 $0xE, v52;
	v9 =	vbroadcast v2, $0x0;
	v10 =	vbroadcast v1, $0x1  }
0x23: {  	v50 =	vadd.s32 $0x9, v52;
	v11 =	vbroadcast v2, $0x1;
	v46 =	vbroadcast v1, $0x2  }
0x24: {  	v49 =	vadd.s32 $0xA, v52;
	v47 =	vbroadcast v2, $0x2;
	v44 =	vbroadcast v1, $0x3  }
0x25: {  	v48 =	vadd.s32 $0xB, v52;
	v45 =	vbroadcast v2, $0x3;
	v42 =	vbroadcast v1, $0x4  }
0x26: {  	v5 =	vadd.s32 $0x4, v52;
	v43 =	vbroadcast v2, $0x4;
	v40 =	vbroadcast v1, $0x5  }
0x27: {  	v12 =	vadd.s32 $0x6, v52;
	[tilespmem:$0x1F720] =	vst v4;
	v38 =	vbroadcast v2, $0x5;
	v37 =	vbroadcast v1, $0x6  }
0x28: {  	v7 =	vadd.s32 $0x5, v52;
	[tilespmem:$0x1F730] =	vst v60;
	v36 =	vbroadcast v2, $0x6;
	v35 =	vbroadcast v1, $0x7  }
0x29: {  	v4 =	vadd.s32 s3, v4;
	[tilespmem:$0x1F740] =	vst v62;
	v34 =	vbroadcast v2, $0x7;
	v32 =	vbroadcast v1, $0x8  }
0x2a: {  	[tilespmem:$0x1F750] =	vst v5;
	v5 =	vadd.s32 s3, v5;
	v31 =	vbroadcast v2, $0x8;
	v29 =	vbroadcast v1, $0x9  }
0x2b: {  	v53 =	vadd.s32 $0x7, v52;
	[tilespmem:$0x1F770] =	vst v7;
	v28 =	vbroadcast v2, $0x9;
	v24 =	vbroadcast v1, $0xA  }
0x2c: {  	v7 =	vadd.s32 s3, v7;
	[tilespmem:$0x1F780] =	vst v8;
	v0 =	vld [tilespmem:s7+$0x6210];
	v26 =	vbroadcast v2, $0xA;
	v23 =	vbroadcast v1, $0xB  }
0x2d: {  	v51 =	vadd.s32 $0x8, v52;
	[tilespmem:$0x1F7C0] =	vst v12;
	v61 =	vld.idx.msk [tilespmem:v3+s3+$0x0], $0xffff;
	v22 =	vbroadcast v2, $0xB;
	v20 =	vbroadcast v1, $0xC  }
0x2e: {  	v12 =	vadd.s32 s3, v12;
	[tilespmem:$0x1F7F0] =	vst v53;
	v4 =	vld.idx.msk [tilespmem:v4+s3+$0x0], $0xffff;
	v21 =	vbroadcast v2, $0xC;
	v13 =	vbroadcast v1, $0xD  }
0x2f: {  	[tilespmem:$0x1F820] =	vst v51;
	v3 =	vadd.s32 s3, v62;
	v5 =	vld.idx.msk [tilespmem:v5+s3+$0x0], $0xffff;
	v19 =	vbroadcast v2, $0xD;
	v18 =	vbroadcast v1, $0xE  }
0x30: {  	v59 =	vadd.s32 s3, v50;
	[tilespmem:$0x1F880] =	vst v49;
	v17 =	vbroadcast v2, $0xE;
	v15 =	vbroadcast v1, $0xF  }
0x31: {  	v7 =	vld.idx.msk [tilespmem:v7+s3+$0x0], $0xffff;
	v16 =	vbroadcast v2, $0xF;
	v14 =	vbroadcast v0, $0x0;
	v1 =	vadd.s32 s3, v60;
	[tilespmem:$0x1F760] =	vst v6  }
0x32: {  	v55 =	vadd.s32 s3, v51;
	v2 =	vmul.f32 v61, v61;
	v6 =	vmul.f32 v61, v6;
	[tilespmem:$0x1F790] =	vst v9  }
0x33: {  	v8 =	vadd.s32 s3, v8;
	v12 =	vld.idx.msk [tilespmem:v12+s3+$0x0], $0xffff;
	v9 =	vmul.f32 v61, v9;
	[tilespmem:$0x1F7A0] =	vst v10;
	v10 =	vmul.f32 v4, v10  }
0x34: {  	v51 =	vadd.s32 s3, v30;
	v3 =	vld.idx.msk [tilespmem:v3+s3+$0x0], $0xffff;
	[tilespmem:$0x1F7B0] =	vst v11;
	v11 =	vmul.f32 v4, v11;
	v56 =	vmul.f32 v5, v42  }
0x35: {  	[tilespmem:$0x1F910] =	vst v39;
	v62 =	vadd.s32 s3, v49;
	v57 =	vmul.f32 v5, v43;
	v58 =	vmul.f32 v5, v5;
	v5 =	vld.idx.msk [tilespmem:v59+s3+$0x0], $0xffff  }
0x36: {  	[tilespmem:$0x1F970] =	vst v27;
	v49 =	vadd.s32 s3, v27;
	v4 =	vmul.f32 v4, v4;
	v60 =	vmul.f32 v7, v40;
	v1 =	vld.idx.msk [tilespmem:v1+s3+$0x0], $0xffff  }
0x37: {  	v27 =	vadd.s32 $0x2D, v52;
	[tilespmem:$0x1F7D0] =	vst v46;
	v61 =	vmul.f32 v7, v38;
	v7 =	vmul.f32 v7, v7  }
0x38: {  	[tilespmem:$0x1F8A0] =	vst v36;
	v36 =	vmul.f32 v12, v36;
	v6 =	vadd.f32 $0.0e+00, v6;
	v9 =	vadd.f32 $0.0e+00, v9  }
0x39: {  	[tilespmem:$0x1F840] =	vst v43;
	v43 =	vadd.s32 s3, v39;
	v39 =	vbroadcast v0, $0x2;
	v2 =	vadd.f32 v4, v2  }
0x3a: {  	[tilespmem:$0x1F810] =	vst v45;
	v54 =	vmul.f32 v3, v45;
	v6 =	vadd.f32 v10, v6;
	v9 =	vadd.f32 v11, v9  }
0x3b: {  	[tilespmem:$0x1F930] =	vst v28;
	v45 =	vmul.f32 v5, v28;
	v28 =	vadd.s32 $0x2E, v52;
	v63 =	vmul.f32 v1, v46  }
0x3c: {  	v8 =	vld.idx.msk [tilespmem:v8+s3+$0x0], $0xffff;
	[tilespmem:$0x1F7E0] =	vst v47;
	v46 =	vmul.f32 v1, v47;
	v47 =	vadd.s32 s3, v53;
	v1 =	vmul.f32 v1, v1  }
0x3d: {  	[tilespmem:$0x1F800] =	vst v44;
	v53 =	vmul.f32 v3, v44;
	v3 =	vmul.f32 v3, v3;
	v6 =	vadd.f32 v63, v6  }
0x3e: {  	v44 =	vmul.f32 v5, v29;
	v9 =	vadd.f32 v46, v9;
	v1 =	vadd.f32 v1, v2;
	v2 =	vld.idx.msk [tilespmem:v55+s3+$0x0], $0xffff  }
0x3f: {  	v5 =	vmul.f32 v5, v5;
	v63 =	vmul.f32 v12, v37;
	v6 =	vadd.f32 v53, v6  }
0x40: {  	[tilespmem:$0x1F890] =	vst v37;
	v37 =	vadd.s32 s3, v48;
	v9 =	vadd.f32 v54, v9;
	v1 =	vadd.f32 v3, v1;
	v3 =	vld.idx.msk [tilespmem:v62+s3+$0x0], $0xffff  }
0x41: {  	[tilespmem:$0x1F920] =	vst v29;
	v29 =	vadd.s32 $0x2F, v52;
	v12 =	vmul.f32 v12, v12;
	v4 =	vld.idx.msk [tilespmem:v47+s3+$0x0], $0xffff;
	v6 =	vadd.f32 v56, v6  }
0x42: {  	[tilespmem:$0x1F850] =	vst v50;
	v46 =	vadd.s32 s3, v33;
	v9 =	vadd.f32 v57, v9;
	v1 =	vadd.f32 v58, v1  }
0x43: {  	[tilespmem:$0x1F830] =	vst v42;
	v53 =	vmul.f32 v8, v20;
	v42 =	vmul.f32 v2, v31;
	v6 =	vadd.f32 v60, v6  }
0x44: {  	[tilespmem:$0x1F940] =	vst v33;
	v9 =	vadd.f32 v61, v9;
	v1 =	vadd.f32 v7, v1;
	v61 =	vadd.s32 $0x13, v52  }
0x45: {  	[tilespmem:$0x1F950] =	vst v24;
	v7 =	vld.idx.msk [tilespmem:v37+s3+$0x0], $0xffff;
	v47 =	vmul.f32 v3, v24;
	v33 =	vadd.s32 s3, v61;
	v24 =	vadd.s32 $0x2C, v52  }
0x46: {  	[tilespmem:$0x1F870] =	vst v38;
	v6 =	vadd.f32 v63, v6;
	v38 =	vmul.f32 v4, v35;
	v9 =	vadd.f32 v36, v9  }
0x47: {  	[tilespmem:$0x1F860] =	vst v40;
	v40 =	vmul.f32 v4, v34;
	v1 =	vadd.f32 v12, v1;
	v4 =	vmul.f32 v4, v4  }
0x48: {  	[tilespmem:$0x1F8E0] =	vst v41;
	v12 =	vadd.s32 s3, v41;
	v41 =	vmul.f32 v2, v32;
	v6 =	vadd.f32 v38, v6  }
0x49: {  	v2 =	vmul.f32 v2, v2;
	v9 =	vadd.f32 v40, v9;
	v1 =	vadd.f32 v4, v1;
	v4 =	vld.idx.msk [tilespmem:v43+s3+$0x0], $0xffff  }
0x4a: {  	[tilespmem:$0x1F8F0] =	vst v32;
	v32 =	vbroadcast v0, $0x1;
	v40 =	vadd.s32 $0x15, v52;
	v50 =	vmul.f32 v7, v23  }
0x4b: {  	[tilespmem:$0x1F980] =	vst v23;
	v23 =	vadd.s32 $0x29, v52;
	v6 =	vadd.f32 v41, v6;
	v9 =	vadd.f32 v42, v9  }
0x4c: {  	[tilespmem:$0x1F8B0] =	vst v48;
	v1 =	vadd.f32 v2, v1;
	v2 =	vld.idx.msk [tilespmem:v46+s3+$0x0], $0xffff;
	v41 =	vadd.s32 s3, v40;
	v42 =	vbroadcast v0, $0x3  }
0x4d: {  	[tilespmem:$0x1F960] =	vst v26;
	v48 =	vld.idx.msk [tilespmem:v12+s3+$0x0], $0xffff;
	v12 =	vmul.f32 v3, v26;
	v3 =	vmul.f32 v3, v3;
	v26 =	vadd.s32 $0x2A, v52  }
0x4e: {  	v6 =	vadd.f32 v44, v6;
	v9 =	vadd.f32 v45, v9;
	v56 =	vmul.f32 v4, v18  }
0x4f: {  	v1 =	vadd.f32 v5, v1;
	v57 =	vmul.f32 v4, v17;
	v4 =	vmul.f32 v4, v4  }
0x50: {  	v5 =	vld.idx.msk [tilespmem:v49+s3+$0x0], $0xffff;
	v9 =	vadd.f32 v12, v9;
	v12 =	vmul.f32 v7, v22;
	v7 =	vmul.f32 v7, v7  }
0x51: {  	v6 =	vadd.f32 v47, v6;
	v59 =	vmul.f32 v2, v15;
	v60 =	vmul.f32 v2, v16  }
0x52: {  	[tilespmem:$0x1F9D0] =	vst v13;
	v2 =	vmul.f32 v2, v2;
	v9 =	vadd.f32 v12, v9;
	v12 =	vmul.f32 v8, v21  }
0x53: {  	v1 =	vadd.f32 v3, v1;
	v3 =	vld.idx.msk [tilespmem:v51+s3+$0x0], $0xffff;
	v8 =	vmul.f32 v8, v8;
	v13 =	vmul.f32 v48, v13  }
0x54: {  	v6 =	vadd.f32 v50, v6;
	v54 =	vmul.f32 v48, v19;
	v55 =	vmul.f32 v48, v48  }
0x55: {  	v7 =	vadd.f32 v7, v1;
	v1 =	vld [tilespmem:s7+$0x6290];
	v50 =	vbroadcast v0, $0x4;
	v10 =	vmul.f32 v5, v32  }
0x56: {  	[tilespmem:$0x1F8C0] =	vst v35;
	v6 =	vadd.f32 v53, v6;
	v9 =	vadd.f32 v12, v9;
	v12 =	vadd.s32 $0x12, v52  }
0x57: {  	[tilespmem:$0x1FA70] =	vst v32;
	v49 =	vld.idx.msk [tilespmem:v41+s3+$0x0], $0xffff;
	v32 =	vbroadcast v0, $0x7;
	v7 =	vadd.f32 v8, v7;
	v58 =	vadd.s32 s3, v12  }
0x58: {  	[tilespmem:$0x1FA40] =	vst v14;
	v63 =	vmul.f32 v3, v14;
	v14 =	vadd.s32 $0x16, v52;
	v6 =	vadd.f32 v13, v6  }
0x59: {  	[tilespmem:$0x1FA50] =	vst v61;
	v9 =	vadd.f32 v54, v9;
	v7 =	vadd.f32 v55, v7;
	v54 =	vbroadcast v0, $0x5  }
0x5a: {  	[tilespmem:$0x1FA10] =	vst v12;
	v46 =	vadd.s32 s3, v14;
	v12 =	vbroadcast v1, $0x0;
	v35 =	vbroadcast v1, $0x1  }
0x5b: {  	[tilespmem:$0x1FAD0] =	vst v14;
	v14 =	vadd.s32 $0x1B, v52;
	v13 =	vbroadcast v1, $0x2;
	v61 =	vbroadcast v1, $0x6  }
0x5c: {  	[tilespmem:$0x1F8D0] =	vst v34;
	v6 =	vadd.f32 v56, v6;
	v9 =	vadd.f32 v57, v9;
	v57 =	vmul.f32 v49, v54  }
0x5d: {  	v4 =	vadd.f32 v4, v7;
	[tilespmem:$0x1FB30] =	vst v54;
	v54 =	vbroadcast v1, $0xB;
	v34 =	vmul.f32 v3, v12  }
0x5e: {  	[tilespmem:$0x1FA60] =	vst v12;
	v3 =	vmul.f32 v3, v3;
	v12 =	vadd.s32 $0x14, v52;
	v38 =	vmul.f32 v5, v35;
	v8 =	vld.idx.msk [tilespmem:v58+s3+$0x0], $0xffff  }
0x5f: {  	[tilespmem:$0x1FA90] =	vst v35;
	v5 =	vmul.f32 v5, v5;
	v35 =	vbroadcast v0, $0x8;
	v2 =	vadd.f32 v2, v4  }
0x60: {  	v6 =	vadd.f32 v59, v6;
	v62 =	vadd.f32 v60, v9;
	v36 =	vadd.s32 s3, v12;
	v4 =	vld.idx.msk [tilespmem:v33+s3+$0x0], $0xffff  }
0x61: {  	[tilespmem:$0x1FA80] =	vst v12;
	v12 =	vbroadcast v1, $0x3;
	v58 =	vbroadcast v0, $0x6;
	v2 =	vadd.f32 v3, v2  }
0x62: {  	[tilespmem:$0x1F9A0] =	vst v30;
	v33 =	vadd.s32 $0x1A, v52;
	v6 =	vadd.f32 v63, v6;
	v7 =	vadd.f32 v34, v62  }
0x63: {  	v53 =	vld.idx.msk [tilespmem:v46+s3+$0x0], $0xffff;
	v2 =	vadd.f32 v5, v2;
	v5 =	vmul.f32 v49, v49;
	v43 =	vmul.f32 v8, v39  }
0x64: {  	[tilespmem:$0x1FAB0] =	vst v39;
	v34 =	vadd.s32 s3, v33;
	v44 =	vmul.f32 v8, v13;
	v45 =	vmul.f32 v8, v8  }
0x65: {  	[tilespmem:$0x1FBC0] =	vst v14;
	v37 =	vadd.f32 v10, v6;
	v47 =	vmul.f32 v4, v42;
	v48 =	vmul.f32 v4, v12  }
0x66: {  	[tilespmem:$0x1FAF0] =	vst v12;
	v6 =	vadd.f32 v38, v7;
	v12 =	vbroadcast v1, $0x4;
	v4 =	vmul.f32 v4, v4  }
0x67: {  	[tilespmem:$0x1FAC0] =	vst v13;
	v13 =	vadd.s32 $0x17, v52;
	v39 =	vadd.s32 s3, v14;
	v14 =	vadd.s32 $0x1C, v52  }
0x68: {  	v9 =	vld.idx.msk [tilespmem:v36+s3+$0x0], $0xffff;
	[tilespmem:$0x1FB20] =	vst v13;
	v55 =	vadd.s32 s3, v13;
	v13 =	vadd.s32 $0x18, v52;
	v10 =	vmul.f32 v53, v58  }
0x69: {  	[tilespmem:$0x1FB80] =	vst v61;
	v63 =	vmul.f32 v53, v61;
	v61 =	vadd.s32 $0x20, v52;
	v3 =	vadd.f32 v43, v37  }
0x6a: {  	[tilespmem:$0x1FAE0] =	vst v42;
	v6 =	vadd.f32 v44, v6;
	v2 =	vadd.f32 v45, v2;
	v59 =	vadd.s32 s3, v13  }
0x6b: {  	[tilespmem:$0x1FB40] =	vst v13;
	v13 =	vbroadcast v1, $0x7;
	v42 =	vld.idx.msk [tilespmem:v34+s3+$0x0], $0xffff;
	v34 =	vbroadcast v1, $0xE;
	v3 =	vadd.f32 v47, v3  }
0x6c: {  	[tilespmem:$0x1FFB0] =	vst v52;
	v2 =	vadd.f32 v4, v2;
	v4 =	vmul.f32 v53, v53;
	v47 =	vbroadcast v0, $0xA  }
0x6d: {  	[tilespmem:$0x1F900] =	vst v31;
	v6 =	vadd.f32 v48, v6;
	v7 =	vmul.f32 v9, v50;
	v51 =	vmul.f32 v9, v12  }
0x6e: {  	[tilespmem:$0x1FB10] =	vst v12;
	v48 =	vadd.s32 s3, v14;
	v56 =	vmul.f32 v9, v9;
	v12 =	vbroadcast v1, $0x5;
	v46 =	vld.idx.msk [tilespmem:v39+s3+$0x0], $0xffff  }
0x6f: {  	[tilespmem:$0x1FC10] =	vst v14;
	v14 =	vbroadcast v1, $0xD;
	v8 =	vld.idx.msk [tilespmem:v55+s3+$0x0], $0xffff;
	v3 =	vadd.f32 v7, v3;
	v6 =	vadd.f32 v51, v6  }
0x70: {  	v2 =	vadd.f32 v56, v2;
	[tilespmem:$0x1FB50] =	vst v12;
	v60 =	vmul.f32 v49, v12;
	v12 =	vadd.s32 $0x19, v52  }
0x71: {  	[tilespmem:$0x1FB00] =	vst v50;
	v50 =	vmul.f32 v42, v47;
	v51 =	vbroadcast v0, $0xB;
	v62 =	vadd.s32 s3, v12  }
0x72: {  	v7 =	vld.idx.msk [tilespmem:v59+s3+$0x0], $0xffff;
	v59 =	vbroadcast v0, $0xC;
	[tilespmem:$0x1FB70] =	vst v12;
	v12 =	vbroadcast v1, $0x8;
	v3 =	vadd.f32 v57, v3  }
0x73: {  	[tilespmem:$0x1F990] =	vst v22;
	v6 =	vadd.f32 v60, v6;
	v2 =	vadd.f32 v5, v2;
	v11 =	vmul.f32 v46, v54  }
0x74: {  	[tilespmem:$0x1FAA0] =	vst v40;
	v60 =	vadd.s32 $0x1F, v52;
	v36 =	vmul.f32 v8, v32;
	v37 =	vmul.f32 v8, v13  }
0x75: {  	[tilespmem:$0x1FBB0] =	vst v13;
	v3 =	vadd.f32 v10, v3;
	v38 =	vmul.f32 v8, v8;
	v13 =	vbroadcast v0, $0x9  }
0x76: {  	v2 =	vadd.f32 v4, v2;
	v4 =	vmul.f32 v42, v42;
	v10 =	vmul.f32 v46, v51;
	v9 =	vld.idx.msk [tilespmem:v62+s3+$0x0], $0xffff  }
0x77: {  	[tilespmem:$0x1FBA0] =	vst v32;
	v5 =	vadd.f32 v63, v6;
	v40 =	vmul.f32 v7, v35;
	v41 =	vmul.f32 v7, v12  }
0x78: {  	[tilespmem:$0x1FB90] =	vst v33;
	v43 =	vmul.f32 v7, v7;
	v7 =	vadd.s32 s3, v60;
	v3 =	vadd.f32 v36, v3  }
0x79: {  	[tilespmem:$0x1FC50] =	vst v51;
	v6 =	vmul.f32 v46, v46;
	v51 =	vadd.s32 $0x24, v52;
	v5 =	vadd.f32 v37, v5  }
0x7a: {  	[tilespmem:$0x1FBE0] =	vst v12;
	v12 =	vbroadcast v1, $0x9;
	v2 =	vadd.f32 v38, v2;
	v3 =	vadd.f32 v40, v3  }
0x7b: {  	v8 =	vld.idx.msk [tilespmem:v48+s3+$0x0], $0xffff;
	[tilespmem:$0x1FBF0] =	vst v13;
	v5 =	vadd.f32 v41, v5;
	v44 =	vmul.f32 v9, v13;
	v13 =	vadd.s32 $0x1D, v52  }
0x7c: {  	[tilespmem:$0x1FC00] =	vst v12;
	v45 =	vmul.f32 v9, v12;
	v12 =	vbroadcast v1, $0xA;
	v53 =	vadd.s32 s3, v13  }
0x7d: {  	[tilespmem:$0x1FBD0] =	vst v35;
	v2 =	vadd.f32 v43, v2;
	v41 =	vbroadcast v1, $0xF;
	v33 =	vld.idx.msk [tilespmem:v7+s3+$0x0], $0xffff;
	v49 =	vmul.f32 v9, v9  }
0x7e: {  	v3 =	vadd.f32 v44, v3;
	[tilespmem:$0x1FC40] =	vst v12;
	v55 =	vmul.f32 v42, v12;
	v12 =	vadd.s32 $0x1E, v52  }
0x7f: {  	[tilespmem:$0x1FB60] =	vst v58;
	v5 =	vadd.f32 v45, v5;
	v2 =	vadd.f32 v49, v2;
	v56 =	vadd.s32 s3, v12  }
0x80: {  	v62 =	vmul.f32 v8, v8;
	[tilespmem:$0x1FC60] =	vst v12;
	v12 =	vbroadcast v1, $0xC;
	v3 =	vadd.f32 v50, v3  }
0x81: {  	[tilespmem:$0x1FC30] =	vst v13;
	v13 =	vbroadcast v0, $0xD;
	v5 =	vadd.f32 v55, v5;
	v2 =	vadd.f32 v4, v2;
	v58 =	vld.idx.msk [tilespmem:v53+s3+$0x0], $0xffff  }
0x82: {  	v45 =	vmul.f32 v33, v41;
	[tilespmem:$0x1FCB0] =	vst v12;
	v12 =	vmul.f32 v8, v12;
	v3 =	vadd.f32 v10, v3  }
0x83: {  	[tilespmem:$0x1FCF0] =	vst v34;
	v57 =	vadd.f32 v11, v5;
	v10 =	vmul.f32 v8, v59;
	v11 =	vadd.s32 s3, v61  }
0x84: {  	[tilespmem:$0x1FC20] =	vst v47;
	v2 =	vadd.f32 v6, v2;
	v6 =	vmul.f32 v33, v33;
	v53 =	vadd.s32 s3, v51;
	v9 =	vld.idx.msk [tilespmem:v56+s3+$0x0], $0xffff  }
0x85: {  	[tilespmem:$0x1FCD0] =	vst v14;
	v3 =	vadd.f32 v10, v3;
	v4 =	vadd.f32 v12, v57;
	v12 =	vbroadcast v0, $0xE  }
0x86: {  	[tilespmem:$0x1FCC0] =	vst v13;
	v2 =	vadd.f32 v62, v2;
	v63 =	vmul.f32 v58, v13;
	v32 =	vmul.f32 v58, v14  }
0x87: {  	v7 =	vld [tilespmem:s7+$0x62A0];
	[tilespmem:$0x1FCE0] =	vst v12;
	v5 =	vmul.f32 v58, v58;
	v14 =	vadd.s32 $0x21, v52;
	v13 =	vbroadcast v0, $0xF  }
0x88: {  	[tilespmem:$0x1FD00] =	vst v14;
	v38 =	vadd.s32 s3, v14;
	v14 =	vadd.s32 $0x25, v52;
	v3 =	vadd.f32 v63, v3  }
0x89: {  	v36 =	vld.idx.msk [tilespmem:v11+s3+$0x0], $0xffff;
	v35 =	vadd.f32 v32, v4;
	v37 =	vmul.f32 v9, v12;
	v12 =	vmul.f32 v9, v34  }
0x8a: {  	v2 =	vadd.f32 v5, v2;
	v40 =	vmul.f32 v9, v9;
	[tilespmem:$0x1FD10] =	vst v13;
	v42 =	vmul.f32 v33, v13  }
0x8b: {  	v4 =	vld [tilespmem:s7+$0x6220];
	v13 =	vadd.s32 $0x23, v52;
	[tilespmem:$0x1FDA0] =	vst v14;
	v57 =	vadd.s32 s3, v14;
	v14 =	vadd.s32 $0x26, v52  }
0x8c: {  	[tilespmem:$0x1FD50] =	vst v13;
	v47 =	vadd.s32 s3, v13;
	v13 =	vbroadcast v7, $0x1;
	v34 =	vadd.s32 s3, v14  }
0x8d: {  	[tilespmem:$0x1F9B0] =	vst v20;
	v3 =	vadd.f32 v37, v3;
	v39 =	vadd.f32 v12, v35;
	v12 =	vadd.s32 $0x22, v52  }
0x8e: {  	[tilespmem:$0x1FD20] =	vst v12;
	v44 =	vadd.s32 s3, v12;
	v12 =	vbroadcast v7, $0x0;
	v49 =	vmul.f32 v36, v36  }
0x8f: {  	[tilespmem:$0x1F9C0] =	vst v21;
	v1 =	vadd.f32 v42, v3;
	v3 =	vadd.f32 v45, v39;
	v39 =	vbroadcast v7, $0x5  }
0x90: {  	v22 =	vadd.s32 $0x28, v52;
	[tilespmem:$0x1FC80] =	vst v60;
	v60 =	vld.idx.msk [tilespmem:v53+s3+$0x0], $0xffff;
	v43 =	vbroadcast v4, $0x0;
	v48 =	vmul.f32 v36, v12  }
0x91: {  	[tilespmem:$0x1FC70] =	vst v54;
	v2 =	vadd.f32 v40, v2;
	v0 =	vld.idx.msk [tilespmem:v38+s3+$0x0], $0xffff;
	v50 =	vbroadcast v4, $0x1;
	v54 =	vbroadcast v4, $0x2  }
0x92: {  	v21 =	vadd.s32 $0x2B, v52;
	[tilespmem:$0x1FD60] =	vst v12;
	v12 =	vbroadcast v7, $0x2;
	v33 =	vbroadcast v4, $0x4  }
0x93: {  	[tilespmem:$0x1FD70] =	vst v51;
	v2 =	vadd.f32 v6, v2;
	v32 =	vld.idx.msk [tilespmem:v57+s3+$0x0], $0xffff;
	v42 =	vbroadcast v4, $0x6;
	v51 =	vbroadcast v4, $0x8  }
0x94: {  	[tilespmem:$0x1F9E0] =	vst v19;
	v40 =	vadd.s32 s3, v22;
	v9 =	vld.idx.msk [tilespmem:v34+s3+$0x0], $0xffff;
	v34 =	vbroadcast v4, $0xB;
	v46 =	vmul.f32 v36, v43  }
0x95: {  	[tilespmem:$0x1F9F0] =	vst v18;
	v2 =	vadd.f32 v49, v2;
	v5 =	vld.idx.msk [tilespmem:v47+s3+$0x0], $0xffff;
	v35 =	vmul.f32 v60, v33;
	v36 =	vbroadcast v4, $0x5  }
0x96: {  	[tilespmem:$0x1FA00] =	vst v17;
	v3 =	vadd.f32 v48, v3;
	v8 =	vld.idx.msk [tilespmem:v44+s3+$0x0], $0xffff;
	v44 =	vbroadcast v4, $0x7;
	v55 =	vmul.f32 v0, v50  }
0x97: {  	[tilespmem:$0x1FD40] =	vst v43;
	v43 =	vadd.s32 s3, v23;
	v56 =	vmul.f32 v0, v13;
	v0 =	vmul.f32 v0, v0  }
0x98: {  	[tilespmem:$0x1FD90] =	vst v13;
	v1 =	vadd.f32 v46, v1;
	v13 =	vbroadcast v4, $0x3;
	v10 =	vmul.f32 v32, v36  }
0x99: {  	[tilespmem:$0x1FD30] =	vst v41;
	v48 =	vadd.s32 s3, v26;
	v41 =	vmul.f32 v32, v39;
	v6 =	vmul.f32 v32, v32  }
0x9a: {  	[tilespmem:$0x1FCA0] =	vst v61;
	v1 =	vadd.f32 v55, v1;
	v3 =	vadd.f32 v56, v3;
	v62 =	vmul.f32 v5, v13  }
0x9b: {  	[tilespmem:$0x1FC90] =	vst v59;
	v0 =	vadd.f32 v0, v2;
	v2 =	vmul.f32 v60, v60;
	v45 =	vmul.f32 v9, v42  }
0x9c: {  	[tilespmem:$0x1FDD0] =	vst v13;
	v13 =	vadd.s32 $0x27, v52;
	v47 =	vmul.f32 v9, v9;
	v55 =	vbroadcast v4, $0x9  }
0x9d: {  	[tilespmem:$0x1FE10] =	vst v13;
	v37 =	vadd.s32 s3, v13;
	v13 =	vbroadcast v7, $0x6;
	v58 =	vmul.f32 v8, v54  }
0x9e: {  	[tilespmem:$0x1FDC0] =	vst v12;
	v56 =	vadd.s32 s3, v21;
	v59 =	vmul.f32 v8, v12;
	v12 =	vbroadcast v7, $0x3  }
0x9f: {  	[tilespmem:$0x1FE40] =	vst v39;
	v39 =	vadd.s32 s3, v29;
	v61 =	vmul.f32 v8, v8;
	v8 =	vld.idx.msk [tilespmem:v40+s3+$0x0], $0xffff;
	v40 =	vbroadcast v7, $0xC  }
0xa0: {  	[tilespmem:$0x1FDB0] =	vst v54;
	v46 =	vmul.f32 v9, v13;
	v1 =	vadd.f32 v58, v1;
	v3 =	vadd.f32 v59, v3  }
0xa1: {  	v54 =	vld.idx.msk [tilespmem:v48+s3+$0x0], $0xffff;
	v63 =	vmul.f32 v5, v12;
	v0 =	vadd.f32 v61, v0;
	v5 =	vmul.f32 v5, v5  }
0xa2: {  	[tilespmem:$0x1FDE0] =	vst v12;
	v12 =	vbroadcast v7, $0x4;
	v59 =	vbroadcast v4, $0xA;
	v1 =	vadd.f32 v62, v1  }
0xa3: {  	[tilespmem:$0x1FA20] =	vst v15;
	v9 =	vld.idx.msk [tilespmem:v56+s3+$0x0], $0xffff;
	v56 =	vbroadcast v4, $0xE;
	v3 =	vadd.f32 v63, v3;
	v0 =	vadd.f32 v5, v0  }
0xa4: {  	[tilespmem:$0x1FE20] =	vst v12;
	v38 =	vmul.f32 v60, v12;
	v12 =	vbroadcast v7, $0x7;
	v60 =	vadd.s32 s3, v24  }
0xa5: {  	[tilespmem:$0x1FA30] =	vst v16;
	v5 =	vld.idx.msk [tilespmem:v37+s3+$0x0], $0xffff;
	v63 =	vadd.s32 s3, v27;
	v57 =	vmul.f32 v8, v8;
	v1 =	vadd.f32 v35, v1  }
0xa6: {  	[tilespmem:$0x1FD80] =	vst v50;
	v62 =	vmul.f32 v54, v59;
	v3 =	vadd.f32 v38, v3;
	v0 =	vadd.f32 v2, v0  }
0xa7: {  	[tilespmem:$0x1FE30] =	vst v36;
	v35 =	vbroadcast v7, $0xB;
	v38 =	vbroadcast v4, $0xC;
	v1 =	vadd.f32 v10, v1  }
0xa8: {  	[tilespmem:$0x1FE60] =	vst v13;
	v0 =	vadd.f32 v6, v0;
	v6 =	vmul.f32 v8, v51;
	v36 =	vmul.f32 v9, v34  }
0xa9: {  	v2 =	vadd.f32 v41, v3;
	v3 =	vld.idx.msk [tilespmem:v43+s3+$0x0], $0xffff;
	v13 =	vmul.f32 v9, v35;
	v37 =	vmul.f32 v9, v9  }
0xaa: {  	[tilespmem:$0x1FE80] =	vst v12;
	v41 =	vadd.s32 $0x30, v52;
	v50 =	vmul.f32 v5, v12;
	v12 =	vbroadcast v7, $0x8  }
0xab: {  	[tilespmem:$0x1FDF0] =	vst v14;
	v49 =	vmul.f32 v5, v44;
	v5 =	vmul.f32 v5, v5;
	v2 =	vadd.f32 v46, v2  }
0xac: {  	v1 =	vadd.f32 v45, v1;
	[tilespmem:$0x1FEA0] =	vst v12;
	v53 =	vmul.f32 v8, v12;
	v12 =	vbroadcast v7, $0x9  }
0xad: {  	[tilespmem:$0x1FE00] =	vst v33;
	v15 =	vadd.s32 s3, v41;
	v0 =	vadd.f32 v47, v0;
	v2 =	vadd.f32 v50, v2  }
0xae: {  	v1 =	vadd.f32 v49, v1;
	[tilespmem:$0x1FEC0] =	vst v12;
	v61 =	vmul.f32 v3, v12;
	v12 =	vbroadcast v7, $0xA  }
0xaf: {  	v10 =	vld.idx.msk [tilespmem:v60+s3+$0x0], $0xffff;
	v0 =	vadd.f32 v5, v0;
	v58 =	vmul.f32 v3, v55;
	v2 =	vadd.f32 v53, v2  }
0xb0: {  	v1 =	vadd.f32 v6, v1;
	[tilespmem:$0x1FEE0] =	vst v12;
	v33 =	vmul.f32 v54, v12;
	v12 =	vadd.s32 s3, v28  }
0xb1: {  	v14 =	vld.idx.msk [tilespmem:v63+s3+$0x0], $0xffff;
	v3 =	vmul.f32 v3, v3;
	v6 =	vadd.f32 v57, v0;
	v2 =	vadd.f32 v61, v2  }
0xb2: {  	[tilespmem:$0x1FFC0] =	vst v28;
	v60 =	vbroadcast v7, $0xE;
	v5 =	vmul.f32 v54, v54;
	v1 =	vadd.f32 v58, v1  }
0xb3: {  	[tilespmem:$0x1FEB0] =	vst v55;
	v55 =	vbroadcast v7, $0xD;
	v3 =	vadd.f32 v3, v6;
	v11 =	vadd.f32 v33, v2  }
0xb4: {  	[tilespmem:$0x1FFD0] =	vst v29;
	v18 =	vld [tilespmem:s7+$0x6221];
	v53 =	vmul.f32 v10, v38;
	v16 =	vmul.f32 v10, v40;
	v32 =	vadd.f32 v62, v1  }
0xb5: {  	v10 =	vmul.f32 v10, v10;
	v3 =	vadd.f32 v5, v3;
	v11 =	vadd.f32 v13, v11;
	v12 =	vld.idx.msk [tilespmem:v12+s3+$0x0], $0xffff  }
0xb6: {  	v19 =	vld [tilespmem:s7+$0x62A1];
	[tilespmem:$0x1FED0] =	vst v59;
	v59 =	vmul.f32 v14, v14;
	v54 =	vbroadcast v4, $0xD;
	v8 =	vadd.f32 v36, v32  }
0xb7: {  	v20 =	vmul.f32 v14, v55;
	v13 =	vadd.f32 v37, v3;
	v11 =	vadd.f32 v16, v11;
	v16 =	vld.idx.msk [tilespmem:v39+s3+$0x0], $0xffff  }
0xb8: {  	[tilespmem:$0x1FFF0] =	vst v21;
	v58 =	vbroadcast v4, $0xF;
	v57 =	vmul.f32 v14, v54;
	v17 =	vadd.f32 v53, v8  }
0xb9: {  	[tilespmem:$0x1FE50] =	vst v42;
	v61 =	vbroadcast v7, $0xF;
	v14 =	vld.idx.msk [tilespmem:v15+s3+$0x0], $0xffff;
	v62 =	vbroadcast v18, $0xF;
	v13 =	vadd.f32 v10, v13  }
0xba: {  	[tilespmem:$0x1FE90] =	vst v51;
	v17 =	vadd.f32 v57, v17;
	v11 =	vadd.f32 v20, v11;
	v15 =	vmul.f32 v12, v56  }
0xbb: {  	[tilespmem:$0x1FEF0] =	vst v34;
	v13 =	vadd.f32 v59, v13;
	v18 =	vmul.f32 v12, v60;
	v12 =	vmul.f32 v12, v12  }
0xbc: {  	[tilespmem:$0x1FE70] =	vst v44;
	v63 =	vbroadcast v19, $0xF;
	v15 =	vadd.f32 v15, v17;
	v17 =	vmul.f32 v16, v58  }
0xbd: {  	[tilespmem:$0x1FF20] =	vst v40;
	v18 =	vadd.f32 v18, v11;
	v19 =	vmul.f32 v16, v61;
	v12 =	vadd.f32 v12, v13  }
0xbe: {  	[tilespmem:$0x1FF50] =	vst v56;
	v13 =	vadd.f32 v17, v15;
	v15 =	vmul.f32 v16, v16;
	v17 =	vmul.f32 v14, v62  }
0xbf: {  	[tilespmem:$0x1FF00] =	vst v35;
	v16 =	vadd.f32 v19, v18;
	v18 =	vmul.f32 v14, v63  }
0xc0: {  	s19 =	simm.s32 $0x310;
	[tilespmem:$0x1FF10] =	vst v38;
	v14 =	vmul.f32 v14, v14;
	v12 =	vadd.f32 v15, v12;
	v13 =	vadd.f32 v17, v13  }
0xc1: {  	v31 =	vmovc v23;
	v23 =	vadd.s32 s19, v23;
	v21 =	vadd.s32 s19, v21;
	[tilespmem:$0x1FFE0] =	vst v41;
	v15 =	vadd.f32 v18, v16  }
0xc2: {  	v51 =	vadd.s32 s19, v52;
	[tilespmem:$0x1FF60] =	vst v60;
	v12 =	vadd.f32 v14, v12;
	v13 =	vadd.f32 v13, v13  }
0xc3: {  	v44 =	vor.u32 s5, v25;
	[tilespmem:$0x1FFA0] =	vst v63;
	v20 =	vadd.s32 s19, v24;
	v14 =	vadd.f32 v15, v15  }
0xc4: {  	[tilespmem:$0x1FF40] =	vst v55;
	v19 =	vadd.s32 s19, v27;
	v18 =	vadd.s32 s19, v28;
	v13 =	vsub.f32 v12, v13  }
0xc5: {  	[tilespmem:$0x1FF30] =	vst v54;
	v17 =	vadd.s32 s19, v29;
	v15 =	vimm.f32 $+Inf;
	v12 =	vsub.f32 v12, v14  }
0xc6: {  	[tilespmem:$0x1FF70] =	vst v58;
	v16 =	vadd.s32 s19, v41;
	v29 =	vmovc v24;
	v24 =	vadd.s32 s19, v22;
	vm1 =	vlt.f32 v13, v15  }
0xc7: {  	v30 =	vmovc v22;
	[tilespmem:$0x1FF80] =	vst v61;
	v22 =	vadd.s32 s19, v26;
	vm0 =	vlt.f32 v12, v15;
	v14 =	vsel vm1, v13, v15  }
0xc8: {  	s20 =	simm.s32 $0x620;
	s18 =	smov.u32 s5;
	v33 =	vmovc v27;
	[tilespmem:$0x1FF90] =	vst v62;
	v32 =	vmovc v26;
	v12 =	vsel vm0, v12, v15;
	v13 =	vimm.s32 $0x0;
	v15 =	vimm.s32 $0x0  }
.LBB2_2:
0xc9: {  	v0 =	vld [tilespmem:$0x1FDA0]  }
0xca: {  	v40 =	vld [tilespmem:$0x1FDF0]  }
0xcb: {  	v41 =	vld [tilespmem:$0x1FE10]  }
0xcc: {  	v42 =	vld [tilespmem:$0x1FD20]  }
0xcd: {  	v43 =	vld [tilespmem:$0x1FD50]  }
0xce: {  	v45 =	vld [tilespmem:$0x1FD70]  }
0xcf: {  	v46 =	vld [tilespmem:$0x1F720]  }
0xd0: {  	v47 =	vld [tilespmem:$0x1FCA0]  }
0xd1: {  	v48 =	vld [tilespmem:$0x1FD00]  }
0xd2: {  	v49 =	vld [tilespmem:$0x1FC30]  }
0xd3: {  	v50 =	vld [tilespmem:$0x1FC60]  }
0xd4: {  	v52 =	vld [tilespmem:$0x1FC80]  }
0xd5: {  	v54 =	vld [tilespmem:$0x1F730]  }
0xd6: {  	v55 =	vld [tilespmem:$0x1FBC0]  }
0xd7: {  	v56 =	vld [tilespmem:$0x1FC10]  }
0xd8: {  	v57 =	vld [tilespmem:$0x1FB40]  }
0xd9: {  	v59 =	vld [tilespmem:$0x1FB70]  }
0xda: {  	v60 =	vld [tilespmem:$0x1FB90]  }
0xdb: {  	v61 =	vld [tilespmem:$0x1F740]  }
0xdc: {  	v62 =	vld [tilespmem:$0x1FAD0]  }
0xdd: {  	v63 =	vld [tilespmem:$0x1FB20]  }
0xde: {  	v4 =	vld [tilespmem:$0x1FA50]  }
0xdf: {  	v5 =	vld [tilespmem:$0x1FA80]  }
0xe0: {  	v8 =	vld [tilespmem:$0x1F970]  }
0xe1: {  	v9 =	vld [tilespmem:$0x1FA10]  }
0xe2: {  	v1 =	vld [tilespmem:$0x1F940]  }
0xe3: {  	v11 =	vld [tilespmem:$0x1F9A0]  }
0xe4: {  	v6 =	vld [tilespmem:$0x1FAA0];
	v38 =	vadd.s32 s19, v43;
	v53 =	vadd.s32 s19, v46  }
0xe5: {  	v37 =	vadd.s32 s19, v45;
	v45 =	vadd.s32 s19, v49;
	v49 =	vadd.s32 s19, v59;
	v59 =	vld.idx.msk [tilespmem:v51+s3+$0x0], $0xffff  }
0xe6: {  	v43 =	vadd.s32 s19, v50;
	v50 =	vadd.s32 s19, v57;
	v57 =	vadd.s32 s19, v8;
	v8 =	vld [tilespmem:$0x1F760]  }
0xe7: {  	v35 =	vadd.s32 s19, v40;
	v46 =	vadd.s32 s19, v56;
	v56 =	vadd.s32 s19, v9;
	v9 =	vld [tilespmem:$0x1F790]  }
0xe8: {  	v51 =	vadd.s32 s19, v63;
	v63 =	vadd.s32 s19, v1;
	v1 =	vadd.s32 s19, v11;
	v11 =	vld [tilespmem:$0x1F7A0]  }
0xe9: {  	v40 =	vadd.s32 s19, v48;
	v48 =	vadd.s32 s19, v60;
	v60 =	vadd.s32 s19, v61;
	v61 =	vld.idx.msk [tilespmem:v53+s3+$0x0], $0xffff  }
0xea: {  	v26 =	vld [tilespmem:$0x1F7B0]  }
0xeb: {  	v7 =	vld [tilespmem:$0x1F750]  }
0xec: {  	v10 =	vld [tilespmem:$0x1F910]  }
0xed: {  	v2 =	vld [tilespmem:$0x1F770];
	v8 =	vmul.f32 v59, v8;
	v9 =	vmul.f32 v59, v9  }
0xee: {  	v3 =	vld [tilespmem:$0x1F780];
	v58 =	vadd.s32 s19, v54;
	v59 =	vmul.f32 v59, v59;
	v11 =	vmul.f32 v61, v11  }
0xef: {  	v25 =	vld [tilespmem:$0x1F7F0];
	v9 =	vadd.f32 $0.0e+00, v9;
	v26 =	vmul.f32 v61, v26;
	v61 =	vmul.f32 v61, v61  }
0xf0: {  	v60 =	vld.idx.msk [tilespmem:v60+s3+$0x0], $0xffff  }
0xf1: {  	v9 =	vadd.f32 v26, v9;
	v26 =	vadd.f32 v61, v59;
	v61 =	vld [tilespmem:$0x1F800]  }
0xf2: {  	v27 =	vld [tilespmem:$0x1F7D0];
	v8 =	vadd.f32 $0.0e+00, v8  }
0xf3: {  	v58 =	vld.idx.msk [tilespmem:v58+s3+$0x0], $0xffff  }
0xf4: {  	v39 =	vadd.s32 s19, v42;
	v8 =	vadd.f32 v11, v8;
	v11 =	vld [tilespmem:$0x1F7E0]  }
0xf5: {  	v28 =	vld [tilespmem:$0x1F820];
	v42 =	vadd.s32 s19, v52;
	v52 =	vadd.s32 s19, v62;
	v62 =	vadd.s32 s19, v7  }
0xf6: {  	v34 =	vadd.s32 s19, v41;
	v59 =	vmul.f32 v60, v61;
	v61 =	vld [tilespmem:$0x1F810]  }
0xf7: {  	v41 =	vadd.s32 s19, v47;
	v47 =	vadd.s32 s19, v55;
	v55 =	vadd.s32 s19, v4;
	v4 =	vld [tilespmem:$0x1F8E0]  }
0xf8: {  	v54 =	vadd.s32 s19, v5;
	v5 =	vld [tilespmem:$0x1F850];
	v27 =	vmul.f32 v58, v27  }
0xf9: {  	v36 =	vadd.s32 s19, v0;
	v0 =	vadd.s32 s19, v10;
	v10 =	vld [tilespmem:$0x1F7C0];
	v11 =	vmul.f32 v58, v11  }
0xfa: {  	v2 =	vadd.s32 s19, v2;
	v25 =	vadd.s32 s19, v25;
	v62 =	vld.idx.msk [tilespmem:v62+s3+$0x0], $0xffff;
	v8 =	vadd.f32 v27, v8  }
0xfb: {  	v27 =	vmul.f32 v60, v60;
	v9 =	vadd.f32 v11, v9;
	v11 =	vmul.f32 v60, v61;
	v60 =	vld [tilespmem:$0x1F830]  }
0xfc: {  	v58 =	vmul.f32 v58, v58;
	v61 =	vld [tilespmem:$0x1F840]  }
0xfd: {  	v7 =	vld [tilespmem:$0x1F8B0]  }
0xfe: {  	v53 =	vadd.s32 s19, v6;
	v6 =	vld [tilespmem:$0x1F880];
	v10 =	vadd.s32 s19, v10;
	v26 =	vadd.f32 v58, v26  }
0xff: {  	v2 =	vld.idx.msk [tilespmem:v2+s3+$0x0], $0xffff  }
0x100: {  	v28 =	vadd.s32 s19, v28;
	v25 =	vld.idx.msk [tilespmem:v25+s3+$0x0], $0xffff;
	v26 =	vadd.f32 v27, v26;
	v27 =	vmul.f32 v62, v62  }
0x101: {  	v9 =	vadd.f32 v11, v9;
	v58 =	vmul.f32 v62, v60;
	v11 =	vmul.f32 v62, v61;
	v62 =	vld [tilespmem:$0x1F860]  }
0x102: {  	v3 =	vadd.s32 s19, v3;
	v60 =	vld [tilespmem:$0x1F870]  }
0x103: {  	v10 =	vld.idx.msk [tilespmem:v10+s3+$0x0], $0xffff  }
0x104: {  	v26 =	vadd.f32 v27, v26;
	v27 =	vld [tilespmem:$0x1F890]  }
0x105: {  	v5 =	vadd.s32 s19, v5;
	v61 =	vld [tilespmem:$0x1F8A0]  }
0x106: {  	v28 =	vld.idx.msk [tilespmem:v28+s3+$0x0], $0xffff;
	v6 =	vadd.s32 s19, v6;
	v8 =	vadd.f32 v59, v8;
	v59 =	vmul.f32 v2, v62  }
0x107: {  	v3 =	vld.idx.msk [tilespmem:v3+s3+$0x0], $0xffff;
	v9 =	vadd.f32 v11, v9;
	v11 =	vmul.f32 v2, v60;
	v2 =	vmul.f32 v2, v2  }
0x108: {  	v62 =	vld [tilespmem:$0x1F8D0]  }
0x109: {  	v27 =	vmul.f32 v10, v27;
	v8 =	vadd.f32 v58, v8;
	v2 =	vadd.f32 v2, v26;
	v26 =	vld [tilespmem:$0x1F8C0]  }
0x10a: {  	v5 =	vld.idx.msk [tilespmem:v5+s3+$0x0], $0xffff;
	v9 =	vadd.f32 v11, v9;
	v11 =	vmul.f32 v10, v61;
	v10 =	vmul.f32 v10, v10  }
0x10b: {  	v8 =	vadd.f32 v59, v8;
	v59 =	vld [tilespmem:$0x1F900]  }
0x10c: {  	v7 =	vadd.s32 s19, v7;
	v6 =	vld.idx.msk [tilespmem:v6+s3+$0x0], $0xffff;
	v58 =	vmul.f32 v25, v25;
	v2 =	vadd.f32 v10, v2  }
0x10d: {  	v61 =	vld [tilespmem:$0x1F930];
	v8 =	vadd.f32 v27, v8;
	v9 =	vadd.f32 v11, v9  }
0x10e: {  	v11 =	vmul.f32 v25, v62;
	v2 =	vadd.f32 v58, v2;
	v58 =	vld [tilespmem:$0x1F960];
	v26 =	vmul.f32 v25, v26  }
0x10f: {  	v25 =	vld [tilespmem:$0x1F8F0]  }
0x110: {  	v9 =	vadd.f32 v11, v9;
	v11 =	vmul.f32 v28, v59;
	v8 =	vadd.f32 v26, v8;
	v26 =	vld [tilespmem:$0x1F920]  }
0x111: {  	v7 =	vld.idx.msk [tilespmem:v7+s3+$0x0], $0xffff;
	v60 =	vmul.f32 v28, v28  }
0x112: {  	v4 =	vadd.s32 s19, v4;
	v62 =	vld [tilespmem:$0x1F950];
	v9 =	vadd.f32 v11, v9;
	v11 =	vmul.f32 v5, v61  }
0x113: {  	v2 =	vadd.f32 v60, v2;
	v60 =	vld [tilespmem:$0x1F980]  }
0x114: {  	v0 =	vld.idx.msk [tilespmem:v0+s3+$0x0], $0xffff;
	v9 =	vadd.f32 v11, v9;
	v11 =	vmul.f32 v6, v58;
	v25 =	vmul.f32 v28, v25  }
0x115: {  	v61 =	vld [tilespmem:$0x1F990];
	v26 =	vmul.f32 v5, v26;
	v5 =	vmul.f32 v5, v5  }
0x116: {  	v9 =	vadd.f32 v11, v9;
	v11 =	vld [tilespmem:$0x1F9B0]  }
0x117: {  	v4 =	vld.idx.msk [tilespmem:v4+s3+$0x0], $0xffff;
	v59 =	vmul.f32 v6, v6;
	v8 =	vadd.f32 v25, v8;
	v2 =	vadd.f32 v5, v2  }
0x118: {  	v10 =	vmul.f32 v6, v62;
	v6 =	vmul.f32 v7, v60;
	v60 =	vld [tilespmem:$0x1F9D0]  }
0x119: {  	v8 =	vadd.f32 v26, v8;
	v2 =	vadd.f32 v59, v2;
	v59 =	vld [tilespmem:$0x1F9C0]  }
0x11a: {  	v1 =	vld.idx.msk [tilespmem:v1+s3+$0x0], $0xffff;
	v62 =	vmul.f32 v7, v7  }
0x11b: {  	v8 =	vadd.f32 v10, v8;
	v10 =	vmul.f32 v7, v61;
	v7 =	vmul.f32 v3, v11;
	v11 =	vld.idx.msk [tilespmem:v63+s3+$0x0], $0xffff  }
0x11c: {  	v2 =	vadd.f32 v62, v2;
	v62 =	vld [tilespmem:$0x1F9E0]  }
0x11d: {  	v58 =	vadd.f32 v10, v9;
	v10 =	vld [tilespmem:$0x1F9F0]  }
0x11e: {  	v5 =	vmul.f32 v4, v60;
	v60 =	vld [tilespmem:$0x1FA20];
	v9 =	vmul.f32 v3, v59  }
0x11f: {  	v59 =	vld [tilespmem:$0x1FA00]  }
0x120: {  	v61 =	vadd.f32 v9, v58;
	v9 =	vld.idx.msk [tilespmem:v57+s3+$0x0], $0xffff  }
0x121: {  	v63 =	vmul.f32 v4, v4;
	v6 =	vadd.f32 v6, v8;
	v8 =	vmul.f32 v4, v62;
	v62 =	vld [tilespmem:$0x1FA30]  }
0x122: {  	v3 =	vmul.f32 v3, v3;
	v4 =	vmul.f32 v0, v10;
	v10 =	vld.idx.msk [tilespmem:v55+s3+$0x0], $0xffff  }
0x123: {  	v57 =	vld [tilespmem:$0x1FA70]  }
0x124: {  	v6 =	vadd.f32 v7, v6;
	v2 =	vadd.f32 v3, v2;
	v3 =	vmul.f32 v11, v60;
	v60 =	vld [tilespmem:$0x1FAB0]  }
0x125: {  	v58 =	vadd.f32 v8, v61;
	v8 =	vld.idx.msk [tilespmem:v56+s3+$0x0], $0xffff  }
0x126: {  	v5 =	vadd.f32 v5, v6;
	v56 =	vld [tilespmem:$0x1FA60];
	v7 =	vmul.f32 v0, v59  }
0x127: {  	v2 =	vadd.f32 v63, v2;
	v63 =	vmul.f32 v11, v11;
	v6 =	vmul.f32 v11, v62;
	v11 =	vld [tilespmem:$0x1FA40]  }
0x128: {  	v0 =	vmul.f32 v0, v0;
	v61 =	vadd.f32 v7, v58;
	v58 =	vld [tilespmem:$0x1FA90]  }
0x129: {  	v62 =	vld [tilespmem:$0x1FAC0]  }
0x12a: {  	v0 =	vadd.f32 v0, v2;
	v2 =	vmul.f32 v9, v57;
	v57 =	vld.idx.msk [tilespmem:v51+s3+$0x0], $0xffff  }
0x12b: {  	v51 =	vld.idx.msk [tilespmem:v49+s3+$0x0], $0xffff  }
0x12c: {  	v49 =	vld.idx.msk [tilespmem:v45+s3+$0x0], $0xffff  }
0x12d: {  	v4 =	vadd.f32 v4, v5;
	v55 =	vadd.f32 v6, v61;
	v6 =	vld.idx.msk [tilespmem:v54+s3+$0x0], $0xffff  }
0x12e: {  	v5 =	vmul.f32 v1, v56;
	v54 =	vld [tilespmem:$0x1FAF0]  }
0x12f: {  	v3 =	vadd.f32 v3, v4;
	v56 =	vld [tilespmem:$0x1FB00]  }
0x130: {  	v59 =	vmul.f32 v9, v9;
	v4 =	vadd.f32 v5, v55;
	v5 =	vmul.f32 v9, v58;
	v9 =	vld.idx.msk [tilespmem:v53+s3+$0x0], $0xffff  }
0x131: {  	v7 =	vmul.f32 v1, v11;
	v11 =	vld [tilespmem:$0x1FAE0]  }
0x132: {  	v53 =	vld.idx.msk [tilespmem:v52+s3+$0x0], $0xffff  }
0x133: {  	v58 =	vld [tilespmem:$0x1FB10]  }
0x134: {  	v0 =	vadd.f32 v63, v0;
	v1 =	vmul.f32 v1, v1;
	v52 =	vld [tilespmem:$0x1FB80];
	v3 =	vadd.f32 v7, v3  }
0x135: {  	v7 =	vmul.f32 v8, v60;
	v61 =	vadd.f32 v5, v4;
	v4 =	vmul.f32 v8, v62;
	v60 =	vld [tilespmem:$0x1FB30]  }
0x136: {  	v0 =	vadd.f32 v1, v0;
	v62 =	vld [tilespmem:$0x1FB50]  }
0x137: {  	v2 =	vadd.f32 v2, v3;
	v3 =	vadd.f32 v4, v61;
	v61 =	vld.idx.msk [tilespmem:v50+s3+$0x0], $0xffff  }
0x138: {  	v50 =	vld [tilespmem:$0x1FB60]  }
0x139: {  	v63 =	vmul.f32 v8, v8;
	v0 =	vadd.f32 v59, v0;
	v4 =	vmul.f32 v10, v54;
	v54 =	vld [tilespmem:$0x1FBA0]  }
0x13a: {  	v55 =	vmul.f32 v10, v10;
	v5 =	vmul.f32 v10, v11;
	v11 =	vld [tilespmem:$0x1FEE0]  }
0x13b: {  	v2 =	vadd.f32 v7, v2;
	v0 =	vadd.f32 v63, v0;
	v7 =	vmul.f32 v6, v56;
	v56 =	vld [tilespmem:$0x1FBB0]  }
0x13c: {  	v3 =	vadd.f32 v4, v3;
	v4 =	vmul.f32 v6, v58;
	v58 =	vld [tilespmem:$0x1FBD0]  }
0x13d: {  	v0 =	vadd.f32 v55, v0;
	v55 =	vld.idx.msk [tilespmem:v48+s3+$0x0], $0xffff  }
0x13e: {  	v2 =	vadd.f32 v5, v2;
	v5 =	vmul.f32 v9, v60;
	v60 =	vld [tilespmem:$0x1FBE0]  }
0x13f: {  	v59 =	vmul.f32 v6, v6;
	v3 =	vadd.f32 v4, v3;
	v4 =	vmul.f32 v9, v62;
	v62 =	vld [tilespmem:$0x1FBF0]  }
0x140: {  	v48 =	vld [tilespmem:$0x1FC20]  }
0x141: {  	v0 =	vadd.f32 v59, v0;
	v59 =	vld.idx.msk [tilespmem:v47+s3+$0x0], $0xffff  }
0x142: {  	v63 =	vmul.f32 v9, v9;
	v2 =	vadd.f32 v7, v2;
	v7 =	vmul.f32 v53, v50;
	v50 =	vld [tilespmem:$0x1FC40]  }
0x143: {  	v3 =	vadd.f32 v4, v3;
	v4 =	vmul.f32 v53, v52;
	v52 =	vld [tilespmem:$0x1FC50]  }
0x144: {  	v0 =	vadd.f32 v63, v0;
	v63 =	vld.idx.msk [tilespmem:v46+s3+$0x0], $0xffff  }
0x145: {  	v46 =	vld [tilespmem:$0x1FC00]  }
0x146: {  	v53 =	vmul.f32 v53, v53;
	v2 =	vadd.f32 v5, v2;
	v5 =	vmul.f32 v57, v54;
	v54 =	vld [tilespmem:$0x1FC70]  }
0x147: {  	v3 =	vadd.f32 v4, v3;
	v4 =	vmul.f32 v57, v56;
	v56 =	vld [tilespmem:$0x1FC90]  }
0x148: {  	v0 =	vadd.f32 v53, v0;
	v53 =	vld.idx.msk [tilespmem:v43+s3+$0x0], $0xffff  }
0x149: {  	v2 =	vadd.f32 v7, v2;
	v7 =	vmul.f32 v61, v58;
	v58 =	vld [tilespmem:$0x1FCB0]  }
0x14a: {  	v57 =	vmul.f32 v57, v57;
	v3 =	vadd.f32 v4, v3;
	v4 =	vmul.f32 v61, v60;
	v60 =	vld [tilespmem:$0x1FCC0]  }
0x14b: {  	v43 =	vld [tilespmem:$0x1FCF0]  }
0x14c: {  	v0 =	vadd.f32 v57, v0;
	v57 =	vld.idx.msk [tilespmem:v42+s3+$0x0], $0xffff  }
0x14d: {  	v2 =	vadd.f32 v5, v2;
	v5 =	vmul.f32 v51, v62;
	v62 =	vld [tilespmem:$0x1FCD0]  }
0x14e: {  	v61 =	vmul.f32 v61, v61;
	v42 =	vld.idx.msk [tilespmem:v40+s3+$0x0], $0xffff  }
0x14f: {  	v3 =	vadd.f32 v4, v3;
	v4 =	vmul.f32 v51, v46;
	v46 =	vld [tilespmem:$0x1FD10]  }
0x150: {  	v0 =	vadd.f32 v61, v0;
	v61 =	vld.idx.msk [tilespmem:v41+s3+$0x0], $0xffff  }
0x151: {  	v41 =	vld [tilespmem:$0x1FCE0]  }
0x152: {  	v47 =	vmul.f32 v51, v51;
	v2 =	vadd.f32 v7, v2;
	v7 =	vmul.f32 v55, v48;
	v48 =	vld [tilespmem:$0x1FD30]  }
0x153: {  	v3 =	vadd.f32 v4, v3;
	v4 =	vmul.f32 v55, v50;
	v50 =	vld [tilespmem:$0x1FD40]  }
0x154: {  	v0 =	vadd.f32 v47, v0;
	v47 =	vld.idx.msk [tilespmem:v39+s3+$0x0], $0xffff  }
0x155: {  	v2 =	vadd.f32 v5, v2;
	v5 =	vmul.f32 v59, v52;
	v52 =	vld [tilespmem:$0x1FD60]  }
0x156: {  	v51 =	vmul.f32 v55, v55;
	v39 =	vld [tilespmem:$0x1FE20]  }
0x157: {  	v3 =	vadd.f32 v4, v3;
	v4 =	vmul.f32 v59, v54;
	v54 =	vld [tilespmem:$0x1FD80]  }
0x158: {  	v0 =	vadd.f32 v51, v0;
	v51 =	vld.idx.msk [tilespmem:v38+s3+$0x0], $0xffff  }
0x159: {  	v2 =	vadd.f32 v7, v2;
	v7 =	vmul.f32 v63, v56;
	v56 =	vld [tilespmem:$0x1FD90]  }
0x15a: {  	v55 =	vmul.f32 v59, v59;
	v38 =	vld.idx.msk [tilespmem:v34+s3+$0x0], $0xffff  }
0x15b: {  	v3 =	vadd.f32 v4, v3;
	v4 =	vmul.f32 v63, v58;
	v58 =	vld [tilespmem:$0x1FDB0]  }
0x15c: {  	v0 =	vadd.f32 v55, v0;
	v55 =	vld.idx.msk [tilespmem:v37+s3+$0x0], $0xffff  }
0x15d: {  	v2 =	vadd.f32 v5, v2;
	v5 =	vmul.f32 v49, v60;
	v60 =	vld [tilespmem:$0x1FDC0]  }
0x15e: {  	v59 =	vmul.f32 v63, v63;
	v37 =	vld [tilespmem:$0x1FE00]  }
0x15f: {  	v3 =	vadd.f32 v4, v3;
	v4 =	vmul.f32 v49, v62;
	v62 =	vld [tilespmem:$0x1FDD0]  }
0x160: {  	v0 =	vadd.f32 v59, v0;
	v59 =	vld.idx.msk [tilespmem:v36+s3+$0x0], $0xffff  }
0x161: {  	v63 =	vmul.f32 v49, v49;
	v2 =	vadd.f32 v7, v2;
	v7 =	vmul.f32 v53, v41;
	v41 =	vld [tilespmem:$0x1FE30]  }
0x162: {  	v3 =	vadd.f32 v4, v3;
	v4 =	vmul.f32 v53, v43;
	v43 =	vld [tilespmem:$0x1FE40]  }
0x163: {  	v2 =	vadd.f32 v5, v2;
	v0 =	vadd.f32 v63, v0;
	v63 =	vld.idx.msk [tilespmem:v35+s3+$0x0], $0xffff  }
0x164: {  	v45 =	vmul.f32 v53, v53;
	v5 =	vmul.f32 v57, v46;
	v35 =	vld [tilespmem:$0x1FDE0]  }
0x165: {  	v46 =	vld [tilespmem:$0x1FE50];
	v3 =	vadd.f32 v4, v3;
	v4 =	vmul.f32 v57, v48;
	v2 =	vadd.f32 v7, v2  }
0x166: {  	v49 =	vmul.f32 v57, v57;
	v48 =	vld [tilespmem:$0x1FE60];
	v0 =	vadd.f32 v45, v0;
	v7 =	vmul.f32 v61, v50  }
0x167: {  	v50 =	vld [tilespmem:$0x1FE70];
	v3 =	vadd.f32 v4, v3;
	v4 =	vmul.f32 v61, v52;
	v2 =	vadd.f32 v5, v2  }
0x168: {  	v53 =	vmul.f32 v61, v61;
	v52 =	vld [tilespmem:$0x1FE80];
	v0 =	vadd.f32 v49, v0;
	v5 =	vmul.f32 v42, v54  }
0x169: {  	v54 =	vld [tilespmem:$0x1FE90];
	v3 =	vadd.f32 v4, v3;
	v4 =	vmul.f32 v42, v56;
	v2 =	vadd.f32 v7, v2  }
0x16a: {  	v57 =	vmul.f32 v42, v42;
	v42 =	vld.idx.msk [tilespmem:v24+s3+$0x0], $0xffff;
	v0 =	vadd.f32 v53, v0;
	v7 =	vmul.f32 v47, v58  }
0x16b: {  	v56 =	vld [tilespmem:$0x1FEA0];
	v3 =	vadd.f32 v4, v3;
	v4 =	vmul.f32 v47, v60;
	v2 =	vadd.f32 v5, v2  }
0x16c: {  	v61 =	vmul.f32 v47, v47;
	v58 =	vld [tilespmem:$0x1FEB0];
	v0 =	vadd.f32 v57, v0;
	v5 =	vmul.f32 v51, v62  }
0x16d: {  	v47 =	vld.idx.msk [tilespmem:v23+s3+$0x0], $0xffff;
	v3 =	vadd.f32 v4, v3;
	v4 =	vmul.f32 v51, v35;
	v2 =	vadd.f32 v7, v2  }
0x16e: {  	v36 =	vmul.f32 v51, v51;
	v60 =	vld [tilespmem:$0x1FEC0];
	v0 =	vadd.f32 v61, v0;
	v7 =	vmul.f32 v55, v37  }
0x16f: {  	v62 =	vld [tilespmem:$0x1FED0];
	v3 =	vadd.f32 v4, v3;
	v4 =	vmul.f32 v55, v39;
	v2 =	vadd.f32 v5, v2  }
0x170: {  	v40 =	vmul.f32 v55, v55;
	v51 =	vld.idx.msk [tilespmem:v22+s3+$0x0], $0xffff;
	v0 =	vadd.f32 v36, v0;
	v5 =	vmul.f32 v59, v41  }
0x171: {  	v35 =	vld [tilespmem:$0x1FEF0];
	v3 =	vadd.f32 v4, v3;
	v4 =	vmul.f32 v59, v43;
	v2 =	vadd.f32 v7, v2  }
0x172: {  	v45 =	vmul.f32 v59, v59;
	v37 =	vld [tilespmem:$0x1FF00];
	v0 =	vadd.f32 v40, v0;
	v7 =	vmul.f32 v63, v46  }
0x173: {  	v55 =	vld.idx.msk [tilespmem:v21+s3+$0x0], $0xffff;
	v3 =	vadd.f32 v4, v3;
	v4 =	vmul.f32 v63, v48;
	v2 =	vadd.f32 v5, v2  }
0x174: {  	v49 =	vmul.f32 v63, v63;
	v39 =	vld [tilespmem:$0x1FF10];
	v0 =	vadd.f32 v45, v0;
	v5 =	vmul.f32 v38, v50  }
0x175: {  	v36 =	vld.idx.msk [tilespmem:v18+s3+$0x0], $0xffff;
	v3 =	vadd.f32 v4, v3;
	v4 =	vmul.f32 v38, v52;
	v2 =	vadd.f32 v7, v2  }
0x176: {  	v53 =	vmul.f32 v38, v38;
	v41 =	vld [tilespmem:$0x1FF20];
	v0 =	vadd.f32 v49, v0;
	v7 =	vmul.f32 v42, v54  }
0x177: {  	v59 =	vld.idx.msk [tilespmem:v20+s3+$0x0], $0xffff;
	v3 =	vadd.f32 v4, v3;
	v4 =	vmul.f32 v42, v56;
	v2 =	vadd.f32 v5, v2  }
0x178: {  	v57 =	vmul.f32 v42, v42;
	v43 =	vld [tilespmem:$0x1FF30];
	v0 =	vadd.f32 v53, v0;
	v5 =	vmul.f32 v47, v58  }
0x179: {  	v40 =	vld.idx.msk [tilespmem:v17+s3+$0x0], $0xffff;
	v3 =	vadd.f32 v4, v3;
	v4 =	vmul.f32 v47, v60;
	v2 =	vadd.f32 v7, v2  }
0x17a: {  	v61 =	vmul.f32 v47, v47;
	v46 =	vld [tilespmem:$0x1FF40];
	v0 =	vadd.f32 v57, v0;
	v7 =	vmul.f32 v51, v62  }
0x17b: {  	v63 =	vld.idx.msk [tilespmem:v19+s3+$0x0], $0xffff;
	v3 =	vadd.f32 v4, v3;
	v4 =	vmul.f32 v51, v11;
	v2 =	vadd.f32 v5, v2  }
0x17c: {  	v34 =	vmul.f32 v51, v51;
	v48 =	vld [tilespmem:$0x1FF50];
	v0 =	vadd.f32 v61, v0;
	v5 =	vmul.f32 v55, v35  }
0x17d: {  	v45 =	vld.idx.msk [tilespmem:v16+s3+$0x0], $0xffff;
	v3 =	vadd.f32 v4, v3;
	v4 =	vmul.f32 v55, v37;
	v2 =	vadd.f32 v7, v2  }
0x17e: {  	v38 =	vmul.f32 v55, v55;
	v49 =	vld [tilespmem:$0x1FF60];
	v0 =	vadd.f32 v34, v0;
	v7 =	vmul.f32 v59, v39  }
0x17f: {  	v51 =	vld [tilespmem:$0x1FF70];
	v3 =	vadd.f32 v4, v3;
	v4 =	vmul.f32 v59, v41;
	v2 =	vadd.f32 v5, v2  }
0x180: {  	v52 =	vld [tilespmem:$0x1FF80];
	v42 =	vmul.f32 v59, v59;
	v0 =	vadd.f32 v38, v0;
	v5 =	vmul.f32 v63, v43  }
0x181: {  	v54 =	vld [tilespmem:$0x1FF90];
	v3 =	vadd.f32 v4, v3;
	v4 =	vmul.f32 v63, v46;
	v2 =	vadd.f32 v7, v2  }
0x182: {  	v47 =	vmul.f32 v63, v63;
	v55 =	vld [tilespmem:$0x1FFA0];
	v0 =	vadd.f32 v42, v0;
	v7 =	vmul.f32 v36, v48  }
0x183: {  	v3 =	vadd.f32 v4, v3;
	v4 =	vmul.f32 v36, v49;
	v2 =	vadd.f32 v5, v2  }
0x184: {  	v50 =	vmul.f32 v36, v36;
	v0 =	vadd.f32 v47, v0;
	v5 =	vmul.f32 v40, v51  }
0x185: {  	v3 =	vadd.f32 v4, v3;
	v4 =	vmul.f32 v40, v52;
	v2 =	vadd.f32 v7, v2  }
0x186: {  	v53 =	vmul.f32 v40, v40;
	v0 =	vadd.f32 v50, v0;
	v7 =	vmul.f32 v45, v54  }
0x187: {  	v60 =	vld [tilespmem:$0x1FFC0];
	v3 =	vadd.f32 v4, v3;
	v4 =	vmul.f32 v45, v55;
	v2 =	vadd.f32 v5, v2  }
0x188: {  	v13 =	vsel vm1, v44, v13;
	v56 =	vmul.f32 v45, v45;
	v62 =	vld [tilespmem:$0x1FFE0];
	v0 =	vadd.f32 v53, v0  }
0x189: {  	s18 =	sadd.s32 $0x10, s18;
	v25 =	vlaneseq.u32;
	v61 =	vld [tilespmem:$0x1FFD0];
	v3 =	vadd.f32 v4, v3;
	v2 =	vadd.f32 v7, v2  }
0x18a: {  	v15 =	vsel vm0, v44, v15;
	s19 =	smov.u32 s20;
	v44 =	vor.u32 s18, v25;
	v59 =	vld [tilespmem:$0x1FFB0];
	v0 =	vadd.f32 v56, v0  }
0x18b: {  	p1 =	sne.s32 s20, $0x5EF0;
	v24 =	vadd.s32 s19, v30;
	v63 =	vld [tilespmem:$0x1FFF0];
	v58 =	vadd.f32 v3, v3;
	v57 =	vadd.f32 v2, v2  }
.Ltmp2:
0x18c: {  	v23 =	vadd.s32 s19, v31;
	v22 =	vadd.s32 s19, v32;
	v20 =	vadd.s32 s20, v29;
	(pc) =	sbr.rel @p1 .LBB2_2-.Ltmp2, $4  }
0x18d: {  	v19 =	vadd.s32 s20, v33;
	v1 =	vsub.f32 v0, v57;
	v0 =	vsub.f32 v0, v58  }
0x18e: {  	v18 =	vadd.s32 s20, v60;
	v16 =	vadd.s32 s20, v62;
	v17 =	vadd.s32 s20, v61  }
0x18f: {  	v51 =	vadd.s32 s20, v59;
	vm1 =	vlt.f32 v1, v14;
	vm0 =	vlt.f32 v0, v12  }
0x190: {  	v21 =	vadd.s32 s20, v63;
	s20 =	sadd.s32 $0x310, s20;
	v14 =	vsel vm1, v1, v14;
	v12 =	vsel vm0, v0, v12  }
0x191: {  	_ =	sdelay $0x2  }
0x192: {  	v0 =	vld [tilespmem:$0x1F720]  }
0x193: {  	v1 =	vld.idx.msk [tilespmem:v51+s3+$0x0], $0xffff  }
0x194: {  	v2 =	vld [tilespmem:$0x1F730]  }
0x195: {  	v3 =	vld [tilespmem:$0x1F740]  }
0x196: {  	v4 =	vld [tilespmem:$0x1F760]  }
0x197: {  	v5 =	vld [tilespmem:$0x1F790]  }
0x198: {  	v6 =	vld [tilespmem:$0x1F750]  }
0x199: {  	v7 =	vld [tilespmem:$0x1F7A0]  }
0x19a: {  	v8 =	vld [tilespmem:$0x1F7B0]  }
0x19b: {  	v40 =	vld [tilespmem:$0x1F770]  }
0x19c: {  	v41 =	vld [tilespmem:$0x1F7C0]  }
0x19d: {  	v9 =	vld [tilespmem:$0x1F7D0]  }
0x19e: {  	v10 =	vld [tilespmem:$0x1F7E0]  }
0x19f: {  	v43 =	vld [tilespmem:$0x1F7F0]  }
0x1a0: {  	v45 =	vld [tilespmem:$0x1F800]  }
0x1a1: {  	v46 =	vld [tilespmem:$0x1F810]  }
0x1a2: {  	v50 =	vld [tilespmem:$0x1F820]  }
0x1a3: {  	v51 =	vld [tilespmem:$0x1F830]  }
0x1a4: {  	v52 =	vld [tilespmem:$0x1F840]  }
0x1a5: {  	v55 =	vld [tilespmem:$0x1F860]  }
0x1a6: {  	v56 =	vld [tilespmem:$0x1F850]  }
0x1a7: {  	v57 =	vld [tilespmem:$0x1F870]  }
0x1a8: {  	v59 =	vld [tilespmem:$0x1F890]  }
0x1a9: {  	v60 =	vld [tilespmem:$0x1F880]  }
0x1aa: {  	v61 =	vld [tilespmem:$0x1F8A0]  }
0x1ab: {  	v62 =	vld [tilespmem:$0x1F8B0]  }
0x1ac: {  	v63 =	vld [tilespmem:$0x1F8C0]  }
0x1ad: {  	v11 =	vld [tilespmem:$0x1F8D0]  }
0x1ae: {  	v28 =	vld [tilespmem:$0x1F780]  }
0x1af: {  	v29 =	vld [tilespmem:$0x1F8F0]  }
0x1b0: {  	v30 =	vld [tilespmem:$0x1F900];
	v0 =	vadd.s32 s19, v0  }
0x1b1: {  	v33 =	vld [tilespmem:$0x1F8E0];
	v2 =	vadd.s32 s19, v2  }
0x1b2: {  	v34 =	vld [tilespmem:$0x1F920];
	v6 =	vadd.s32 s19, v6  }
0x1b3: {  	v35 =	vld [tilespmem:$0x1F930]  }
0x1b4: {  	v36 =	vld [tilespmem:$0x1F910];
	v3 =	vadd.s32 s19, v3  }
0x1b5: {  	v0 =	vld.idx.msk [tilespmem:v0+s3+$0x0], $0xffff  }
0x1b6: {  	v2 =	vld.idx.msk [tilespmem:v2+s3+$0x0], $0xffff  }
0x1b7: {  	v42 =	vld.idx.msk [tilespmem:v6+s3+$0x0], $0xffff;
	v6 =	vadd.s32 s19, v43  }
0x1b8: {  	v37 =	vld [tilespmem:$0x1F950];
	v4 =	vmul.f32 v1, v4  }
0x1b9: {  	v5 =	vmul.f32 v1, v5;
	v3 =	vld.idx.msk [tilespmem:v3+s3+$0x0], $0xffff  }
0x1ba: {  	v38 =	vld [tilespmem:$0x1F960];
	v4 =	vadd.f32 $0.0e+00, v4;
	v7 =	vmul.f32 v0, v7  }
0x1bb: {  	v1 =	vmul.f32 v1, v1;
	v5 =	vadd.f32 $0.0e+00, v5;
	v43 =	vld [tilespmem:$0x1F9A0];
	v8 =	vmul.f32 v0, v8  }
0x1bc: {  	v0 =	vmul.f32 v0, v0;
	v9 =	vmul.f32 v2, v9;
	v54 =	vld.idx.msk [tilespmem:v6+s3+$0x0], $0xffff;
	v4 =	vadd.f32 v7, v4  }
0x1bd: {  	v10 =	vmul.f32 v2, v10;
	v7 =	vadd.s32 s19, v40;
	v5 =	vadd.f32 v8, v5;
	v40 =	vld [tilespmem:$0x1F980]  }
0x1be: {  	v8 =	vadd.s32 s19, v41;
	v41 =	vld [tilespmem:$0x1F940];
	v4 =	vadd.f32 v9, v4;
	v9 =	vmul.f32 v3, v45  }
0x1bf: {  	v5 =	vadd.f32 v10, v5;
	v10 =	vmul.f32 v3, v46;
	v45 =	vld [tilespmem:$0x1F9B0]  }
0x1c0: {  	v0 =	vadd.f32 v0, v1;
	v1 =	vmul.f32 v42, v42;
	v46 =	vld [tilespmem:$0x1F9C0];
	v47 =	vadd.f32 v9, v4  }
0x1c1: {  	v48 =	vadd.f32 v10, v5;
	v9 =	vmul.f32 v42, v51;
	v10 =	vmul.f32 v42, v52;
	v42 =	vld [tilespmem:$0x1F990]  }
0x1c2: {  	v2 =	vmul.f32 v2, v2;
	v52 =	vld [tilespmem:$0x1F9F0]  }
0x1c3: {  	v7 =	vld.idx.msk [tilespmem:v7+s3+$0x0], $0xffff  }
0x1c4: {  	v0 =	vadd.f32 v2, v0;
	v3 =	vmul.f32 v3, v3;
	v49 =	vld.idx.msk [tilespmem:v8+s3+$0x0], $0xffff;
	v8 =	vadd.s32 s19, v50  }
0x1c5: {  	v50 =	vld [tilespmem:$0x1F9E0]  }
0x1c6: {  	v0 =	vadd.f32 v3, v0;
	v2 =	vadd.f32 v9, v47;
	v47 =	vld [tilespmem:$0x1F970]  }
0x1c7: {  	v53 =	vadd.f32 v10, v48;
	v48 =	vld [tilespmem:$0x1F9D0]  }
0x1c8: {  	v0 =	vadd.f32 v1, v0;
	v1 =	vadd.s32 s19, v56;
	v56 =	vld [tilespmem:$0x1FA30]  }
0x1c9: {  	v8 =	vld.idx.msk [tilespmem:v8+s3+$0x0], $0xffff  }
0x1ca: {  	v6 =	vmul.f32 v7, v55;
	v55 =	vld [tilespmem:$0x1FA20]  }
0x1cb: {  	v9 =	vmul.f32 v7, v57;
	v57 =	vld [tilespmem:$0x1FA80]  }
0x1cc: {  	v58 =	vmul.f32 v7, v7;
	v7 =	vmul.f32 v49, v59;
	v59 =	vld [tilespmem:$0x1FA60]  }
0x1cd: {  	v1 =	vld.idx.msk [tilespmem:v1+s3+$0x0], $0xffff  }
0x1ce: {  	v5 =	vmul.f32 v49, v49;
	v2 =	vadd.f32 v6, v2;
	v6 =	vmul.f32 v49, v61;
	v49 =	vld [tilespmem:$0x1FA10]  }
0x1cf: {  	v3 =	vadd.f32 v9, v53;
	v53 =	vld [tilespmem:$0x1FA00]  }
0x1d0: {  	v0 =	vadd.f32 v58, v0;
	v58 =	vld [tilespmem:$0x1FA40]  }
0x1d1: {  	v9 =	vadd.s32 s19, v60;
	v60 =	vld [tilespmem:$0x1FAA0]  }
0x1d2: {  	v4 =	vmul.f32 v54, v54;
	v61 =	vld [tilespmem:$0x1FA70]  }
0x1d3: {  	v10 =	vmul.f32 v54, v63;
	v0 =	vadd.f32 v5, v0;
	v5 =	vmul.f32 v54, v11;
	v54 =	vld [tilespmem:$0x1FA50]  }
0x1d4: {  	v2 =	vadd.f32 v7, v2;
	v7 =	vadd.s32 s19, v62;
	v62 =	vld [tilespmem:$0x1FA90]  }
0x1d5: {  	v3 =	vadd.f32 v6, v3;
	v11 =	vld [tilespmem:$0x1FCA0]  }
0x1d6: {  	v2 =	vadd.f32 v10, v2;
	v10 =	vmul.f32 v8, v29;
	v29 =	vld [tilespmem:$0x1FAB0]  }
0x1d7: {  	v6 =	vadd.s32 s19, v28;
	v3 =	vadd.f32 v5, v3;
	v5 =	vmul.f32 v8, v30;
	v30 =	vld [tilespmem:$0x1FAD0]  }
0x1d8: {  	v32 =	vmul.f32 v8, v8;
	v0 =	vadd.f32 v4, v0;
	v8 =	vmul.f32 v1, v34;
	v34 =	vld [tilespmem:$0x1FB20]  }
0x1d9: {  	v9 =	vld.idx.msk [tilespmem:v9+s3+$0x0], $0xffff  }
0x1da: {  	v0 =	vadd.f32 v32, v0;
	v32 =	vld [tilespmem:$0x1FAE0]  }
0x1db: {  	v3 =	vadd.f32 v5, v3;
	v5 =	vadd.s32 s19, v33;
	v33 =	vld [tilespmem:$0x1FAF0]  }
0x1dc: {  	v31 =	vld.idx.msk [tilespmem:v7+s3+$0x0], $0xffff  }
0x1dd: {  	v2 =	vadd.f32 v10, v2;
	v6 =	vld.idx.msk [tilespmem:v6+s3+$0x0], $0xffff  }
0x1de: {  	v7 =	vmul.f32 v1, v35;
	v35 =	vld [tilespmem:$0x1FB00]  }
0x1df: {  	v2 =	vadd.f32 v8, v2;
	v8 =	vadd.s32 s19, v36;
	v36 =	vld [tilespmem:$0x1FB10]  }
0x1e0: {  	v1 =	vmul.f32 v1, v1;
	v3 =	vadd.f32 v7, v3;
	v7 =	vadd.s32 s19, v43;
	v43 =	vld [tilespmem:$0x1FB80]  }
0x1e1: {  	v10 =	vmul.f32 v9, v37;
	v37 =	vld [tilespmem:$0x1FB40]  }
0x1e2: {  	v0 =	vadd.f32 v1, v0;
	v1 =	vmul.f32 v9, v38;
	v38 =	vld [tilespmem:$0x1FB30]  }
0x1e3: {  	v39 =	vmul.f32 v9, v9;
	v5 =	vld.idx.msk [tilespmem:v5+s3+$0x0], $0xffff;
	v9 =	vmul.f32 v31, v40  }
0x1e4: {  	v2 =	vadd.f32 v10, v2;
	v10 =	vmul.f32 v31, v42;
	v4 =	vmul.f32 v31, v31;
	v31 =	vld [tilespmem:$0x1FAC0]  }
0x1e5: {  	v0 =	vadd.f32 v39, v0;
	v39 =	vld [tilespmem:$0x1FB70]  }
0x1e6: {  	v40 =	vld [tilespmem:$0x1FB50]  }
0x1e7: {  	v1 =	vadd.f32 v1, v3;
	v3 =	vadd.s32 s19, v41;
	v41 =	vld [tilespmem:$0x1FB60]  }
0x1e8: {  	v42 =	vld [tilespmem:$0x1FB90]  }
0x1e9: {  	v8 =	vld.idx.msk [tilespmem:v8+s3+$0x0], $0xffff  }
0x1ea: {  	v2 =	vadd.f32 v9, v2;
	v9 =	vmul.f32 v6, v45;
	v51 =	vld.idx.msk [tilespmem:v7+s3+$0x0], $0xffff  }
0x1eb: {  	v1 =	vadd.f32 v10, v1;
	v0 =	vadd.f32 v4, v0;
	v4 =	vmul.f32 v6, v46;
	v46 =	vld [tilespmem:$0x1FBA0]  }
0x1ec: {  	v2 =	vadd.f32 v9, v2;
	v9 =	vadd.s32 s19, v47;
	v47 =	vld [tilespmem:$0x1FBC0]  }
0x1ed: {  	v6 =	vmul.f32 v6, v6;
	v1 =	vadd.f32 v4, v1;
	v4 =	vmul.f32 v5, v48;
	v48 =	vld [tilespmem:$0x1FBB0]  }
0x1ee: {  	v10 =	vmul.f32 v5, v50;
	v50 =	vld [tilespmem:$0x1FBD0]  }
0x1ef: {  	v0 =	vadd.f32 v6, v0;
	v5 =	vmul.f32 v5, v5;
	v3 =	vld.idx.msk [tilespmem:v3+s3+$0x0], $0xffff  }
0x1f0: {  	v6 =	vadd.s32 s19, v49;
	v2 =	vadd.f32 v4, v2;
	v7 =	vmul.f32 v8, v52;
	v52 =	vld [tilespmem:$0x1FBE0]  }
0x1f1: {  	v0 =	vadd.f32 v5, v0;
	v5 =	vmul.f32 v8, v53;
	v8 =	vmul.f32 v8, v8;
	v53 =	vld [tilespmem:$0x1FBF0]  }
0x1f2: {  	v2 =	vadd.f32 v7, v2;
	v7 =	vadd.s32 s19, v54;
	v54 =	vld [tilespmem:$0x1FC00]  }
0x1f3: {  	v1 =	vadd.f32 v10, v1;
	v0 =	vadd.f32 v8, v0;
	v8 =	vadd.s32 s19, v57;
	v57 =	vld [tilespmem:$0x1FC40]  }
0x1f4: {  	v9 =	vld.idx.msk [tilespmem:v9+s3+$0x0], $0xffff  }
0x1f5: {  	v1 =	vadd.f32 v5, v1;
	v6 =	vld.idx.msk [tilespmem:v6+s3+$0x0], $0xffff;
	v5 =	vmul.f32 v3, v55  }
0x1f6: {  	v10 =	vmul.f32 v3, v56;
	v3 =	vmul.f32 v3, v3;
	v55 =	vld [tilespmem:$0x1FC30]  }
0x1f7: {  	v4 =	vmul.f32 v51, v51;
	v56 =	vld [tilespmem:$0x1FC20];
	v2 =	vadd.f32 v5, v2  }
0x1f8: {  	v5 =	vmul.f32 v51, v58;
	v0 =	vadd.f32 v3, v0;
	v3 =	vmul.f32 v51, v59;
	v51 =	vld [tilespmem:$0x1FC10]  }
0x1f9: {  	v58 =	vld [tilespmem:$0x1FC60]  }
0x1fa: {  	v59 =	vld [tilespmem:$0x1FC80]  }
0x1fb: {  	v7 =	vld.idx.msk [tilespmem:v7+s3+$0x0], $0xffff  }
0x1fc: {  	v63 =	vld.idx.msk [tilespmem:v8+s3+$0x0], $0xffff  }
0x1fd: {  	v1 =	vadd.f32 v10, v1;
	v2 =	vadd.f32 v5, v2;
	v5 =	vadd.s32 s19, v60;
	v60 =	vld [tilespmem:$0x1FC50]  }
0x1fe: {  	v10 =	vmul.f32 v9, v61;
	v0 =	vadd.f32 v4, v0;
	v28 =	vmul.f32 v9, v9;
	v61 =	vld [tilespmem:$0x1FC70]  }
0x1ff: {  	v1 =	vadd.f32 v3, v1;
	v3 =	vmul.f32 v9, v62;
	v9 =	vmul.f32 v6, v29;
	v29 =	vld [tilespmem:$0x1FCB0]  }
0x200: {  	v0 =	vadd.f32 v28, v0;
	v28 =	vld [tilespmem:$0x1FC90]  }
0x201: {  	v2 =	vadd.f32 v10, v2;
	v1 =	vadd.f32 v3, v1;
	v10 =	vmul.f32 v6, v31;
	v31 =	vld [tilespmem:$0x1FD00]  }
0x202: {  	v3 =	vadd.s32 s19, v30;
	v6 =	vmul.f32 v6, v6;
	v8 =	vmul.f32 v7, v32;
	v32 =	vld [tilespmem:$0x1FCC0]  }
0x203: {  	v2 =	vadd.f32 v9, v2;
	v9 =	vmul.f32 v7, v33;
	v33 =	vld [tilespmem:$0x1FCD0]  }
0x204: {  	v1 =	vadd.f32 v10, v1;
	v0 =	vadd.f32 v6, v0;
	v7 =	vmul.f32 v7, v7;
	v5 =	vld.idx.msk [tilespmem:v5+s3+$0x0], $0xffff  }
0x205: {  	v6 =	vadd.s32 s19, v34;
	v2 =	vadd.f32 v8, v2;
	v8 =	vmul.f32 v63, v35;
	v35 =	vld [tilespmem:$0x1FCE0]  }
0x206: {  	v0 =	vadd.f32 v7, v0;
	v7 =	vmul.f32 v63, v36;
	v36 =	vld [tilespmem:$0x1FD20]  }
0x207: {  	v1 =	vadd.f32 v9, v1;
	v3 =	vld.idx.msk [tilespmem:v3+s3+$0x0], $0xffff  }
0x208: {  	v4 =	vmul.f32 v63, v63;
	v2 =	vadd.f32 v8, v2;
	v8 =	vadd.s32 s19, v37;
	v37 =	vld [tilespmem:$0x1FCF0]  }
0x209: {  	v1 =	vadd.f32 v7, v1;
	v7 =	vadd.s32 s19, v39;
	v39 =	vld [tilespmem:$0x1FD50]  }
0x20a: {  	v0 =	vadd.f32 v4, v0;
	v6 =	vld.idx.msk [tilespmem:v6+s3+$0x0], $0xffff;
	v4 =	vmul.f32 v5, v38;
	v9 =	vmul.f32 v5, v40  }
0x20b: {  	v5 =	vmul.f32 v5, v5;
	v38 =	vld [tilespmem:$0x1FD10]  }
0x20c: {  	v40 =	vld [tilespmem:$0x1FD30];
	v2 =	vadd.f32 v4, v2;
	v1 =	vadd.f32 v9, v1  }
0x20d: {  	v0 =	vadd.f32 v5, v0;
	v4 =	vmul.f32 v3, v41;
	v9 =	vmul.f32 v3, v43;
	v41 =	vld [tilespmem:$0x1FD70]  }
0x20e: {  	v5 =	vadd.s32 s19, v42;
	v3 =	vmul.f32 v3, v3;
	v45 =	vld.idx.msk [tilespmem:v7+s3+$0x0], $0xffff;
	v7 =	vadd.s32 s19, v47  }
0x20f: {  	v8 =	vld.idx.msk [tilespmem:v8+s3+$0x0], $0xffff;
	v2 =	vadd.f32 v4, v2;
	v1 =	vadd.f32 v9, v1;
	v4 =	vmul.f32 v6, v46  }
0x210: {  	v42 =	vld [tilespmem:$0x1FD40];
	v0 =	vadd.f32 v3, v0;
	v9 =	vmul.f32 v6, v48;
	v6 =	vmul.f32 v6, v6  }
0x211: {  	v47 =	vld [tilespmem:$0x1FDA0]  }
0x212: {  	v0 =	vadd.f32 v6, v0;
	v6 =	vadd.s32 s19, v51;
	v51 =	vld [tilespmem:$0x1FDF0]  }
0x213: {  	v49 =	vld.idx.msk [tilespmem:v5+s3+$0x0], $0xffff  }
0x214: {  	v2 =	vadd.f32 v4, v2;
	v5 =	vmul.f32 v8, v50;
	v7 =	vld.idx.msk [tilespmem:v7+s3+$0x0], $0xffff  }
0x215: {  	v1 =	vadd.f32 v9, v1;
	v9 =	vmul.f32 v8, v52;
	v8 =	vmul.f32 v8, v8;
	v50 =	vld [tilespmem:$0x1FD90]  }
0x216: {  	v3 =	vmul.f32 v45, v45;
	v52 =	vld [tilespmem:$0x1FDB0];
	v2 =	vadd.f32 v5, v2  }
0x217: {  	v5 =	vmul.f32 v45, v53;
	v0 =	vadd.f32 v8, v0;
	v8 =	vmul.f32 v45, v54;
	v45 =	vld [tilespmem:$0x1FD60]  }
0x218: {  	v1 =	vadd.f32 v9, v1;
	v53 =	vld [tilespmem:$0x1FE10]  }
0x219: {  	v54 =	vld [tilespmem:$0x1FDC0];
	v2 =	vadd.f32 v5, v2;
	v5 =	vadd.s32 s19, v55  }
0x21a: {  	v6 =	vld.idx.msk [tilespmem:v6+s3+$0x0], $0xffff;
	v1 =	vadd.f32 v8, v1;
	v8 =	vmul.f32 v49, v56;
	v9 =	vmul.f32 v49, v57  }
0x21b: {  	v0 =	vadd.f32 v3, v0;
	v3 =	vadd.s32 s19, v58;
	v4 =	vmul.f32 v49, v49;
	v49 =	vld [tilespmem:$0x1FD80]  }
0x21c: {  	v55 =	vld [tilespmem:$0x1FDD0]  }
0x21d: {  	v56 =	vld [tilespmem:$0x1FDE0];
	v2 =	vadd.f32 v8, v2;
	v1 =	vadd.f32 v9, v1;
	v9 =	vmul.f32 v7, v60  }
0x21e: {  	v10 =	vmul.f32 v7, v61;
	v63 =	vmul.f32 v7, v7;
	v8 =	vadd.s32 s19, v59;
	v62 =	vld.idx.msk [tilespmem:v5+s3+$0x0], $0xffff  }
0x21f: {  	v58 =	vld [tilespmem:$0x1FE00];
	v0 =	vadd.f32 v4, v0;
	v7 =	vadd.s32 s19, v11;
	v2 =	vadd.f32 v9, v2  }
0x220: {  	v1 =	vadd.f32 v10, v1;
	v9 =	vmul.f32 v6, v28;
	v10 =	vmul.f32 v6, v29;
	v3 =	vld.idx.msk [tilespmem:v3+s3+$0x0], $0xffff  }
0x221: {  	v61 =	vld [tilespmem:$0x1FE30];
	v0 =	vadd.f32 v63, v0  }
0x222: {  	v59 =	vld [tilespmem:$0x1FE20];
	v6 =	vmul.f32 v6, v6;
	v2 =	vadd.f32 v9, v2;
	v1 =	vadd.f32 v10, v1  }
0x223: {  	v30 =	vld.idx.msk [tilespmem:v8+s3+$0x0], $0xffff;
	v8 =	vadd.s32 s19, v31;
	v9 =	vmul.f32 v62, v32;
	v10 =	vmul.f32 v62, v33  }
0x224: {  	v11 =	vld [tilespmem:$0x1FE60];
	v0 =	vadd.f32 v6, v0;
	v4 =	vmul.f32 v62, v62  }
0x225: {  	v34 =	vld.idx.msk [tilespmem:v7+s3+$0x0], $0xffff;
	v7 =	vmul.f32 v3, v35;
	v2 =	vadd.f32 v9, v2;
	v1 =	vadd.f32 v10, v1  }
0x226: {  	v63 =	vld.idx.msk [tilespmem:v24+s3+$0x0], $0xffff;
	v0 =	vadd.f32 v4, v0;
	v4 =	vadd.s32 s19, v36;
	v9 =	vmul.f32 v3, v37  }
0x227: {  	v28 =	vld.idx.msk [tilespmem:v23+s3+$0x0], $0xffff;
	v3 =	vmul.f32 v3, v3;
	v2 =	vadd.f32 v7, v2  }
0x228: {  	v8 =	vld.idx.msk [tilespmem:v8+s3+$0x0], $0xffff;
	v7 =	vmul.f32 v30, v38;
	v1 =	vadd.f32 v9, v1;
	v9 =	vadd.s32 s19, v39  }
0x229: {  	v29 =	vld [tilespmem:$0x1FE70];
	v0 =	vadd.f32 v3, v0;
	v3 =	vmul.f32 v30, v40  }
0x22a: {  	v31 =	vld.idx.msk [tilespmem:v22+s3+$0x0], $0xffff;
	v5 =	vmul.f32 v30, v30;
	v10 =	vmul.f32 v34, v42;
	v2 =	vadd.f32 v7, v2  }
0x22b: {  	v7 =	vadd.s32 s19, v41;
	v1 =	vadd.f32 v3, v1;
	v43 =	vld.idx.msk [tilespmem:v4+s3+$0x0], $0xffff;
	v4 =	vmul.f32 v34, v45  }
0x22c: {  	v62 =	vld [tilespmem:$0x1FE40];
	v46 =	vmul.f32 v34, v34;
	v0 =	vadd.f32 v5, v0;
	v2 =	vadd.f32 v10, v2  }
0x22d: {  	v1 =	vadd.f32 v4, v1;
	v4 =	vadd.s32 s19, v47;
	v48 =	vld.idx.msk [tilespmem:v9+s3+$0x0], $0xffff;
	v9 =	vmul.f32 v8, v49  }
0x22e: {  	v32 =	vld [tilespmem:$0x1FE90];
	v5 =	vmul.f32 v8, v50;
	v0 =	vadd.f32 v46, v0;
	v8 =	vmul.f32 v8, v8  }
0x22f: {  	v33 =	vld [tilespmem:$0x1FEA0];
	v2 =	vadd.f32 v9, v2;
	v9 =	vadd.s32 s19, v51  }
0x230: {  	v7 =	vld.idx.msk [tilespmem:v7+s3+$0x0], $0xffff;
	v1 =	vadd.f32 v5, v1;
	v0 =	vadd.f32 v8, v0;
	v5 =	vmul.f32 v43, v52  }
0x231: {  	v35 =	vld [tilespmem:$0x1FEB0];
	v8 =	vadd.s32 s19, v53;
	v10 =	vmul.f32 v43, v54;
	v3 =	vmul.f32 v43, v43  }
0x232: {  	v2 =	vadd.f32 v5, v2;
	v4 =	vld.idx.msk [tilespmem:v4+s3+$0x0], $0xffff;
	v5 =	vmul.f32 v48, v55  }
0x233: {  	v1 =	vadd.f32 v10, v1;
	v0 =	vadd.f32 v3, v0;
	v3 =	vmul.f32 v48, v56;
	v10 =	vld [tilespmem:$0x1FE50]  }
0x234: {  	v6 =	vmul.f32 v48, v48;
	v2 =	vadd.f32 v5, v2;
	v57 =	vld.idx.msk [tilespmem:v9+s3+$0x0], $0xffff  }
0x235: {  	v36 =	vld [tilespmem:$0x1FEC0];
	v9 =	vmul.f32 v7, v58;
	v1 =	vadd.f32 v3, v1;
	v3 =	vmul.f32 v7, v59  }
0x236: {  	v0 =	vadd.f32 v6, v0;
	v60 =	vld.idx.msk [tilespmem:v8+s3+$0x0], $0xffff;
	v7 =	vmul.f32 v7, v7  }
0x237: {  	v30 =	vld [tilespmem:$0x1FE80];
	v2 =	vadd.f32 v9, v2;
	v1 =	vadd.f32 v3, v1;
	v3 =	vmul.f32 v4, v61  }
0x238: {  	v37 =	vld.idx.msk [tilespmem:v20+s3+$0x0], $0xffff;
	v0 =	vadd.f32 v7, v0;
	v8 =	vmul.f32 v4, v62;
	v4 =	vmul.f32 v4, v4  }
0x239: {  	v42 =	vld [tilespmem:$0x1FF00];
	v2 =	vadd.f32 v3, v2;
	v3 =	vmul.f32 v57, v10  }
0x23a: {  	v38 =	vld [tilespmem:$0x1FED0];
	v1 =	vadd.f32 v8, v1;
	v0 =	vadd.f32 v4, v0;
	v4 =	vmul.f32 v57, v11  }
0x23b: {  	v39 =	vld [tilespmem:$0x1FEE0];
	v5 =	vmul.f32 v57, v57;
	v8 =	vmul.f32 v60, v29;
	v2 =	vadd.f32 v3, v2  }
0x23c: {  	v40 =	vld.idx.msk [tilespmem:v19+s3+$0x0], $0xffff;
	v1 =	vadd.f32 v4, v1;
	v4 =	vmul.f32 v60, v30  }
0x23d: {  	v41 =	vld [tilespmem:$0x1FEF0];
	v6 =	vmul.f32 v60, v60;
	v0 =	vadd.f32 v5, v0;
	v2 =	vadd.f32 v8, v2  }
0x23e: {  	v34 =	vld.idx.msk [tilespmem:v21+s3+$0x0], $0xffff;
	v8 =	vmul.f32 v63, v32;
	v1 =	vadd.f32 v4, v1;
	v4 =	vmul.f32 v63, v33  }
0x23f: {  	v45 =	vld [tilespmem:$0x1FF10];
	v7 =	vmul.f32 v63, v63;
	v0 =	vadd.f32 v6, v0  }
0x240: {  	v50 =	vld.idx.msk [tilespmem:v16+s3+$0x0], $0xffff;
	v2 =	vadd.f32 v8, v2;
	v1 =	vadd.f32 v4, v1;
	v4 =	vmul.f32 v28, v35  }
0x241: {  	v46 =	vld [tilespmem:$0x1FF20];
	v3 =	vmul.f32 v28, v28;
	v8 =	vmul.f32 v28, v36;
	v0 =	vadd.f32 v7, v0  }
0x242: {  	v47 =	vld.idx.msk [tilespmem:v17+s3+$0x0], $0xffff;
	v2 =	vadd.f32 v4, v2;
	v4 =	vmul.f32 v31, v38  }
0x243: {  	v49 =	vld [tilespmem:$0x1FF40];
	v1 =	vadd.f32 v8, v1;
	v0 =	vadd.f32 v3, v0;
	v3 =	vmul.f32 v31, v39  }
0x244: {  	v48 =	vld [tilespmem:$0x1FF30];
	v5 =	vmul.f32 v31, v31;
	v8 =	vmul.f32 v34, v41;
	v2 =	vadd.f32 v4, v2  }
0x245: {  	v51 =	vld [tilespmem:$0x1FF50];
	v1 =	vadd.f32 v3, v1;
	v3 =	vmul.f32 v34, v42  }
0x246: {  	v43 =	vld.idx.msk [tilespmem:v18+s3+$0x0], $0xffff;
	v6 =	vmul.f32 v34, v34;
	v0 =	vadd.f32 v5, v0;
	v2 =	vadd.f32 v8, v2  }
0x247: {  	v52 =	vld [tilespmem:$0x1FF60];
	v8 =	vmul.f32 v37, v45;
	v1 =	vadd.f32 v3, v1;
	v3 =	vmul.f32 v37, v46  }
0x248: {  	v53 =	vld [tilespmem:$0x1FF70];
	v7 =	vmul.f32 v37, v37;
	v0 =	vadd.f32 v6, v0  }
0x249: {  	v54 =	vld [tilespmem:$0x1FF80];
	v2 =	vadd.f32 v8, v2;
	v1 =	vadd.f32 v3, v1;
	v3 =	vmul.f32 v40, v48  }
0x24a: {  	v56 =	vld [tilespmem:$0x1FF90];
	v4 =	vmul.f32 v40, v40;
	v8 =	vmul.f32 v40, v49;
	v0 =	vadd.f32 v7, v0  }
0x24b: {  	v57 =	vld [tilespmem:$0x1FFA0];
	v2 =	vadd.f32 v3, v2;
	v3 =	vmul.f32 v43, v51  }
0x24c: {  	v1 =	vadd.f32 v8, v1;
	v0 =	vadd.f32 v4, v0;
	v4 =	vmul.f32 v43, v52  }
0x24d: {  	v5 =	vmul.f32 v43, v43;
	v2 =	vadd.f32 v3, v2;
	v3 =	vmul.f32 v47, v53  }
0x24e: {  	v55 =	vmul.f32 v47, v47;
	v1 =	vadd.f32 v4, v1;
	v4 =	vmul.f32 v47, v54  }
0x24f: {  	v0 =	vadd.f32 v5, v0;
	v5 =	vmul.f32 v50, v56;
	v2 =	vadd.f32 v3, v2  }
0x250: {  	v1 =	vadd.f32 v4, v1;
	v4 =	vmul.f32 v50, v57  }
0x251: {  	v58 =	vmul.f32 v50, v50;
	v0 =	vadd.f32 v55, v0;
	v2 =	vadd.f32 v5, v2  }
0x252: {  	v1 =	vadd.f32 v4, v1  }
0x253: {  	v0 =	vadd.f32 v58, v0;
	v2 =	vadd.f32 v2, v2  }
0x254: {  	v1 =	vadd.f32 v1, v1  }
0x255: {  	v2 =	vsub.f32 v0, v2  }
0x256: {  	v0 =	vsub.f32 v0, v1  }
0x257: {  	vm2 =	vlt.f32 v2, v14  }
0x258: {  	s18 =	sadd.s32 $0x10, s18;
	vm3 =	vlt.f32 v0, v12;
	v59 =	vsel vm2, v2, v14  }
0x259: {  	v61 =	vor.u32 s18, v25;
	v60 =	vsel vm1, v44, v13;
	v0 =	vsel vm3, v0, v12;
	[tilespmem:$0x6400] =	vst v59  }
0x25a: {  	v62 =	vsel vm0, v44, v15;
	v63 =	vsel vm2, v61, v60;
	[tilespmem:$0x6410] =	vst v0  }
0x25b: {  	v1 =	vsel vm3, v61, v62;
	[tilespmem:$0x6420] =	vst v63  }
0x25c: {  	[tilespmem:$0x6430] =	vst v1  }
0x25d: {  	[spmem:s8] =	stream.linear.scatter [tilespmem:s13], [sflag:$0x1], $0x80, $0x38;
	[tilespmem:$0x6E00] =	vst v63  }
.Ltmp3:
0x25e: {  	_ =	swait.ge [sflag:s11], $0x80;
	(pc) =	sbr.rel @p0 .LBB2_5-.Ltmp3, $3  }
0x25f: {  	[sflag:s11] =	ssyncset.done $0x0  }
0x260: {  	[sflag:s11] =	ssyncadd.s32 $0xFFFFFF80  }
0x261: {  	[bflag:$0x0] =	sbarrier.arrive $0xFFFF;
	_ =	sdelay $0x1  }
0x262: {  	[tilespmem:s14], [sflag:$0x1] =	stream.linear.gather [spmem:s2], $0x800, $0x38;
	[tilespmem:$0x6E00] =	vst v63  }
0x263: {  	_ =	swait.ge [sflag:s11], $0x800  }
0x264: {  	[sflag:s11] =	ssyncset.done $0x0  }
0x265: {  	[sflag:s11] =	ssyncadd.s32 $0xFFFFF800  }
0x266: {  	v0 =	vld [tilespmem:$0x6580]  }
0x267: {  	v1 =	vld [tilespmem:$0x6500];
	_ =	sdelay $0x1  }
0x268: {  	v2 =	vld [tilespmem:$0x6600];
	_ =	sdelay $0x1  }
0x269: {  	v3 =	vld [tilespmem:$0x6680]  }
0x26a: {  	vm0 =	vlt.f32 v0, v1  }
0x26b: {  	v4 =	vld [tilespmem:$0x6700];
	v0 =	vsel vm0, v0, v1  }
0x26c: {  	vm1 =	vlt.f32 v2, v0  }
0x26d: {  	v58 =	vld [tilespmem:$0x6780];
	v0 =	vsel vm1, v2, v0  }
0x26e: {  	vm2 =	vlt.f32 v3, v0  }
0x26f: {  	v59 =	vld [tilespmem:$0x6800];
	v0 =	vsel vm2, v3, v0  }
0x270: {  	vm3 =	vlt.f32 v4, v0  }
0x271: {  	v60 =	vld [tilespmem:$0x6880];
	v0 =	vsel vm3, v4, v0  }
0x272: {  	vm4 =	vlt.f32 v58, v0  }
0x273: {  	v61 =	vld [tilespmem:$0x6900];
	v0 =	vsel vm4, v58, v0  }
0x274: {  	v62 =	vld [tilespmem:$0x6C80];
	vm5 =	vlt.f32 v59, v0  }
0x275: {  	v5 =	vld [tilespmem:$0x6980];
	v0 =	vsel vm5, v59, v0  }
0x276: {  	v63 =	vld [tilespmem:$0x6C00];
	vm6 =	vlt.f32 v60, v0  }
0x277: {  	v6 =	vld [tilespmem:$0x6A00];
	v0 =	vsel vm6, v60, v0  }
0x278: {  	v12 =	vld [tilespmem:$0x6B80];
	vm7 =	vlt.f32 v61, v0  }
0x279: {  	v7 =	vld [tilespmem:$0x6A80];
	v0 =	vsel vm7, v61, v0  }
0x27a: {  	v13 =	vld [tilespmem:$0x6B00];
	vm8 =	vlt.f32 v5, v0  }
0x27b: {  	v14 =	vld [tilespmem:$0x6CA0];
	v0 =	vsel vm8, v5, v0  }
0x27c: {  	v8 =	vld [tilespmem:$0x65A0];
	vm9 =	vlt.f32 v6, v0  }
0x27d: {  	v15 =	vld [tilespmem:$0x6520];
	v0 =	vsel vm9, v6, v0  }
0x27e: {  	v9 =	vld [tilespmem:$0x6620];
	vm10 =	vlt.f32 v7, v0  }
0x27f: {  	v16 =	vld [tilespmem:$0x66A0];
	v0 =	vsel vm10, v7, v0  }
0x280: {  	v10 =	vld [tilespmem:$0x6720];
	vm11 =	vlt.f32 v13, v0  }
0x281: {  	v17 =	vld [tilespmem:$0x67A0];
	v0 =	vsel vm11, v13, v0  }
0x282: {  	v11 =	vld [tilespmem:$0x6820];
	v6 =	vsel vm0, v8, v15;
	vm12 =	vlt.f32 v12, v0  }
0x283: {  	v18 =	vld [tilespmem:$0x68A0];
	v6 =	vsel vm1, v9, v6;
	v0 =	vsel vm12, v12, v0  }
0x284: {  	v19 =	vld [tilespmem:$0x6920];
	v6 =	vsel vm2, v16, v6;
	vm14 =	vlt.f32 v63, v0  }
0x285: {  	v20 =	vld [tilespmem:$0x69A0];
	v6 =	vsel vm3, v10, v6;
	v0 =	vsel vm14, v63, v0  }
0x286: {  	v21 =	vld [tilespmem:$0x6A20];
	v4 =	vsel vm4, v17, v6;
	vm15 =	vlt.f32 v62, v0  }
0x287: {  	v22 =	vld [tilespmem:$0x6AA0];
	v4 =	vsel vm5, v11, v4;
	v0 =	vsel vm15, v62, v0  }
0x288: {  	v23 =	vld [tilespmem:$0x6B20];
	v3 =	vsel vm6, v18, v4;
	(xrf0) =	vmin.scan.msk.f32 $0xffff, v0  }
0x289: {  	v28 =	vld [tilespmem:$0x6BA0];
	v3 =	vsel vm7, v19, v3  }
0x28a: {  	v29 =	vld [tilespmem:$0x6C20];
	v2 =	vsel vm8, v20, v3  }
0x28b: {  	v30 =	vld [tilespmem:$0x6590];
	v2 =	vsel vm9, v21, v2  }
0x28c: {  	v31 =	vld [tilespmem:$0x6510];
	v1 =	vsel vm10, v22, v2  }
0x28d: {  	v1 =	vsel vm11, v23, v1  }
0x28e: {  	v33 =	vld [tilespmem:$0x6610];
	v1 =	vsel vm12, v28, v1;
	v32, _, _ =	vpop (xrf0)  }
0x28f: {  	v1 =	vsel vm14, v29, v1;
	v6 =	vbroadcast v32, $0xF  }
0x290: {  	v34 =	vld [tilespmem:$0x6690];
	v1 =	vsel vm15, v14, v1  }
0x291: {  	vm0 =	vlt.f32 v30, v31;
	v35 =	vxor.u32 $0x80000000, v1;
	vm12 =	veq.f32 v0, v6  }
0x292: {  	v37 =	vld [tilespmem:$0x6710];
	v2 =	vsel vm0, v30, v31;
	v0 =	vnsel vm12, $0x80002000, v35  }
0x293: {  	v36 =	vld [tilespmem:$0x6C90];
	vm1 =	vlt.f32 v33, v2;
	(xrf0) =	vmin.scan.msk.u32 $0xffff, v0  }
0x294: {  	v39 =	vld [tilespmem:$0x6790];
	v2 =	vsel vm1, v33, v2  }
0x295: {  	v38 =	vld [tilespmem:$0x6C10];
	vm2 =	vlt.f32 v34, v2  }
0x296: {  	v41 =	vld [tilespmem:$0x6810];
	v2 =	vsel vm2, v34, v2  }
0x297: {  	v40 =	vld [tilespmem:$0x6B90];
	vm3 =	vlt.f32 v37, v2  }
0x298: {  	v43 =	vld [tilespmem:$0x6890];
	v2 =	vsel vm3, v37, v2  }
0x299: {  	v42 =	vld [tilespmem:$0x6B10];
	vm4 =	vlt.f32 v39, v2;
	v44, _, _ =	vpop (xrf0)  }
0x29a: {  	v46 =	vld [tilespmem:$0x6910];
	v2 =	vsel vm4, v39, v2;
	(v2sf) =	vpush v44, $0xF  }
0x29b: {  	v45 =	vld [tilespmem:$0x6A90];
	vm5 =	vlt.f32 v41, v2  }
0x29c: {  	v48 =	vld [tilespmem:$0x6990];
	v2 =	vsel vm5, v41, v2  }
0x29d: {  	v47 =	vld [tilespmem:$0x6A10];
	vm6 =	vlt.f32 v43, v2  }
0x29e: {  	v49 =	vld [tilespmem:$0x6CB0];
	v2 =	vsel vm6, v43, v2  }
0x29f: {  	v50 =	vld [tilespmem:$0x6C30];
	vm7 =	vlt.f32 v46, v2  }
0x2a0: {  	v51 =	vld [tilespmem:$0x6BB0];
	v2 =	vsel vm7, v46, v2  }
0x2a1: {  	v52 =	vld [tilespmem:$0x6AB0];
	vm8 =	vlt.f32 v48, v2  }
0x2a2: {  	v53 =	vld [tilespmem:$0x65B0];
	v2 =	vsel vm8, v48, v2  }
0x2a3: {  	v54 =	vld [tilespmem:$0x6630];
	vm9 =	vlt.f32 v47, v2  }
0x2a4: {  	v14 =	vld [tilespmem:$0x6530];
	v2 =	vsel vm9, v47, v2  }
0x2a5: {  	v55 =	vld [tilespmem:$0x6730];
	vm10 =	vlt.f32 v45, v2  }
0x2a6: {  	v15 =	vld [tilespmem:$0x66B0];
	v2 =	vsel vm10, v45, v2  }
0x2a7: {  	v56 =	vld [tilespmem:$0x6830];
	vm11 =	vlt.f32 v42, v2  }
0x2a8: {  	v16 =	vld [tilespmem:$0x67B0];
	v2 =	vsel vm11, v42, v2  }
0x2a9: {  	v57 =	vld [tilespmem:$0x68B0];
	v10 =	vsel vm0, v53, v14;
	vm12 =	vlt.f32 v40, v2;
	s18 =	spop (v2sf)  }
0x2aa: {  	v58 =	vld [tilespmem:$0x6930];
	v3 =	vsel vm1, v54, v10;
	v2 =	vsel vm12, v40, v2;
	s18 =	sshll.u32 s18, $0x4  }
0x2ab: {  	v59 =	vld [tilespmem:$0x69B0];
	v3 =	vsel vm2, v15, v3;
	vm13 =	vlt.f32 v38, v2;
	s18 =	sand.u32 $0x1FFFFFF0, s18  }
0x2ac: {  	v13 =	vld [tilespmem:$0x6A30];
	v60 =	vsel vm3, v55, v3;
	v0 =	vsel vm13, v38, v2;
	s18 =	sadd.s32 s4, s18  }
0x2ad: {  	v12 =	vld [tilespmem:$0x6B30];
	v2 =	vsel vm4, v16, v60;
	vm14 =	vlt.f32 v36, v0;
	[tilespmem:s15], [sflag:$0x1] =	stream.linear.gather [hbm4b:s18+s3], $0x80, $0x38  }
0x2ae: {  	v61 =	vsel vm5, v56, v2;
	v0 =	vsel vm14, v36, v0;
	_ =	swait.ge [sflag:s11], $0x80  }
0x2af: {  	v1 =	vsel vm6, v57, v61;
	(xrf0) =	vmin.scan.msk.f32 $0xffff, v0  }
0x2b0: {  	v1 =	vsel vm7, v58, v1  }
0x2b1: {  	v1 =	vsel vm8, v59, v1  }
0x2b2: {  	v1 =	vsel vm9, v13, v1  }
0x2b3: {  	v1 =	vsel vm10, v52, v1  }
0x2b4: {  	v1 =	vsel vm11, v12, v1  }
0x2b5: {  	v1 =	vsel vm12, v51, v1;
	v62, _, _ =	vpop (xrf0)  }
0x2b6: {  	v1 =	vsel vm13, v50, v1;
	v2 =	vbroadcast v62, $0xF  }
0x2b7: {  	v1 =	vsel vm14, v49, v1  }
0x2b8: {  	v63 =	vxor.u32 $0x80000000, v1;
	vm15 =	veq.f32 v0, v2  }
0x2b9: {  	v0 =	vnsel vm15, $0x80002000, v63  }
0x2ba: {  	(xrf0) =	vmin.scan.msk.u32 $0xffff, v0;
	_ =	sdelay $0x5  }
0x2bb: {  	v0, _, _ =	vpop (xrf0)  }
0x2bc: {  	(v2sf) =	vpush v0, $0xF;
	_ =	sdelay $0xe  }
0x2bd: {  	s31 =	spop (v2sf)  }
0x2be: {  	s18 =	sshll.u32 s31, $0x4  }
0x2bf: {  	[sflag:s11] =	ssyncset.done $0x0;
	s18 =	sand.u32 $0x1FFFFFF0, s18  }
0x2c0: {  	[sflag:s11] =	ssyncadd.s32 $0xFFFFFF80;
	s18 =	sadd.s32 s4, s18  }
0x2c1: {  	[tilespmem:s16], [sflag:$0x1] =	stream.linear.gather [hbm4b:s18+s3], $0x80, $0x38;
	[tilespmem:$0x6E00] =	vst v63  }
0x2c2: {  	_ =	swait.ge [sflag:s11], $0x80  }
0x2c3: {  	[sflag:s11] =	ssyncset.done $0x0  }
.Ltmp4:
0x2c4: {  	[sflag:s11] =	ssyncadd.s32 $0xFFFFFF80;
	(pc) =	sbr.rel .LBB2_5-.Ltmp4, $4  }
0x2c5: {  	[hbm4b:s9+s3] =	stream.linear.scatter [tilespmem:s15], [sflag:$0x1], $0x100, $0x38;
	[tilespmem:$0x6E00] =	vst v63  }
0x2c6: {  	_ =	swait.ge [sflag:s11], $0x100  }
0x2c7: {  	[sflag:s11] =	ssyncset.done $0x0  }
0x2c8: {  	[sflag:s11] =	ssyncadd.s32 $0xFFFFFF00  }
.LBB2_6:
0x2c9: {  	_ =	sfence.sel $0x180000  }
0x2ca: {  	[bflag:$0x0] =	sbarrier.arrive $0xFFFF  }
0x2cb: {  	_ =	strace $0x90000047  }
0x2cc: {  	s0 =	sadd.s32 @!p0 $0x100000, s0;
	[bflag:$0x2] =	sbarrier.arrive $0xFFFF  }
0x2cd: {  	[sflag:s0] =	ssyncadd.tile.s32 @!p0 $0x1;
	_ =	shalt  }
.Lfunc_end2:
_tile_overlayer_lowered:
.L_overlay_start_2:
0x2ce: {  	(tag) =	ssettag $0x2  }
0x2cf: {  	s0 =	rddreg [dreg:$0x0];
	s2 =	stileid.u32  }
0x2d0: {  	s1 =	rddreg [dreg:$0x1];
	p0 =	sne.s32 s2, $0x0  }
0x2d1: {  	s3 =	rddreg [dreg:$0x2];
	[bflag:$0x3] =	sbarrier.arrive $0xFFFF;
	s2 =	simm.s32 @!p0 $0x1C01  }
0x2d2: {  	[timem:s3], [sflag:s2] =	dma.local @!p0 [hbm:s0], s1  }
0x2d3: {  	s0 =	simm.s32 @!p0 $0x1  }
0x2d4: {  	_ =	swait.ge @!p0 [sflag:s0], s1  }
0x2d5: {  	s1 =	ssub.s32 @!p0 $0x0, s1;
	[sflag:s0] =	ssyncset.done @!p0 $0x0  }
0x2d6: {  	[sflag:s0] =	ssyncadd.s32 @!p0 s1  }
0x2d7: {  	[bflag:$0x3] =	sbarrier.arrive $0xFFFF  }
0x2d8: {  	_ =	shalt  }

</sc_bundles>
